<compile_context>
chip_gen: v7x
topology: tpu7x:2x2x1
jax: 0.10.2.dev20260603
libtpu: 0.0.44.dev20260713+nightly
codegen_flags: <defaults>
</compile_context>

<pallas_src>
import functools

import jax
import jax.numpy as jnp
from jax import lax
from jax.experimental import pallas as pl
from jax.experimental.pallas import tpu as pltpu
from jax.experimental.pallas import tpu_sc as plsc

N = 10000
E = 320000
DIN = 128
D = 512
NLAYERS = 3
G = 64
NCLS = 10
EPS = 1e-7

NCHUNK = 4
CW = 128
NPAD = 10240
NTILE = 16
EPAD = 327680
NSTG = 10
SB = 32
BB = 64
CNB = 160
DEPTH = 4
BR = 1000
RB = N // BR


def _spmm_body(mt_hbm, srcs_hbm, dst_hbm, zeros_hbm, out_hbm,
               srcb0, srcb1, dstb0, dstb1, rb0, rb1, rb2, rb3, acc,
               isem0, isem1, g0, g1, g2, g3, s0, s1, s2, s3):
    core = lax.axis_index("c")
    tile = lax.axis_index("s")
    srcb = (srcb0, srcb1)
    dstb = (dstb0, dstb1)
    rb = (rb0, rb1, rb2, rb3)
    isem = (isem0, isem1)
    gsem = (g0, g1, g2, g3)
    ssem = (s0, s1, s2, s3)

    rows_per_tile = NPAD // NTILE
    base = tile * rows_per_tile

    def _chunk(j, carry0):
        chunk = core * (NCHUNK // 2) + j

        pltpu.sync_copy(zeros_hbm.at[pl.ds(base, rows_per_tile)],
                        acc.at[pl.ds(base, rows_per_tile)])
        plsc.subcore_barrier()

        pltpu.async_copy(srcs_hbm.at[chunk, tile, 0], srcb[0], isem[0])
        pltpu.async_copy(dst_hbm.at[tile, 0], dstb[0], isem[0])

        def _spair(sp, carry1):
            for par in range(2):
                s = sp * 2 + par

                @pl.when(s + 1 < NSTG)
                def _():
                    pltpu.async_copy(srcs_hbm.at[chunk, tile, s + 1],
                                     srcb[1 - par], isem[1 - par])
                    pltpu.async_copy(dst_hbm.at[tile, s + 1],
                                     dstb[1 - par], isem[1 - par])

                pltpu.make_async_copy(srcs_hbm.at[chunk, tile, 0],
                                      srcb[par], isem[par]).wait()
                pltpu.make_async_copy(dst_hbm.at[tile, 0],
                                      dstb[par], isem[par]).wait()

                for b0 in range(2):
                    pltpu.async_copy(mt_hbm.at[srcb[par].at[b0]],
                                     rb[b0], gsem[b0])

                def _mainq(q, carry2):
                    for u in range(DEPTH):
                        b = q * DEPTH + u
                        k = u
                        k2 = (u + 2) % DEPTH

                        @pl.when((b >= 2) & (b + 2 < SB))
                        def _():
                            pltpu.make_async_copy(
                                rb[k2], acc.at[pl.ds(0, BB)],
                                ssem[k2]).wait()

                        @pl.when(b + 2 < SB)
                        def _():
                            pltpu.async_copy(mt_hbm.at[srcb[par].at[b + 2]],
                                             rb[k2], gsem[k2])

                        pltpu.make_async_copy(mt_hbm.at[pl.ds(0, BB)],
                                              rb[k], gsem[k]).wait()
                        pltpu.async_copy(rb[k], acc.at[dstb[par].at[b]],
                                         ssem[k], add=True)
                    return carry2
                lax.fori_loop(0, SB // DEPTH, _mainq, 0)

                for k in range(DEPTH):
                    pltpu.make_async_copy(rb[k], acc.at[pl.ds(0, BB)],
                                          ssem[k]).wait()
            return carry1
        lax.fori_loop(0, NSTG // 2, _spair, 0)
        plsc.subcore_barrier()

        pltpu.sync_copy(acc.at[pl.ds(base, rows_per_tile)],
                        out_hbm.at[pl.ds(chunk * NPAD + base, rows_per_tile)])
        plsc.subcore_barrier()
        return carry0
    lax.fori_loop(0, NCHUNK // 2, _chunk, 0)


def _counts_body(dst_hbm, out_hbm, dst_v, cnt_v, tmp_v, accu_v, cnt_sh):
    core = lax.axis_index("c")
    tile = lax.axis_index("s")
    seg = NPAD // NTILE

    @pl.when(core == 0)
    def _():
        pltpu.sync_copy(dst_hbm.at[tile], dst_v)
        zv = jnp.zeros((16,), jnp.float32)

        def _z(i, carry):
            cnt_v[pl.ds(i * 16, 16)] = zv
            return carry
        lax.fori_loop(0, NPAD // 16, _z, 0)

        ones = jnp.ones((16,), jnp.float32)

        def _sc(r, carry):
            for k in range(128 // 16):
                idx = dst_v[r, pl.ds(k * 16, 16)]
                plsc.addupdate_scatter(cnt_v, [idx], ones)
            return carry
        lax.fori_loop(0, CNB, _sc, 0)

        pltpu.sync_copy(cnt_v, cnt_sh.at[tile])
        plsc.subcore_barrier()

        def _z2(i, carry):
            accu_v[pl.ds(i * 16, 16)] = zv
            return carry
        lax.fori_loop(0, seg // 16, _z2, 0)

        def _merge(i, carry):
            pltpu.sync_copy(cnt_sh.at[i, pl.ds(tile * seg, seg)], tmp_v)

            def _add(k, c2):
                accu_v[pl.ds(k * 16, 16)] = (
                    accu_v[pl.ds(k * 16, 16)] + tmp_v[pl.ds(k * 16, 16)])
                return c2
            lax.fori_loop(0, seg // 16, _add, 0)
            return carry
        lax.fori_loop(0, NTILE, _merge, 0)

        pltpu.sync_copy(accu_v, out_hbm.at[pl.ds(tile * seg, seg)])


@functools.lru_cache(maxsize=None)
def _sc_kernels():
    mesh = plsc.VectorSubcoreMesh(core_axis_name="c", subcore_axis_name="s")
    params = pltpu.CompilerParams(needs_layout_passes=False)
    spmm = pl.kernel(
        _spmm_body,
        out_type=jax.ShapeDtypeStruct((NCHUNK * NPAD, CW), jnp.float32),
        mesh=mesh,
        compiler_params=params,
        scratch_types=[
            pltpu.VMEM((SB, BB), jnp.int32),
            pltpu.VMEM((SB, BB), jnp.int32),
            pltpu.VMEM((SB, BB), jnp.int32),
            pltpu.VMEM((SB, BB), jnp.int32),
            pltpu.VMEM((BB, CW), jnp.float32),
            pltpu.VMEM((BB, CW), jnp.float32),
            pltpu.VMEM((BB, CW), jnp.float32),
            pltpu.VMEM((BB, CW), jnp.float32),
            pltpu.VMEM_SHARED((NPAD, CW), jnp.float32),
            pltpu.SemaphoreType.DMA,
            pltpu.SemaphoreType.DMA,
            pltpu.SemaphoreType.DMA,
            pltpu.SemaphoreType.DMA,
            pltpu.SemaphoreType.DMA,
            pltpu.SemaphoreType.DMA,
            pltpu.SemaphoreType.DMA,
            pltpu.SemaphoreType.DMA,
            pltpu.SemaphoreType.DMA,
            pltpu.SemaphoreType.DMA,
        ],
    )
    counts = pl.kernel(
        _counts_body,
        out_type=jax.ShapeDtypeStruct((NPAD,), jnp.float32),
        mesh=mesh,
        compiler_params=params,
        scratch_types=[
            pltpu.VMEM((CNB, 128), jnp.int32),
            pltpu.VMEM((NPAD,), jnp.float32),
            pltpu.VMEM((NPAD // NTILE,), jnp.float32),
            pltpu.VMEM((NPAD // NTILE,), jnp.float32),
            pltpu.VMEM_SHARED((NTILE, NPAD), jnp.float32),
        ],
    )
    return spmm, counts


def _spmm(mt_flat, srcs4, dstr, zeros):
    return _sc_kernels()[0](mt_flat, srcs4, dstr, zeros)


def _counts(dstr):
    return _sc_kernels()[1](dstr)



def _msg_chunks(h, pval, mt_ref):
    m = jnp.clip(jnp.maximum(h, 0.0) + EPS, EPS, 1e4)
    m = jnp.exp(pval * jnp.log(m))
    for c in range(NCHUNK):
        mt_ref[c] = m[:, c * CW:(c + 1) * CW]


def _pre0(x, lin0_w, lin0_b, p):
    def body(x_ref, w_ref, b_ref, p_ref, h_ref, mt_ref):
        h = jnp.dot(x_ref[...], w_ref[...],
                    preferred_element_type=jnp.float32) + b_ref[...]
        h_ref[...] = h
        _msg_chunks(h, p_ref[0], mt_ref)

    return pl.pallas_call(
        body,
        grid=(RB,),
        in_specs=[
            pl.BlockSpec((BR, DIN), lambda i: (i, 0)),
            pl.BlockSpec((DIN, D), lambda i: (0, 0)),
            pl.BlockSpec((1, D), lambda i: (0, 0)),
            pl.BlockSpec(memory_space=pltpu.SMEM),
        ],
        out_specs=[
            pl.BlockSpec((BR, D), lambda i: (i, 0)),
            pl.BlockSpec((NCHUNK, BR, CW), lambda i: (0, i, 0)),
        ],
        out_shape=[
            jax.ShapeDtypeStruct((N, D), jnp.float32),
            jax.ShapeDtypeStruct((NCHUNK, NPAD, CW), jnp.float32),
        ],
    )(x, lin0_w, lin0_b.reshape(1, D), p)


def _mid(h, accv, cnt2, pl_, scale, w, b):
    def body(h_ref, a_ref, c_ref, p_ref, s_ref, w_ref, b_ref,
             y_ref, s1_ref, s2_ref):
        i = pl.program_id(0)
        agg = jnp.concatenate([a_ref[c] for c in range(NCHUNK)], axis=1)
        mean = agg / jnp.maximum(c_ref[...], 1.0)
        a = jnp.clip(mean, EPS, 1e4)
        a = jnp.exp(jnp.log(a) / p_ref[0])
        an = jnp.sqrt(jnp.sum(a * a, axis=1, keepdims=True))
        mn = a / jnp.maximum(an, 1e-12)
        h = h_ref[...]
        xn = jnp.sqrt(jnp.sum(h * h, axis=1, keepdims=True))
        out = h + mn * xn * s_ref[0]
        y = jnp.dot(out, w_ref[...],
                    preferred_element_type=jnp.float32) + b_ref[...]
        y_ref[...] = y

        @pl.when(i == 0)
        def _():
            s1_ref[...] = jnp.zeros_like(s1_ref)
            s2_ref[...] = jnp.zeros_like(s2_ref)
        s1_ref[...] += jnp.sum(y, axis=0, keepdims=True)
        s2_ref[...] += jnp.sum(y * y, axis=0, keepdims=True)

    return pl.pallas_call(
        body,
        grid=(RB,),
        in_specs=[
            pl.BlockSpec((BR, D), lambda i: (i, 0)),
            pl.BlockSpec((NCHUNK, BR, CW), lambda i: (0, i, 0)),
            pl.BlockSpec((BR, 1), lambda i: (i, 0)),
            pl.BlockSpec(memory_space=pltpu.SMEM),
            pl.BlockSpec(memory_space=pltpu.SMEM),
            pl.BlockSpec((D, D), lambda i: (0, 0)),
            pl.BlockSpec((1, D), lambda i: (0, 0)),
        ],
        out_specs=[
            pl.BlockSpec((BR, D), lambda i: (i, 0)),
            pl.BlockSpec((1, D), lambda i: (0, 0)),
            pl.BlockSpec((1, D), lambda i: (0, 0)),
        ],
        out_shape=[
            jax.ShapeDtypeStruct((N, D), jnp.float32),
            jax.ShapeDtypeStruct((1, D), jnp.float32),
            jax.ShapeDtypeStruct((1, D), jnp.float32),
        ],
    )(h, accv, cnt2, pl_, scale, w, b)


def _bnrelu(y, mu, iv, g, bb, pn_):
    def body(y_ref, mu_ref, iv_ref, g_ref, b_ref, p_ref, h_ref, mt_ref):
        h = jnp.maximum(
            (y_ref[...] - mu_ref[...]) * iv_ref[...] * g_ref[...]
            + b_ref[...], 0.0)
        h_ref[...] = h
        _msg_chunks(h, p_ref[0], mt_ref)

    return pl.pallas_call(
        body,
        grid=(RB,),
        in_specs=[
            pl.BlockSpec((BR, D), lambda i: (i, 0)),
            pl.BlockSpec((1, D), lambda i: (0, 0)),
            pl.BlockSpec((1, D), lambda i: (0, 0)),
            pl.BlockSpec((1, D), lambda i: (0, 0)),
            pl.BlockSpec((1, D), lambda i: (0, 0)),
            pl.BlockSpec(memory_space=pltpu.SMEM),
        ],
        out_specs=[
            pl.BlockSpec((BR, D), lambda i: (i, 0)),
            pl.BlockSpec((NCHUNK, BR, CW), lambda i: (0, i, 0)),
        ],
        out_shape=[
            jax.ShapeDtypeStruct((N, D), jnp.float32),
            jax.ShapeDtypeStruct((NCHUNK, NPAD, CW), jnp.float32),
        ],
    )(y, mu, iv, g, bb, pn_)


def _pool(hs, bcol, brow, blo, bhi):
    def body(hs_ref, bc_ref, br_ref, blo_ref, bhi_ref,
             gs_ref, gm_ref, gc_ref):
        i = pl.program_id(0)
        hj = jnp.maximum(jnp.maximum(hs_ref[0], hs_ref[1]), hs_ref[2])

        @pl.when(i == 0)
        def _():
            gs_ref[...] = jnp.zeros_like(gs_ref)
            gm_ref[...] = jnp.zeros_like(gm_ref)
            gc_ref[...] = jnp.zeros_like(gc_ref)

        oh = (br_ref[0] ==
              lax.broadcasted_iota(jnp.int32, (G, BR), 0)).astype(jnp.float32)
        gs_ref[...] += lax.dot_general(
            oh, hj, (((1,), (0,)), ((), ())),
            preferred_element_type=jnp.float32)
        gc_ref[...] += lax.dot_general(
            oh, jnp.ones((BR, 1), jnp.float32), (((1,), (0,)), ((), ())),
            preferred_element_type=jnp.float32)

        bc = bc_ref[...]
        lo = blo_ref[i]
        hi = bhi_ref[i]

        def upd(gid, carry):
            vals = jnp.where(bc == gid, hj, 0.0)
            mg = jnp.max(vals, axis=0, keepdims=True)
            cur = gm_ref[pl.ds(gid, 1), :]
            gm_ref[pl.ds(gid, 1), :] = jnp.maximum(cur, mg)
            return carry
        lax.fori_loop(lo, hi + 1, upd, 0)

    return pl.pallas_call(
        body,
        grid=(RB,),
        in_specs=[
            pl.BlockSpec((NLAYERS, BR, D), lambda i: (0, i, 0)),
            pl.BlockSpec((BR, 1), lambda i: (i, 0)),
            pl.BlockSpec((1, 1, BR), lambda i: (i, 0, 0)),
            pl.BlockSpec(memory_space=pltpu.SMEM),
            pl.BlockSpec(memory_space=pltpu.SMEM),
        ],
        out_specs=[
            pl.BlockSpec((G, D), lambda i: (0, 0)),
            pl.BlockSpec((G, D), lambda i: (0, 0)),
            pl.BlockSpec((G, 1), lambda i: (0, 0)),
        ],
        out_shape=[
            jax.ShapeDtypeStruct((G, D), jnp.float32),
            jax.ShapeDtypeStruct((G, D), jnp.float32),
            jax.ShapeDtypeStruct((G, 1), jnp.float32),
        ],
    )(hs, bcol, brow, blo, bhi)


def _head(gs, gm, gc, w1, b1, g4, b4, w2p, b2p):
    def body(gs_ref, gm_ref, gc_ref, w1_ref, b1_ref, g4_ref, b4_ref,
             w2_ref, b2_ref, o_ref):
        gmean = gs_ref[...] / jnp.maximum(gc_ref[...], 1.0)
        gx = jnp.concatenate([gm_ref[...], gmean], axis=1)
        z = jnp.dot(gx, w1_ref[...],
                    preferred_element_type=jnp.float32) + b1_ref[...]
        m = jnp.mean(z, axis=0, keepdims=True)
        v = jnp.mean((z - m) ** 2, axis=0, keepdims=True)
        z = (z - m) / jnp.sqrt(v + 1e-5) * g4_ref[...] + b4_ref[...]
        z = jnp.maximum(z, 0.0)
        o_ref[...] = jnp.dot(z, w2_ref[...],
                             preferred_element_type=jnp.float32) + b2_ref[...]

    return pl.pallas_call(
        body,
        out_shape=jax.ShapeDtypeStruct((G, 128), jnp.float32),
    )(gs, gm, gc, w1, b1, g4, b4, w2p, b2p)



def kernel(x, edge_index, batch, lin0_w, lin0_b, p, msn_scale, mlp_w, mlp_b,
           bn_g, bn_b, fc1_w, fc1_b, bn4_g, bn4_b, fc2_w, fc2_b):
    src = edge_index[0]
    dst = edge_index[1]
    padn = EPAD - E
    src_p = jnp.concatenate([src, jnp.zeros((padn,), jnp.int32)])
    dst_p = jnp.concatenate([dst, jnp.full((padn,), N, jnp.int32)])
    srcs4 = (src_p[None, :]
             + (jnp.arange(NCHUNK, dtype=jnp.int32) * NPAD)[:, None]
             ).reshape(NCHUNK, NTILE, NSTG, SB, BB)
    dstr = dst_p.reshape(NTILE, NSTG, SB, BB)
    dstc = dst_p.reshape(NTILE, CNB, 128)
    zeros = jnp.zeros((NPAD, CW), jnp.float32)

    cnt2 = _counts(dstc).reshape(NPAD, 1)

    bcol = batch.reshape(N, 1)
    brow = batch.reshape(RB, 1, BR)
    blo = batch[::BR]
    bhi = batch[BR - 1::BR]

    h, mt = _pre0(x, lin0_w, lin0_b, p)

    xs = (
        p.reshape(NLAYERS, 1),
        jnp.stack([p[1], p[2], p[2]]).reshape(NLAYERS, 1),
        msn_scale.reshape(NLAYERS, 1),
        mlp_w,
        mlp_b.reshape(NLAYERS, 1, D),
        bn_g.reshape(NLAYERS, 1, D),
        bn_b.reshape(NLAYERS, 1, D),
    )

    def layer(carry, x_l):
        h, mt = carry
        pl_, pn_, sc_, w_, b_, g_, bb_ = x_l
        acc = _spmm(mt.reshape(NCHUNK * NPAD, CW), srcs4, dstr, zeros
                    ).reshape(NCHUNK, NPAD, CW)
        y, s1, s2 = _mid(h, acc, cnt2, pl_, sc_, w_, b_)
        mu = s1 / N
        var = s2 / N - mu * mu
        iv = 1.0 / jnp.sqrt(var + 1e-5)
        h2, mt2 = _bnrelu(y, mu, iv, g_, bb_, pn_)
        return (h2, mt2), h2

    _, hs = lax.scan(layer, (h, mt), xs)

    gs, gm, gc = _pool(hs, bcol, brow, blo, bhi)

    out = _head(gs, gm, gc, fc1_w, fc1_b.reshape(1, D),
                bn4_g.reshape(1, D), bn4_b.reshape(1, D),
                jnp.pad(fc2_w, ((0, 0), (0, 128 - NCLS))),
                jnp.pad(fc2_b, (0, 128 - NCLS)).reshape(1, 128))
    return out[:, :NCLS]

# --- scband reference (transcript-rebuilt; emitter-appended) ---
"""Pipeline reference for scband-net-17514876633627 (READ-ONLY COPY).

The authoritative reference and input builder live on the scoring server;
editing this copy changes nothing except your own understanding.
"""

import jax, jax.numpy as jnp
import numpy as np

NUM_NODES = 10000
NUM_EDGES = 320000
D_IN = 128
D = 512
NUM_LAYERS = 3
NUM_GRAPHS = 64
NUM_CLASSES = 10
EPS = 1e-7


def setup_inputs(seed: int = 0):
    key = jax.random.key(seed)
    ks = jax.random.split(key, 16)
    inp = {}
    inp['x'] = jax.random.normal(ks[0], (NUM_NODES, D_IN), dtype=jnp.float32)
    inp['edge_index'] = jax.random.randint(ks[1], (2, NUM_EDGES), 0, NUM_NODES, dtype=jnp.int32)
    inp['batch'] = jnp.sort(jax.random.randint(ks[2], (NUM_NODES,), 0, NUM_GRAPHS, dtype=jnp.int32))
    inp['lin0_w'] = jax.random.normal(ks[3], (D_IN, D), dtype=jnp.float32) * 0.05
    inp['lin0_b'] = jnp.zeros((D,), dtype=jnp.float32)
    inp['p'] = jnp.ones((NUM_LAYERS,), dtype=jnp.float32)
    inp['msn_scale'] = jnp.ones((NUM_LAYERS,), dtype=jnp.float32)
    inp['mlp_w'] = jax.random.normal(ks[4], (NUM_LAYERS, D, D), dtype=jnp.float32) * 0.05
    inp['mlp_b'] = jnp.zeros((NUM_LAYERS, D), dtype=jnp.float32)
    inp['bn_g'] = jnp.ones((NUM_LAYERS, D), dtype=jnp.float32)
    inp['bn_b'] = jnp.zeros((NUM_LAYERS, D), dtype=jnp.float32)
    inp['fc1_w'] = jax.random.normal(ks[5], (2 * D, D), dtype=jnp.float32) * 0.05
    inp['fc1_b'] = jnp.zeros((D,), dtype=jnp.float32)
    inp['bn4_g'] = jnp.ones((D,), dtype=jnp.float32)
    inp['bn4_b'] = jnp.zeros((D,), dtype=jnp.float32)
    inp['fc2_w'] = jax.random.normal(ks[6], (D, NUM_CLASSES), dtype=jnp.float32) * 0.05
    inp['fc2_b'] = jnp.zeros((NUM_CLASSES,), dtype=jnp.float32)
    return inp


def _segment_mean(data, ids, num):
    s = jax.ops.segment_sum(data, ids, num_segments=num)
    cnt = jax.ops.segment_sum(jnp.ones((data.shape[0], 1), data.dtype), ids, num_segments=num)
    return s / jnp.clip(cnt, 1.0, None)


def _batch_norm(x, g, b):
    m = x.mean(axis=0)
    v = x.var(axis=0)
    return (x - m) / jnp.sqrt(v + 1e-5) * g + b


def _gen_conv(h, src, dst, p, scale, w, b, lin_w=None, lin_b=None):
    # GENConv(aggr='power', p learnable, msg_norm=True, num_layers=1)
    if lin_w is not None:
        h = h @ lin_w + lin_b
    # message: relu(x_j) + eps
    msg = jax.nn.relu(h[src]) + EPS
    # PowerMeanAggregation with tensor p: clamp -> pow(p) -> mean -> clamp -> pow(1/p)
    msg = jnp.clip(msg, EPS, 1e4) ** p
    agg = _segment_mean(msg, dst, h.shape[0])
    agg = jnp.clip(agg, EPS, 1e4) ** (1.0 / p)
    # MessageNorm: F.normalize(msg) * ||x||_2 * scale, then residual
    mn = agg / jnp.clip(jnp.linalg.norm(agg, axis=-1, keepdims=True), 1e-12, None)
    xn = jnp.linalg.norm(h, axis=-1, keepdims=True)
    out = h + mn * xn * scale
    # internal MLP with num_layers=1 is a single Linear
    return out @ w + b


def _forward(x, edge_index, batch, lin0_w, lin0_b, p, msn_scale, mlp_w, mlp_b, bn_g, bn_b, fc1_w, fc1_b, bn4_g, bn4_b, fc2_w, fc2_b):
    src, dst = edge_index[0], edge_index[1]
    reps = []
    h = x
    for i in range(NUM_LAYERS):
        if i == 0:
            h = _gen_conv(h, src, dst, p[i], msn_scale[i], mlp_w[i], mlp_b[i], lin0_w, lin0_b)
        else:
            h = _gen_conv(h, src, dst, p[i], msn_scale[i], mlp_w[i], mlp_b[i])
        h = _batch_norm(h, bn_g[i], bn_b[i])
        h = jax.nn.relu(h)
        reps.append(h)
    # JumpingKnowledge(mode='max')
    h = reps[0]
    for r in reps[1:]:
        h = jnp.maximum(h, r)
    # global max / mean pool over graph ids
    ones = jnp.ones((h.shape[0],), h.dtype)
    cnt = jax.ops.segment_sum(ones, batch, num_segments=NUM_GRAPHS)
    gmax = jax.ops.segment_max(h, batch, num_segments=NUM_GRAPHS)
    gmax = jnp.where(cnt[:, None] > 0, gmax, 0.0)
    gmean = jax.ops.segment_sum(h, batch, num_segments=NUM_GRAPHS) / jnp.clip(cnt[:, None], 1.0, None)
    g = jnp.concatenate([gmax, gmean], axis=1)
    g = g @ fc1_w + fc1_b
    g = _batch_norm(g, bn4_g, bn4_b)
    g = jax.nn.relu(g)
    # dropout is identity (eval semantics)
    return g @ fc2_w + fc2_b


def reference(x, edge_index, batch, lin0_w, lin0_b, p, msn_scale, mlp_w, mlp_b, bn_g, bn_b, fc1_w, fc1_b, bn4_g, bn4_b, fc2_w, fc2_b):
    return _forward(x, edge_index, batch, lin0_w, lin0_b, p, msn_scale, mlp_w, mlp_b, bn_g, bn_b, fc1_w, fc1_b, bn4_g, bn4_b, fc2_w, fc2_b)

if __name__ == "__main__":
    import jax
    _d = setup_inputs()
    print(jax.jit(kernel)(*tuple(_d.values())))

</pallas_src>

<mosaic_0001>
#map = affine_map<(d0, d1) -> (0, 0)>
#map1 = affine_map<(d0, d1) -> (0, 0, 0, 0, 0)>
#map2 = affine_map<(d0, d1) -> (0, 0, 0, 0)>
module attributes {stable_mosaic.version = 14 : i64} {
  func.func @_spmm_body(%arg0: i32, %arg1: i32, %arg2: memref<40960x128xf32, #tpu.memory_space<hbm>>, %arg3: memref<4x16x10x32x64xi32, #tpu.memory_space<hbm>>, %arg4: memref<16x10x32x64xi32, #tpu.memory_space<hbm>>, %arg5: memref<10240x128xf32, #tpu.memory_space<hbm>>, %arg6: memref<40960x128xf32, #tpu.memory_space<hbm>>, %arg7: memref<32x64xi32, #tpu.memory_space<vmem>>, %arg8: memref<32x64xi32, #tpu.memory_space<vmem>>, %arg9: memref<32x64xi32, #tpu.memory_space<vmem>>, %arg10: memref<32x64xi32, #tpu.memory_space<vmem>>, %arg11: memref<64x128xf32, #tpu.memory_space<vmem>>, %arg12: memref<64x128xf32, #tpu.memory_space<vmem>>, %arg13: memref<64x128xf32, #tpu.memory_space<vmem>>, %arg14: memref<64x128xf32, #tpu.memory_space<vmem>>, %arg15: memref<10240x128xf32, #tpu.memory_space<vmem_shared>>, %arg16: memref<!tpu.dma_semaphore, #tpu.memory_space<semaphore_mem>>, %arg17: memref<!tpu.dma_semaphore, #tpu.memory_space<semaphore_mem>>, %arg18: memref<!tpu.dma_semaphore, #tpu.memory_space<semaphore_mem>>, %arg19: memref<!tpu.dma_semaphore, #tpu.memory_space<semaphore_mem>>, %arg20: memref<!tpu.dma_semaphore, #tpu.memory_space<semaphore_mem>>, %arg21: memref<!tpu.dma_semaphore, #tpu.memory_space<semaphore_mem>>, %arg22: memref<!tpu.dma_semaphore, #tpu.memory_space<semaphore_mem>>, %arg23: memref<!tpu.dma_semaphore, #tpu.memory_space<semaphore_mem>>, %arg24: memref<!tpu.dma_semaphore, #tpu.memory_space<semaphore_mem>>, %arg25: memref<!tpu.dma_semaphore, #tpu.memory_space<semaphore_mem>>) attributes {dimension_semantics = [#tpu.dimension_semantics<core_parallel>, #tpu.dimension_semantics<subcore_parallel>], iteration_bounds = array<i64: 2, 16>, scalar_prefetch = 0 : i64, scratch_operands = 19 : i64, tpu.core_type = #tpu.core_type<sc_vector_subcore>, window_params = [{transform_indices = #map}, {transform_indices = #map1}, {transform_indices = #map2}, {transform_indices = #map}, {transform_indices = #map}]} {
    %mul3A = arith.constant 640 : i32
    %mul3A_0 = arith.muli %arg1, %mul3A : i32
    %scan3A = arith.constant 0 : i32
    %scan3A_1 = arith.constant 0 : i32
    %scan3A_2 = arith.constant 2 : i32
    %scan3A_3 = arith.addi %scan3A_1, %scan3A_2 : i32
    %scan3A_4 = arith.constant 1 : i32
    scf.for %scan3A_6 = %scan3A_1 to %scan3A_3 step %scan3A_4  : i32 {
      %mul3A_7 = arith.constant 2 : i32
      %mul3A_8 = arith.muli %arg0, %mul3A_7 : i32
      %add3A = arith.addi %mul3A_8, %scan3A_6 : i32
      "tpu.region"() ({
        %run_scoped3A = tpu.sem_alloc : memref<!tpu.dma_semaphore, #tpu.memory_space<semaphore_mem>>
        %dma_start3A_37 = arith.constant 0 : i32
        %dma_start3A_38 = tpu.memref_slice %arg15[%mul3A_0, %dma_start3A_37] : memref<10240x128xf32, #tpu.memory_space<vmem_shared>> -> memref<640x128xf32, #tpu.memory_space<vmem_shared>>
        %dma_start3A_39 = arith.constant 0 : i32
        %dma_start3A_40 = tpu.memref_slice %arg5[%mul3A_0, %dma_start3A_39] : memref<10240x128xf32, #tpu.memory_space<hbm>> -> memref<640x128xf32, #tpu.memory_space<hbm>>
        tpu.enqueue_dma source(%dma_start3A_40 : memref<640x128xf32, #tpu.memory_space<hbm>>) target(%dma_start3A_38 : memref<640x128xf32, #tpu.memory_space<vmem_shared>>) target_semaphore(%run_scoped3A : memref<!tpu.dma_semaphore, #tpu.memory_space<semaphore_mem>>)
        %dma_wait3A = arith.constant 0 : i32
        %dma_wait3A_41 = tpu.memref_slice %arg15[%mul3A_0, %dma_wait3A] : memref<10240x128xf32, #tpu.memory_space<vmem_shared>> -> memref<640x128xf32, #tpu.memory_space<vmem_shared>>
        %dma_wait3A_42 = arith.constant 0 : i32
        %dma_wait3A_43 = tpu.memref_slice %arg5[%mul3A_0, %dma_wait3A_42] : memref<10240x128xf32, #tpu.memory_space<hbm>> -> memref<640x128xf32, #tpu.memory_space<hbm>>
        tpu.wait_dma2 semaphore(%run_scoped3A : memref<!tpu.dma_semaphore, #tpu.memory_space<semaphore_mem>>) src(%dma_wait3A_43 : memref<640x128xf32, #tpu.memory_space<hbm>>) dst(%dma_wait3A_41 : memref<640x128xf32, #tpu.memory_space<vmem_shared>>)
        tpu.yield
      }) : () -> ()
      %barrier3A = arith.constant 0 : index
      tpu.barrier barrier_id(%barrier3A)
      %dma_start3A = arith.constant 0 : i32
      %dma_start3A_9 = arith.constant 0 : i32
      %dma_start3A_10 = arith.constant 0 : i32
      %dma_start3A_11 = tpu.memref_slice %arg3[%add3A, %arg1, %dma_start3A, %dma_start3A_9, %dma_start3A_10] : memref<4x16x10x32x64xi32, #tpu.memory_space<hbm>> -> memref<1x1x1x32x64xi32, #tpu.memory_space<hbm>>
      %dma_start3A_12 = tpu.memref_squeeze %dma_start3A_11 : memref<1x1x1x32x64xi32, #tpu.memory_space<hbm>> -> memref<32x64xi32, #tpu.memory_space<hbm>>
      %dma_start3A_13 = arith.constant 0 : i32
      %dma_start3A_14 = arith.constant 0 : i32
      %dma_start3A_15 = tpu.memref_slice %arg3[%add3A, %arg1, %dma_start3A, %dma_start3A_13, %dma_start3A_14] : memref<4x16x10x32x64xi32, #tpu.memory_space<hbm>> -> memref<1x1x1x32x64xi32, #tpu.memory_space<hbm>>
      %dma_start3A_16 = tpu.memref_squeeze %dma_start3A_15 : memref<1x1x1x32x64xi32, #tpu.memory_space<hbm>> -> memref<32x64xi32, #tpu.memory_space<hbm>>
      tpu.enqueue_dma source(%dma_start3A_16 : memref<32x64xi32, #tpu.memory_space<hbm>>) target(%arg7 : memref<32x64xi32, #tpu.memory_space<vmem>>) target_semaphore(%arg16 : memref<!tpu.dma_semaphore, #tpu.memory_space<semaphore_mem>>)
      %dma_start3A_17 = arith.constant 0 : i32
      %dma_start3A_18 = arith.constant 0 : i32
      %dma_start3A_19 = arith.constant 0 : i32
      %dma_start3A_20 = tpu.memref_slice %arg4[%arg1, %dma_start3A_17, %dma_start3A_18, %dma_start3A_19] : memref<16x10x32x64xi32, #tpu.memory_space<hbm>> -> memref<1x1x32x64xi32, #tpu.memory_space<hbm>>
      %dma_start3A_21 = tpu.memref_squeeze %dma_start3A_20 : memref<1x1x32x64xi32, #tpu.memory_space<hbm>> -> memref<32x64xi32, #tpu.memory_space<hbm>>
      %dma_start3A_22 = arith.constant 0 : i32
      %dma_start3A_23 = arith.constant 0 : i32
      %dma_start3A_24 = tpu.memref_slice %arg4[%arg1, %dma_start3A_17, %dma_start3A_22, %dma_start3A_23] : memref<16x10x32x64xi32, #tpu.memory_space<hbm>> -> memref<1x1x32x64xi32, #tpu.memory_space<hbm>>
      %dma_start3A_25 = tpu.memref_squeeze %dma_start3A_24 : memref<1x1x32x64xi32, #tpu.memory_space<hbm>> -> memref<32x64xi32, #tpu.memory_space<hbm>>
      tpu.enqueue_dma source(%dma_start3A_25 : memref<32x64xi32, #tpu.memory_space<hbm>>) target(%arg9 : memref<32x64xi32, #tpu.memory_space<vmem>>) target_semaphore(%arg16 : memref<!tpu.dma_semaphore, #tpu.memory_space<semaphore_mem>>)
      %scan3A_26 = arith.constant 0 : i32
      %scan3A_27 = arith.constant 0 : i32
      %scan3A_28 = arith.constant 5 : i32
      %scan3A_29 = arith.addi %scan3A_27, %scan3A_28 : i32
      %scan3A_30 = arith.constant 1 : i32
      scf.for %scan3A_37 = %scan3A_27 to %scan3A_29 step %scan3A_30  : i32 {
        %mul3A_38 = arith.constant 2 : i32
        %mul3A_39 = arith.muli %scan3A_37, %mul3A_38 : i32
        %add3A_40 = arith.constant 0 : i32
        %add3A_41 = arith.addi %mul3A_39, %add3A_40 : i32
        %add3A_42 = arith.constant 1 : i32
        %add3A_43 = arith.addi %add3A_41, %add3A_42 : i32
        %lt3A = arith.constant 10 : i32
        %lt3A_44 = arith.cmpi slt, %add3A_43, %lt3A : i32
        %convert_element_type3A = arith.extui %lt3A_44 : i1 to i32
        %cond3A = arith.constant 0 : i32
        %cond3A_45 = arith.cmpi ne, %convert_element_type3A, %cond3A : i32
        scf.if %cond3A_45 {
          %add3A_180 = arith.constant 1 : i32
          %add3A_181 = arith.addi %add3A_41, %add3A_180 : i32
          %dma_start3A_182 = arith.constant 0 : i32
          %dma_start3A_183 = arith.constant 0 : i32
          %dma_start3A_184 = tpu.memref_slice %arg3[%add3A, %arg1, %add3A_181, %dma_start3A_182, %dma_start3A_183] : memref<4x16x10x32x64xi32, #tpu.memory_space<hbm>> -> memref<1x1x1x32x64xi32, #tpu.memory_space<hbm>>
          %dma_start3A_185 = tpu.memref_squeeze %dma_start3A_184 : memref<1x1x1x32x64xi32, #tpu.memory_space<hbm>> -> memref<32x64xi32, #tpu.memory_space<hbm>>
          %dma_start3A_186 = arith.constant 0 : i32
          %dma_start3A_187 = arith.constant 0 : i32
          %dma_start3A_188 = tpu.memref_slice %arg3[%add3A, %arg1, %add3A_181, %dma_start3A_186, %dma_start3A_187] : memref<4x16x10x32x64xi32, #tpu.memory_space<hbm>> -> memref<1x1x1x32x64xi32, #tpu.memory_space<hbm>>
          %dma_start3A_189 = tpu.memref_squeeze %dma_start3A_188 : memref<1x1x1x32x64xi32, #tpu.memory_space<hbm>> -> memref<32x64xi32, #tpu.memory_space<hbm>>
          tpu.enqueue_dma source(%dma_start3A_189 : memref<32x64xi32, #tpu.memory_space<hbm>>) target(%arg8 : memref<32x64xi32, #tpu.memory_space<vmem>>) target_semaphore(%arg17 : memref<!tpu.dma_semaphore, #tpu.memory_space<semaphore_mem>>)
          %add3A_190 = arith.constant 1 : i32
          %add3A_191 = arith.addi %add3A_41, %add3A_190 : i32
          %dma_start3A_192 = arith.constant 0 : i32
          %dma_start3A_193 = arith.constant 0 : i32
          %dma_start3A_194 = tpu.memref_slice %arg4[%arg1, %add3A_191, %dma_start3A_192, %dma_start3A_193] : memref<16x10x32x64xi32, #tpu.memory_space<hbm>> -> memref<1x1x32x64xi32, #tpu.memory_space<hbm>>
          %dma_start3A_195 = tpu.memref_squeeze %dma_start3A_194 : memref<1x1x32x64xi32, #tpu.memory_space<hbm>> -> memref<32x64xi32, #tpu.memory_space<hbm>>
          %dma_start3A_196 = arith.constant 0 : i32
          %dma_start3A_197 = arith.constant 0 : i32
          %dma_start3A_198 = tpu.memref_slice %arg4[%arg1, %add3A_191, %dma_start3A_196, %dma_start3A_197] : memref<16x10x32x64xi32, #tpu.memory_space<hbm>> -> memref<1x1x32x64xi32, #tpu.memory_space<hbm>>
          %dma_start3A_199 = tpu.memref_squeeze %dma_start3A_198 : memref<1x1x32x64xi32, #tpu.memory_space<hbm>> -> memref<32x64xi32, #tpu.memory_space<hbm>>
          tpu.enqueue_dma source(%dma_start3A_199 : memref<32x64xi32, #tpu.memory_space<hbm>>) target(%arg10 : memref<32x64xi32, #tpu.memory_space<vmem>>) target_semaphore(%arg17 : memref<!tpu.dma_semaphore, #tpu.memory_space<semaphore_mem>>)
        } else {
        }
        %dma_wait3A = arith.constant 0 : i32
        %dma_wait3A_46 = arith.constant 0 : i32
        %dma_wait3A_47 = arith.constant 0 : i32
        %dma_wait3A_48 = tpu.memref_slice %arg3[%add3A, %arg1, %dma_wait3A, %dma_wait3A_46, %dma_wait3A_47] : memref<4x16x10x32x64xi32, #tpu.memory_space<hbm>> -> memref<1x1x1x32x64xi32, #tpu.memory_space<hbm>>
        %dma_wait3A_49 = tpu.memref_squeeze %dma_wait3A_48 : memref<1x1x1x32x64xi32, #tpu.memory_space<hbm>> -> memref<32x64xi32, #tpu.memory_space<hbm>>
        %dma_wait3A_50 = arith.constant 0 : i32
        %dma_wait3A_51 = arith.constant 0 : i32
        %dma_wait3A_52 = tpu.memref_slice %arg3[%add3A, %arg1, %dma_wait3A, %dma_wait3A_50, %dma_wait3A_51] : memref<4x16x10x32x64xi32, #tpu.memory_space<hbm>> -> memref<1x1x1x32x64xi32, #tpu.memory_space<hbm>>
        %dma_wait3A_53 = tpu.memref_squeeze %dma_wait3A_52 : memref<1x1x1x32x64xi32, #tpu.memory_space<hbm>> -> memref<32x64xi32, #tpu.memory_space<hbm>>
        tpu.wait_dma2 semaphore(%arg16 : memref<!tpu.dma_semaphore, #tpu.memory_space<semaphore_mem>>) src(%dma_wait3A_53 : memref<32x64xi32, #tpu.memory_space<hbm>>) dst(%arg7 : memref<32x64xi32, #tpu.memory_space<vmem>>)
        %dma_wait3A_54 = arith.constant 0 : i32
        %dma_wait3A_55 = arith.constant 0 : i32
        %dma_wait3A_56 = arith.constant 0 : i32
        %dma_wait3A_57 = tpu.memref_slice %arg4[%arg1, %dma_wait3A_54, %dma_wait3A_55, %dma_wait3A_56] : memref<16x10x32x64xi32, #tpu.memory_space<hbm>> -> memref<1x1x32x64xi32, #tpu.memory_space<hbm>>
        %dma_wait3A_58 = tpu.memref_squeeze %dma_wait3A_57 : memref<1x1x32x64xi32, #tpu.memory_space<hbm>> -> memref<32x64xi32, #tpu.memory_space<hbm>>
        %dma_wait3A_59 = arith.constant 0 : i32
        %dma_wait3A_60 = arith.constant 0 : i32
        %dma_wait3A_61 = tpu.memref_slice %arg4[%arg1, %dma_wait3A_54, %dma_wait3A_59, %dma_wait3A_60] : memref<16x10x32x64xi32, #tpu.memory_space<hbm>> -> memref<1x1x32x64xi32, #tpu.memory_space<hbm>>
        %dma_wait3A_62 = tpu.memref_squeeze %dma_wait3A_61 : memref<1x1x32x64xi32, #tpu.memory_space<hbm>> -> memref<32x64xi32, #tpu.memory_space<hbm>>
        tpu.wait_dma2 semaphore(%arg16 : memref<!tpu.dma_semaphore, #tpu.memory_space<semaphore_mem>>) src(%dma_wait3A_62 : memref<32x64xi32, #tpu.memory_space<hbm>>) dst(%arg9 : memref<32x64xi32, #tpu.memory_space<vmem>>)
        %dma_start3A_63 = arith.constant 0 : i32
        %dma_start3A_64 = arith.constant 0 : i32
        %dma_start3A_65 = tpu.memref_slice %arg7[%dma_start3A_63, %dma_start3A_64] : memref<32x64xi32, #tpu.memory_space<vmem>> -> memref<1x64xi32, #tpu.memory_space<vmem>>
        %dma_start3A_66 = tpu.memref_squeeze %dma_start3A_65 : memref<1x64xi32, #tpu.memory_space<vmem>> -> memref<64xi32, #tpu.memory_space<vmem>>
        %dma_start3A_67 = arith.constant 0 : i32
        %dma_start3A_68 = arith.constant 0 : i32
        %dma_start3A_69 = tpu.memref_slice %arg2[%dma_start3A_67, %dma_start3A_68] : memref<40960x128xf32, #tpu.memory_space<hbm>> -> memref<40960x128xf32, #tpu.memory_space<hbm>>
        tpu.enqueue_indirect_dma source(%dma_start3A_69 : memref<40960x128xf32, #tpu.memory_space<hbm>>) target(%arg11 : memref<64x128xf32, #tpu.memory_space<vmem>>) offsets(%dma_start3A_66 : memref<64xi32, #tpu.memory_space<vmem>>) semaphore(%arg18 : memref<!tpu.dma_semaphore, #tpu.memory_space<semaphore_mem>>)
        %dma_start3A_70 = arith.constant 1 : i32
        %dma_start3A_71 = arith.constant 0 : i32
        %dma_start3A_72 = tpu.memref_slice %arg7[%dma_start3A_70, %dma_start3A_71] : memref<32x64xi32, #tpu.memory_space<vmem>> -> memref<1x64xi32, #tpu.memory_space<vmem>>
        %dma_start3A_73 = tpu.memref_squeeze %dma_start3A_72 : memref<1x64xi32, #tpu.memory_space<vmem>> -> memref<64xi32, #tpu.memory_space<vmem>>
        %dma_start3A_74 = arith.constant 0 : i32
        %dma_start3A_75 = arith.constant 0 : i32
        %dma_start3A_76 = tpu.memref_slice %arg2[%dma_start3A_74, %dma_start3A_75] : memref<40960x128xf32, #tpu.memory_space<hbm>> -> memref<40960x128xf32, #tpu.memory_space<hbm>>
        tpu.enqueue_indirect_dma source(%dma_start3A_76 : memref<40960x128xf32, #tpu.memory_space<hbm>>) target(%arg12 : memref<64x128xf32, #tpu.memory_space<vmem>>) offsets(%dma_start3A_73 : memref<64xi32, #tpu.memory_space<vmem>>) semaphore(%arg19 : memref<!tpu.dma_semaphore, #tpu.memory_space<semaphore_mem>>)
        %scan3A_77 = arith.constant 0 : i32
        %scan3A_78 = arith.constant 0 : i32
        %scan3A_79 = arith.constant 8 : i32
        %scan3A_80 = arith.addi %scan3A_78, %scan3A_79 : i32
        %scan3A_81 = arith.constant 1 : i32
        scf.for %scan3A_180 = %scan3A_78 to %scan3A_80 step %scan3A_81  : i32 {
          %mul3A_181 = arith.constant 4 : i32
          %mul3A_182 = arith.muli %scan3A_180, %mul3A_181 : i32
          %add3A_183 = arith.constant 0 : i32
          %add3A_184 = arith.addi %mul3A_182, %add3A_183 : i32
          %ge3A = arith.constant 2 : i32
          %ge3A_185 = arith.cmpi sge, %add3A_184, %ge3A : i32
          %add3A_186 = arith.constant 2 : i32
          %add3A_187 = arith.addi %add3A_184, %add3A_186 : i32
          %lt3A_188 = arith.constant 32 : i32
          %lt3A_189 = arith.cmpi slt, %add3A_187, %lt3A_188 : i32
          %and3A = arith.andi %ge3A_185, %lt3A_189 : i1
          %convert_element_type3A_190 = arith.extui %and3A : i1 to i32
          %cond3A_191 = arith.constant 0 : i32
          %cond3A_192 = arith.cmpi ne, %convert_element_type3A_190, %cond3A_191 : i32
          scf.if %cond3A_192 {
            %dma_wait3A_311 = arith.constant 0 : i32
            %dma_wait3A_312 = arith.constant 0 : i32
            %dma_wait3A_313 = tpu.memref_slice %arg15[%dma_wait3A_311, %dma_wait3A_312] : memref<10240x128xf32, #tpu.memory_space<vmem_shared>> -> memref<64x128xf32, #tpu.memory_space<vmem_shared>>
            %dma_wait3A_314 = arith.constant 0 : i32
            %dma_wait3A_315 = arith.constant 0 : i32
            %dma_wait3A_316 = tpu.memref_slice %arg15[%dma_wait3A_314, %dma_wait3A_315] : memref<10240x128xf32, #tpu.memory_space<vmem_shared>> -> memref<64x128xf32, #tpu.memory_space<vmem_shared>>
            tpu.wait_dma2 semaphore(%arg24 : memref<!tpu.dma_semaphore, #tpu.memory_space<semaphore_mem>>) src(%arg13 : memref<64x128xf32, #tpu.memory_space<vmem>>) dst(%dma_wait3A_316 : memref<64x128xf32, #tpu.memory_space<vmem_shared>>)
          } else {
          }
          %add3A_193 = arith.constant 2 : i32
          %add3A_194 = arith.addi %add3A_184, %add3A_193 : i32
          %lt3A_195 = arith.constant 32 : i32
          %lt3A_196 = arith.cmpi slt, %add3A_194, %lt3A_195 : i32
          %convert_element_type3A_197 = arith.extui %lt3A_196 : i1 to i32
          %cond3A_198 = arith.constant 0 : i32
          %cond3A_199 = arith.cmpi ne, %convert_element_type3A_197, %cond3A_198 : i32
          scf.if %cond3A_199 {
            %add3A_311 = arith.constant 2 : i32
            %add3A_312 = arith.addi %add3A_184, %add3A_311 : i32
            %dma_start3A_313 = arith.constant 0 : i32
            %dma_start3A_314 = tpu.memref_slice %arg7[%add3A_312, %dma_start3A_313] : memref<32x64xi32, #tpu.memory_space<vmem>> -> memref<1x64xi32, #tpu.memory_space<vmem>>
            %dma_start3A_315 = tpu.memref_squeeze %dma_start3A_314 : memref<1x64xi32, #tpu.memory_space<vmem>> -> memref<64xi32, #tpu.memory_space<vmem>>
            %dma_start3A_316 = arith.constant 0 : i32
            %dma_start3A_317 = arith.constant 0 : i32
            %dma_start3A_318 = tpu.memref_slice %arg2[%dma_start3A_316, %dma_start3A_317] : memref<40960x128xf32, #tpu.memory_space<hbm>> -> memref<40960x128xf32, #tpu.memory_space<hbm>>
            tpu.enqueue_indirect_dma source(%dma_start3A_318 : memref<40960x128xf32, #tpu.memory_space<hbm>>) target(%arg13 : memref<64x128xf32, #tpu.memory_space<vmem>>) offsets(%dma_start3A_315 : memref<64xi32, #tpu.memory_space<vmem>>) semaphore(%arg20 : memref<!tpu.dma_semaphore, #tpu.memory_space<semaphore_mem>>)
          } else {
          }
          %dma_wait3A_200 = arith.constant 0 : i32
          %dma_wait3A_201 = arith.constant 0 : i32
          %dma_wait3A_202 = tpu.memref_slice %arg2[%dma_wait3A_200, %dma_wait3A_201] : memref<40960x128xf32, #tpu.memory_space<hbm>> -> memref<64x128xf32, #tpu.memory_space<hbm>>
          %dma_wait3A_203 = arith.constant 0 : i32
          %dma_wait3A_204 = arith.constant 0 : i32
          %dma_wait3A_205 = tpu.memref_slice %arg2[%dma_wait3A_203, %dma_wait3A_204] : memref<40960x128xf32, #tpu.memory_space<hbm>> -> memref<64x128xf32, #tpu.memory_space<hbm>>
          tpu.wait_dma2 semaphore(%arg18 : memref<!tpu.dma_semaphore, #tpu.memory_space<semaphore_mem>>) src(%dma_wait3A_205 : memref<64x128xf32, #tpu.memory_space<hbm>>) dst(%arg11 : memref<64x128xf32, #tpu.memory_space<vmem>>)
          %dma_start3A_206 = arith.constant 0 : i32
          %dma_start3A_207 = tpu.memref_slice %arg9[%add3A_184, %dma_start3A_206] : memref<32x64xi32, #tpu.memory_space<vmem>> -> memref<1x64xi32, #tpu.memory_space<vmem>>
          %dma_start3A_208 = tpu.memref_squeeze %dma_start3A_207 : memref<1x64xi32, #tpu.memory_space<vmem>> -> memref<64xi32, #tpu.memory_space<vmem>>
          %dma_start3A_209 = arith.constant 0 : i32
          %dma_start3A_210 = arith.constant 0 : i32
          %dma_start3A_211 = tpu.memref_slice %arg15[%dma_start3A_209, %dma_start3A_210] : memref<10240x128xf32, #tpu.memory_space<vmem_shared>> -> memref<10240x128xf32, #tpu.memory_space<vmem_shared>>
          tpu.enqueue_indirect_dma source(%arg11 : memref<64x128xf32, #tpu.memory_space<vmem>>) target(%dma_start3A_211 : memref<10240x128xf32, #tpu.memory_space<vmem_shared>>) offsets(%dma_start3A_208 : memref<64xi32, #tpu.memory_space<vmem>>) semaphore(%arg22 : memref<!tpu.dma_semaphore, #tpu.memory_space<semaphore_mem>>) {add = true}
          %mul3A_212 = arith.constant 4 : i32
          %mul3A_213 = arith.muli %scan3A_180, %mul3A_212 : i32
          %add3A_214 = arith.constant 1 : i32
          %add3A_215 = arith.addi %mul3A_213, %add3A_214 : i32
          %ge3A_216 = arith.constant 2 : i32
          %ge3A_217 = arith.cmpi sge, %add3A_215, %ge3A_216 : i32
          %add3A_218 = arith.constant 2 : i32
          %add3A_219 = arith.addi %add3A_215, %add3A_218 : i32
          %lt3A_220 = arith.constant 32 : i32
          %lt3A_221 = arith.cmpi slt, %add3A_219, %lt3A_220 : i32
          %and3A_222 = arith.andi %ge3A_217, %lt3A_221 : i1
          %convert_element_type3A_223 = arith.extui %and3A_222 : i1 to i32
          %cond3A_224 = arith.constant 0 : i32
          %cond3A_225 = arith.cmpi ne, %convert_element_type3A_223, %cond3A_224 : i32
          scf.if %cond3A_225 {
            %dma_wait3A_311 = arith.constant 0 : i32
            %dma_wait3A_312 = arith.constant 0 : i32
            %dma_wait3A_313 = tpu.memref_slice %arg15[%dma_wait3A_311, %dma_wait3A_312] : memref<10240x128xf32, #tpu.memory_space<vmem_shared>> -> memref<64x128xf32, #tpu.memory_space<vmem_shared>>
            %dma_wait3A_314 = arith.constant 0 : i32
            %dma_wait3A_315 = arith.constant 0 : i32
            %dma_wait3A_316 = tpu.memref_slice %arg15[%dma_wait3A_314, %dma_wait3A_315] : memref<10240x128xf32, #tpu.memory_space<vmem_shared>> -> memref<64x128xf32, #tpu.memory_space<vmem_shared>>
            tpu.wait_dma2 semaphore(%arg25 : memref<!tpu.dma_semaphore, #tpu.memory_space<semaphore_mem>>) src(%arg14 : memref<64x128xf32, #tpu.memory_space<vmem>>) dst(%dma_wait3A_316 : memref<64x128xf32, #tpu.memory_space<vmem_shared>>)
          } else {
          }
          %add3A_226 = arith.constant 2 : i32
          %add3A_227 = arith.addi %add3A_215, %add3A_226 : i32
          %lt3A_228 = arith.constant 32 : i32
          %lt3A_229 = arith.cmpi slt, %add3A_227, %lt3A_228 : i32
          %convert_element_type3A_230 = arith.extui %lt3A_229 : i1 to i32
          %cond3A_231 = arith.constant 0 : i32
          %cond3A_232 = arith.cmpi ne, %convert_element_type3A_230, %cond3A_231 : i32
          scf.if %cond3A_232 {
            %add3A_311 = arith.constant 2 : i32
            %add3A_312 = arith.addi %add3A_215, %add3A_311 : i32
            %dma_start3A_313 = arith.constant 0 : i32
            %dma_start3A_314 = tpu.memref_slice %arg7[%add3A_312, %dma_start3A_313] : memref<32x64xi32, #tpu.memory_space<vmem>> -> memref<1x64xi32, #tpu.memory_space<vmem>>
            %dma_start3A_315 = tpu.memref_squeeze %dma_start3A_314 : memref<1x64xi32, #tpu.memory_space<vmem>> -> memref<64xi32, #tpu.memory_space<vmem>>
            %dma_start3A_316 = arith.constant 0 : i32
            %dma_start3A_317 = arith.constant 0 : i32
            %dma_start3A_318 = tpu.memref_slice %arg2[%dma_start3A_316, %dma_start3A_317] : memref<40960x128xf32, #tpu.memory_space<hbm>> -> memref<40960x128xf32, #tpu.memory_space<hbm>>
            tpu.enqueue_indirect_dma source(%dma_start3A_318 : memref<40960x128xf32, #tpu.memory_space<hbm>>) target(%arg14 : memref<64x128xf32, #tpu.memory_space<vmem>>) offsets(%dma_start3A_315 : memref<64xi32, #tpu.memory_space<vmem>>) semaphore(%arg21 : memref<!tpu.dma_semaphore, #tpu.memory_space<semaphore_mem>>)
          } else {
          }
          %dma_wait3A_233 = arith.constant 0 : i32
          %dma_wait3A_234 = arith.constant 0 : i32
          %dma_wait3A_235 = tpu.memref_slice %arg2[%dma_wait3A_233, %dma_wait3A_234] : memref<40960x128xf32, #tpu.memory_space<hbm>> -> memref<64x128xf32, #tpu.memory_space<hbm>>
          %dma_wait3A_236 = arith.constant 0 : i32
          %dma_wait3A_237 = arith.constant 0 : i32
          %dma_wait3A_238 = tpu.memref_slice %arg2[%dma_wait3A_236, %dma_wait3A_237] : memref<40960x128xf32, #tpu.memory_space<hbm>> -> memref<64x128xf32, #tpu.memory_space<hbm>>
          tpu.wait_dma2 semaphore(%arg19 : memref<!tpu.dma_semaphore, #tpu.memory_space<semaphore_mem>>) src(%dma_wait3A_238 : memref<64x128xf32, #tpu.memory_space<hbm>>) dst(%arg12 : memref<64x128xf32, #tpu.memory_space<vmem>>)
          %dma_start3A_239 = arith.constant 0 : i32
          %dma_start3A_240 = tpu.memref_slice %arg9[%add3A_215, %dma_start3A_239] : memref<32x64xi32, #tpu.memory_space<vmem>> -> memref<1x64xi32, #tpu.memory_space<vmem>>
          %dma_start3A_241 = tpu.memref_squeeze %dma_start3A_240 : memref<1x64xi32, #tpu.memory_space<vmem>> -> memref<64xi32, #tpu.memory_space<vmem>>
          %dma_start3A_242 = arith.constant 0 : i32
          %dma_start3A_243 = arith.constant 0 : i32
          %dma_start3A_244 = tpu.memref_slice %arg15[%dma_start3A_242, %dma_start3A_243] : memref<10240x128xf32, #tpu.memory_space<vmem_shared>> -> memref<10240x128xf32, #tpu.memory_space<vmem_shared>>
          tpu.enqueue_indirect_dma source(%arg12 : memref<64x128xf32, #tpu.memory_space<vmem>>) target(%dma_start3A_244 : memref<10240x128xf32, #tpu.memory_space<vmem_shared>>) offsets(%dma_start3A_241 : memref<64xi32, #tpu.memory_space<vmem>>) semaphore(%arg23 : memref<!tpu.dma_semaphore, #tpu.memory_space<semaphore_mem>>) {add = true}
          %mul3A_245 = arith.constant 4 : i32
          %mul3A_246 = arith.muli %scan3A_180, %mul3A_245 : i32
          %add3A_247 = arith.constant 2 : i32
          %add3A_248 = arith.addi %mul3A_246, %add3A_247 : i32
          %ge3A_249 = arith.constant 2 : i32
          %ge3A_250 = arith.cmpi sge, %add3A_248, %ge3A_249 : i32
          %add3A_251 = arith.constant 2 : i32
          %add3A_252 = arith.addi %add3A_248, %add3A_251 : i32
          %lt3A_253 = arith.constant 32 : i32
          %lt3A_254 = arith.cmpi slt, %add3A_252, %lt3A_253 : i32
          %and3A_255 = arith.andi %ge3A_250, %lt3A_254 : i1
          %convert_element_type3A_256 = arith.extui %and3A_255 : i1 to i32
          %cond3A_257 = arith.constant 0 : i32
          %cond3A_258 = arith.cmpi ne, %convert_element_type3A_256, %cond3A_257 : i32
          scf.if %cond3A_258 {
            %dma_wait3A_311 = arith.constant 0 : i32
            %dma_wait3A_312 = arith.constant 0 : i32
            %dma_wait3A_313 = tpu.memref_slice %arg15[%dma_wait3A_311, %dma_wait3A_312] : memref<10240x128xf32, #tpu.memory_space<vmem_shared>> -> memref<64x128xf32, #tpu.memory_space<vmem_shared>>
            %dma_wait3A_314 = arith.constant 0 : i32
            %dma_wait3A_315 = arith.constant 0 : i32
            %dma_wait3A_316 = tpu.memref_slice %arg15[%dma_wait3A_314, %dma_wait3A_315] : memref<10240x128xf32, #tpu.memory_space<vmem_shared>> -> memref<64x128xf32, #tpu.memory_space<vmem_shared>>
            tpu.wait_dma2 semaphore(%arg22 : memref<!tpu.dma_semaphore, #tpu.memory_space<semaphore_mem>>) src(%arg11 : memref<64x128xf32, #tpu.memory_space<vmem>>) dst(%dma_wait3A_316 : memref<64x128xf32, #tpu.memory_space<vmem_shared>>)
          } else {
          }
          %add3A_259 = arith.constant 2 : i32
          %add3A_260 = arith.addi %add3A_248, %add3A_259 : i32
          %lt3A_261 = arith.constant 32 : i32
          %lt3A_262 = arith.cmpi slt, %add3A_260, %lt3A_261 : i32
          %convert_element_type3A_263 = arith.extui %lt3A_262 : i1 to i32
          %cond3A_264 = arith.constant 0 : i32
          %cond3A_265 = arith.cmpi ne, %convert_element_type3A_263, %cond3A_264 : i32
          scf.if %cond3A_265 {
            %add3A_311 = arith.constant 2 : i32
            %add3A_312 = arith.addi %add3A_248, %add3A_311 : i32
            %dma_start3A_313 = arith.constant 0 : i32
            %dma_start3A_314 = tpu.memref_slice %arg7[%add3A_312, %dma_start3A_313] : memref<32x64xi32, #tpu.memory_space<vmem>> -> memref<1x64xi32, #tpu.memory_space<vmem>>
            %dma_start3A_315 = tpu.memref_squeeze %dma_start3A_314 : memref<1x64xi32, #tpu.memory_space<vmem>> -> memref<64xi32, #tpu.memory_space<vmem>>
            %dma_start3A_316 = arith.constant 0 : i32
            %dma_start3A_317 = arith.constant 0 : i32
            %dma_start3A_318 = tpu.memref_slice %arg2[%dma_start3A_316, %dma_start3A_317] : memref<40960x128xf32, #tpu.memory_space<hbm>> -> memref<40960x128xf32, #tpu.memory_space<hbm>>
            tpu.enqueue_indirect_dma source(%dma_start3A_318 : memref<40960x128xf32, #tpu.memory_space<hbm>>) target(%arg11 : memref<64x128xf32, #tpu.memory_space<vmem>>) offsets(%dma_start3A_315 : memref<64xi32, #tpu.memory_space<vmem>>) semaphore(%arg18 : memref<!tpu.dma_semaphore, #tpu.memory_space<semaphore_mem>>)
          } else {
          }
          %dma_wait3A_266 = arith.constant 0 : i32
          %dma_wait3A_267 = arith.constant 0 : i32
          %dma_wait3A_268 = tpu.memref_slice %arg2[%dma_wait3A_266, %dma_wait3A_267] : memref<40960x128xf32, #tpu.memory_space<hbm>> -> memref<64x128xf32, #tpu.memory_space<hbm>>
          %dma_wait3A_269 = arith.constant 0 : i32
          %dma_wait3A_270 = arith.constant 0 : i32
          %dma_wait3A_271 = tpu.memref_slice %arg2[%dma_wait3A_269, %dma_wait3A_270] : memref<40960x128xf32, #tpu.memory_space<hbm>> -> memref<64x128xf32, #tpu.memory_space<hbm>>
          tpu.wait_dma2 semaphore(%arg20 : memref<!tpu.dma_semaphore, #tpu.memory_space<semaphore_mem>>) src(%dma_wait3A_271 : memref<64x128xf32, #tpu.memory_space<hbm>>) dst(%arg13 : memref<64x128xf32, #tpu.memory_space<vmem>>)
          %dma_start3A_272 = arith.constant 0 : i32
          %dma_start3A_273 = tpu.memref_slice %arg9[%add3A_248, %dma_start3A_272] : memref<32x64xi32, #tpu.memory_space<vmem>> -> memref<1x64xi32, #tpu.memory_space<vmem>>
          %dma_start3A_274 = tpu.memref_squeeze %dma_start3A_273 : memref<1x64xi32, #tpu.memory_space<vmem>> -> memref<64xi32, #tpu.memory_space<vmem>>
          %dma_start3A_275 = arith.constant 0 : i32
          %dma_start3A_276 = arith.constant 0 : i32
          %dma_start3A_277 = tpu.memref_slice %arg15[%dma_start3A_275, %dma_start3A_276] : memref<10240x128xf32, #tpu.memory_space<vmem_shared>> -> memref<10240x128xf32, #tpu.memory_space<vmem_shared>>
          tpu.enqueue_indirect_dma source(%arg13 : memref<64x128xf32, #tpu.memory_space<vmem>>) target(%dma_start3A_277 : memref<10240x128xf32, #tpu.memory_space<vmem_shared>>) offsets(%dma_start3A_274 : memref<64xi32, #tpu.memory_space<vmem>>) semaphore(%arg24 : memref<!tpu.dma_semaphore, #tpu.memory_space<semaphore_mem>>) {add = true}
          %mul3A_278 = arith.constant 4 : i32
          %mul3A_279 = arith.muli %scan3A_180, %mul3A_278 : i32
          %add3A_280 = arith.constant 3 : i32
          %add3A_281 = arith.addi %mul3A_279, %add3A_280 : i32
          %ge3A_282 = arith.constant 2 : i32
          %ge3A_283 = arith.cmpi sge, %add3A_281, %ge3A_282 : i32
          %add3A_284 = arith.constant 2 : i32
          %add3A_285 = arith.addi %add3A_281, %add3A_284 : i32
          %lt3A_286 = arith.constant 32 : i32
          %lt3A_287 = arith.cmpi slt, %add3A_285, %lt3A_286 : i32
          %and3A_288 = arith.andi %ge3A_283, %lt3A_287 : i1
          %convert_element_type3A_289 = arith.extui %and3A_288 : i1 to i32
          %cond3A_290 = arith.constant 0 : i32
          %cond3A_291 = arith.cmpi ne, %convert_element_type3A_289, %cond3A_290 : i32
          scf.if %cond3A_291 {
            %dma_wait3A_311 = arith.constant 0 : i32
            %dma_wait3A_312 = arith.constant 0 : i32
            %dma_wait3A_313 = tpu.memref_slice %arg15[%dma_wait3A_311, %dma_wait3A_312] : memref<10240x128xf32, #tpu.memory_space<vmem_shared>> -> memref<64x128xf32, #tpu.memory_space<vmem_shared>>
            %dma_wait3A_314 = arith.constant 0 : i32
            %dma_wait3A_315 = arith.constant 0 : i32
            %dma_wait3A_316 = tpu.memref_slice %arg15[%dma_wait3A_314, %dma_wait3A_315] : memref<10240x128xf32, #tpu.memory_space<vmem_shared>> -> memref<64x128xf32, #tpu.memory_space<vmem_shared>>
            tpu.wait_dma2 semaphore(%arg23 : memref<!tpu.dma_semaphore, #tpu.memory_space<semaphore_mem>>) src(%arg12 : memref<64x128xf32, #tpu.memory_space<vmem>>) dst(%dma_wait3A_316 : memref<64x128xf32, #tpu.memory_space<vmem_shared>>)
          } else {
          }
          %add3A_292 = arith.constant 2 : i32
          %add3A_293 = arith.addi %add3A_281, %add3A_292 : i32
          %lt3A_294 = arith.constant 32 : i32
          %lt3A_295 = arith.cmpi slt, %add3A_293, %lt3A_294 : i32
          %convert_element_type3A_296 = arith.extui %lt3A_295 : i1 to i32
          %cond3A_297 = arith.constant 0 : i32
          %cond3A_298 = arith.cmpi ne, %convert_element_type3A_296, %cond3A_297 : i32
          scf.if %cond3A_298 {
            %add3A_311 = arith.constant 2 : i32
            %add3A_312 = arith.addi %add3A_281, %add3A_311 : i32
            %dma_start3A_313 = arith.constant 0 : i32
            %dma_start3A_314 = tpu.memref_slice %arg7[%add3A_312, %dma_start3A_313] : memref<32x64xi32, #tpu.memory_space<vmem>> -> memref<1x64xi32, #tpu.memory_space<vmem>>
            %dma_start3A_315 = tpu.memref_squeeze %dma_start3A_314 : memref<1x64xi32, #tpu.memory_space<vmem>> -> memref<64xi32, #tpu.memory_space<vmem>>
            %dma_start3A_316 = arith.constant 0 : i32
            %dma_start3A_317 = arith.constant 0 : i32
            %dma_start3A_318 = tpu.memref_slice %arg2[%dma_start3A_316, %dma_start3A_317] : memref<40960x128xf32, #tpu.memory_space<hbm>> -> memref<40960x128xf32, #tpu.memory_space<hbm>>
            tpu.enqueue_indirect_dma source(%dma_start3A_318 : memref<40960x128xf32, #tpu.memory_space<hbm>>) target(%arg12 : memref<64x128xf32, #tpu.memory_space<vmem>>) offsets(%dma_start3A_315 : memref<64xi32, #tpu.memory_space<vmem>>) semaphore(%arg19 : memref<!tpu.dma_semaphore, #tpu.memory_space<semaphore_mem>>)
          } else {
          }
          %dma_wait3A_299 = arith.constant 0 : i32
          %dma_wait3A_300 = arith.constant 0 : i32
          %dma_wait3A_301 = tpu.memref_slice %arg2[%dma_wait3A_299, %dma_wait3A_300] : memref<40960x128xf32, #tpu.memory_space<hbm>> -> memref<64x128xf32, #tpu.memory_space<hbm>>
          %dma_wait3A_302 = arith.constant 0 : i32
          %dma_wait3A_303 = arith.constant 0 : i32
          %dma_wait3A_304 = tpu.memref_slice %arg2[%dma_wait3A_302, %dma_wait3A_303] : memref<40960x128xf32, #tpu.memory_space<hbm>> -> memref<64x128xf32, #tpu.memory_space<hbm>>
          tpu.wait_dma2 semaphore(%arg21 : memref<!tpu.dma_semaphore, #tpu.memory_space<semaphore_mem>>) src(%dma_wait3A_304 : memref<64x128xf32, #tpu.memory_space<hbm>>) dst(%arg14 : memref<64x128xf32, #tpu.memory_space<vmem>>)
          %dma_start3A_305 = arith.constant 0 : i32
          %dma_start3A_306 = tpu.memref_slice %arg9[%add3A_281, %dma_start3A_305] : memref<32x64xi32, #tpu.memory_space<vmem>> -> memref<1x64xi32, #tpu.memory_space<vmem>>
          %dma_start3A_307 = tpu.memref_squeeze %dma_start3A_306 : memref<1x64xi32, #tpu.memory_space<vmem>> -> memref<64xi32, #tpu.memory_space<vmem>>
          %dma_start3A_308 = arith.constant 0 : i32
          %dma_start3A_309 = arith.constant 0 : i32
          %dma_start3A_310 = tpu.memref_slice %arg15[%dma_start3A_308, %dma_start3A_309] : memref<10240x128xf32, #tpu.memory_space<vmem_shared>> -> memref<10240x128xf32, #tpu.memory_space<vmem_shared>>
          tpu.enqueue_indirect_dma source(%arg14 : memref<64x128xf32, #tpu.memory_space<vmem>>) target(%dma_start3A_310 : memref<10240x128xf32, #tpu.memory_space<vmem_shared>>) offsets(%dma_start3A_307 : memref<64xi32, #tpu.memory_space<vmem>>) semaphore(%arg25 : memref<!tpu.dma_semaphore, #tpu.memory_space<semaphore_mem>>) {add = true}
        }
        %scan3A_82 = arith.constant 8 : i32
        %dma_wait3A_83 = arith.constant 0 : i32
        %dma_wait3A_84 = arith.constant 0 : i32
        %dma_wait3A_85 = tpu.memref_slice %arg15[%dma_wait3A_83, %dma_wait3A_84] : memref<10240x128xf32, #tpu.memory_space<vmem_shared>> -> memref<64x128xf32, #tpu.memory_space<vmem_shared>>
        %dma_wait3A_86 = arith.constant 0 : i32
        %dma_wait3A_87 = arith.constant 0 : i32
        %dma_wait3A_88 = tpu.memref_slice %arg15[%dma_wait3A_86, %dma_wait3A_87] : memref<10240x128xf32, #tpu.memory_space<vmem_shared>> -> memref<64x128xf32, #tpu.memory_space<vmem_shared>>
        tpu.wait_dma2 semaphore(%arg22 : memref<!tpu.dma_semaphore, #tpu.memory_space<semaphore_mem>>) src(%arg11 : memref<64x128xf32, #tpu.memory_space<vmem>>) dst(%dma_wait3A_88 : memref<64x128xf32, #tpu.memory_space<vmem_shared>>)
        %dma_wait3A_89 = arith.constant 0 : i32
        %dma_wait3A_90 = arith.constant 0 : i32
        %dma_wait3A_91 = tpu.memref_slice %arg15[%dma_wait3A_89, %dma_wait3A_90] : memref<10240x128xf32, #tpu.memory_space<vmem_shared>> -> memref<64x128xf32, #tpu.memory_space<vmem_shared>>
        %dma_wait3A_92 = arith.constant 0 : i32
        %dma_wait3A_93 = arith.constant 0 : i32
        %dma_wait3A_94 = tpu.memref_slice %arg15[%dma_wait3A_92, %dma_wait3A_93] : memref<10240x128xf32, #tpu.memory_space<vmem_shared>> -> memref<64x128xf32, #tpu.memory_space<vmem_shared>>
        tpu.wait_dma2 semaphore(%arg23 : memref<!tpu.dma_semaphore, #tpu.memory_space<semaphore_mem>>) src(%arg12 : memref<64x128xf32, #tpu.memory_space<vmem>>) dst(%dma_wait3A_94 : memref<64x128xf32, #tpu.memory_space<vmem_shared>>)
        %dma_wait3A_95 = arith.constant 0 : i32
        %dma_wait3A_96 = arith.constant 0 : i32
        %dma_wait3A_97 = tpu.memref_slice %arg15[%dma_wait3A_95, %dma_wait3A_96] : memref<10240x128xf32, #tpu.memory_space<vmem_shared>> -> memref<64x128xf32, #tpu.memory_space<vmem_shared>>
        %dma_wait3A_98 = arith.constant 0 : i32
        %dma_wait3A_99 = arith.constant 0 : i32
        %dma_wait3A_100 = tpu.memref_slice %arg15[%dma_wait3A_98, %dma_wait3A_99] : memref<10240x128xf32, #tpu.memory_space<vmem_shared>> -> memref<64x128xf32, #tpu.memory_space<vmem_shared>>
        tpu.wait_dma2 semaphore(%arg24 : memref<!tpu.dma_semaphore, #tpu.memory_space<semaphore_mem>>) src(%arg13 : memref<64x128xf32, #tpu.memory_space<vmem>>) dst(%dma_wait3A_100 : memref<64x128xf32, #tpu.memory_space<vmem_shared>>)
        %dma_wait3A_101 = arith.constant 0 : i32
        %dma_wait3A_102 = arith.constant 0 : i32
        %dma_wait3A_103 = tpu.memref_slice %arg15[%dma_wait3A_101, %dma_wait3A_102] : memref<10240x128xf32, #tpu.memory_space<vmem_shared>> -> memref<64x128xf32, #tpu.memory_space<vmem_shared>>
        %dma_wait3A_104 = arith.constant 0 : i32
        %dma_wait3A_105 = arith.constant 0 : i32
        %dma_wait3A_106 = tpu.memref_slice %arg15[%dma_wait3A_104, %dma_wait3A_105] : memref<10240x128xf32, #tpu.memory_space<vmem_shared>> -> memref<64x128xf32, #tpu.memory_space<vmem_shared>>
        tpu.wait_dma2 semaphore(%arg25 : memref<!tpu.dma_semaphore, #tpu.memory_space<semaphore_mem>>) src(%arg14 : memref<64x128xf32, #tpu.memory_space<vmem>>) dst(%dma_wait3A_106 : memref<64x128xf32, #tpu.memory_space<vmem_shared>>)
        %mul3A_107 = arith.constant 2 : i32
        %mul3A_108 = arith.muli %scan3A_37, %mul3A_107 : i32
        %add3A_109 = arith.constant 1 : i32
        %add3A_110 = arith.addi %mul3A_108, %add3A_109 : i32
        %add3A_111 = arith.constant 1 : i32
        %add3A_112 = arith.addi %add3A_110, %add3A_111 : i32
        %lt3A_113 = arith.constant 10 : i32
        %lt3A_114 = arith.cmpi slt, %add3A_112, %lt3A_113 : i32
        %convert_element_type3A_115 = arith.extui %lt3A_114 : i1 to i32
        %cond3A_116 = arith.constant 0 : i32
        %cond3A_117 = arith.cmpi ne, %convert_element_type3A_115, %cond3A_116 : i32
        scf.if %cond3A_117 {
          %add3A_180 = arith.constant 1 : i32
          %add3A_181 = arith.addi %add3A_110, %add3A_180 : i32
          %dma_start3A_182 = arith.constant 0 : i32
          %dma_start3A_183 = arith.constant 0 : i32
          %dma_start3A_184 = tpu.memref_slice %arg3[%add3A, %arg1, %add3A_181, %dma_start3A_182, %dma_start3A_183] : memref<4x16x10x32x64xi32, #tpu.memory_space<hbm>> -> memref<1x1x1x32x64xi32, #tpu.memory_space<hbm>>
          %dma_start3A_185 = tpu.memref_squeeze %dma_start3A_184 : memref<1x1x1x32x64xi32, #tpu.memory_space<hbm>> -> memref<32x64xi32, #tpu.memory_space<hbm>>
          %dma_start3A_186 = arith.constant 0 : i32
          %dma_start3A_187 = arith.constant 0 : i32
          %dma_start3A_188 = tpu.memref_slice %arg3[%add3A, %arg1, %add3A_181, %dma_start3A_186, %dma_start3A_187] : memref<4x16x10x32x64xi32, #tpu.memory_space<hbm>> -> memref<1x1x1x32x64xi32, #tpu.memory_space<hbm>>
          %dma_start3A_189 = tpu.memref_squeeze %dma_start3A_188 : memref<1x1x1x32x64xi32, #tpu.memory_space<hbm>> -> memref<32x64xi32, #tpu.memory_space<hbm>>
          tpu.enqueue_dma source(%dma_start3A_189 : memref<32x64xi32, #tpu.memory_space<hbm>>) target(%arg7 : memref<32x64xi32, #tpu.memory_space<vmem>>) target_semaphore(%arg16 : memref<!tpu.dma_semaphore, #tpu.memory_space<semaphore_mem>>)
          %add3A_190 = arith.constant 1 : i32
          %add3A_191 = arith.addi %add3A_110, %add3A_190 : i32
          %dma_start3A_192 = arith.constant 0 : i32
          %dma_start3A_193 = arith.constant 0 : i32
          %dma_start3A_194 = tpu.memref_slice %arg4[%arg1, %add3A_191, %dma_start3A_192, %dma_start3A_193] : memref<16x10x32x64xi32, #tpu.memory_space<hbm>> -> memref<1x1x32x64xi32, #tpu.memory_space<hbm>>
          %dma_start3A_195 = tpu.memref_squeeze %dma_start3A_194 : memref<1x1x32x64xi32, #tpu.memory_space<hbm>> -> memref<32x64xi32, #tpu.memory_space<hbm>>
          %dma_start3A_196 = arith.constant 0 : i32
          %dma_start3A_197 = arith.constant 0 : i32
          %dma_start3A_198 = tpu.memref_slice %arg4[%arg1, %add3A_191, %dma_start3A_196, %dma_start3A_197] : memref<16x10x32x64xi32, #tpu.memory_space<hbm>> -> memref<1x1x32x64xi32, #tpu.memory_space<hbm>>
          %dma_start3A_199 = tpu.memref_squeeze %dma_start3A_198 : memref<1x1x32x64xi32, #tpu.memory_space<hbm>> -> memref<32x64xi32, #tpu.memory_space<hbm>>
          tpu.enqueue_dma source(%dma_start3A_199 : memref<32x64xi32, #tpu.memory_space<hbm>>) target(%arg9 : memref<32x64xi32, #tpu.memory_space<vmem>>) target_semaphore(%arg16 : memref<!tpu.dma_semaphore, #tpu.memory_space<semaphore_mem>>)
        } else {
        }
        %dma_wait3A_118 = arith.constant 0 : i32
        %dma_wait3A_119 = arith.constant 0 : i32
        %dma_wait3A_120 = arith.constant 0 : i32
        %dma_wait3A_121 = tpu.memref_slice %arg3[%add3A, %arg1, %dma_wait3A_118, %dma_wait3A_119, %dma_wait3A_120] : memref<4x16x10x32x64xi32, #tpu.memory_space<hbm>> -> memref<1x1x1x32x64xi32, #tpu.memory_space<hbm>>
        %dma_wait3A_122 = tpu.memref_squeeze %dma_wait3A_121 : memref<1x1x1x32x64xi32, #tpu.memory_space<hbm>> -> memref<32x64xi32, #tpu.memory_space<hbm>>
        %dma_wait3A_123 = arith.constant 0 : i32
        %dma_wait3A_124 = arith.constant 0 : i32
        %dma_wait3A_125 = tpu.memref_slice %arg3[%add3A, %arg1, %dma_wait3A_118, %dma_wait3A_123, %dma_wait3A_124] : memref<4x16x10x32x64xi32, #tpu.memory_space<hbm>> -> memref<1x1x1x32x64xi32, #tpu.memory_space<hbm>>
        %dma_wait3A_126 = tpu.memref_squeeze %dma_wait3A_125 : memref<1x1x1x32x64xi32, #tpu.memory_space<hbm>> -> memref<32x64xi32, #tpu.memory_space<hbm>>
        tpu.wait_dma2 semaphore(%arg17 : memref<!tpu.dma_semaphore, #tpu.memory_space<semaphore_mem>>) src(%dma_wait3A_126 : memref<32x64xi32, #tpu.memory_space<hbm>>) dst(%arg8 : memref<32x64xi32, #tpu.memory_space<vmem>>)
        %dma_wait3A_127 = arith.constant 0 : i32
        %dma_wait3A_128 = arith.constant 0 : i32
        %dma_wait3A_129 = arith.constant 0 : i32
        %dma_wait3A_130 = tpu.memref_slice %arg4[%arg1, %dma_wait3A_127, %dma_wait3A_128, %dma_wait3A_129] : memref<16x10x32x64xi32, #tpu.memory_space<hbm>> -> memref<1x1x32x64xi32, #tpu.memory_space<hbm>>
        %dma_wait3A_131 = tpu.memref_squeeze %dma_wait3A_130 : memref<1x1x32x64xi32, #tpu.memory_space<hbm>> -> memref<32x64xi32, #tpu.memory_space<hbm>>
        %dma_wait3A_132 = arith.constant 0 : i32
        %dma_wait3A_133 = arith.constant 0 : i32
        %dma_wait3A_134 = tpu.memref_slice %arg4[%arg1, %dma_wait3A_127, %dma_wait3A_132, %dma_wait3A_133] : memref<16x10x32x64xi32, #tpu.memory_space<hbm>> -> memref<1x1x32x64xi32, #tpu.memory_space<hbm>>
        %dma_wait3A_135 = tpu.memref_squeeze %dma_wait3A_134 : memref<1x1x32x64xi32, #tpu.memory_space<hbm>> -> memref<32x64xi32, #tpu.memory_space<hbm>>
        tpu.wait_dma2 semaphore(%arg17 : memref<!tpu.dma_semaphore, #tpu.memory_space<semaphore_mem>>) src(%dma_wait3A_135 : memref<32x64xi32, #tpu.memory_space<hbm>>) dst(%arg10 : memref<32x64xi32, #tpu.memory_space<vmem>>)
        %dma_start3A_136 = arith.constant 0 : i32
        %dma_start3A_137 = arith.constant 0 : i32
        %dma_start3A_138 = tpu.memref_slice %arg8[%dma_start3A_136, %dma_start3A_137] : memref<32x64xi32, #tpu.memory_space<vmem>> -> memref<1x64xi32, #tpu.memory_space<vmem>>
        %dma_start3A_139 = tpu.memref_squeeze %dma_start3A_138 : memref<1x64xi32, #tpu.memory_space<vmem>> -> memref<64xi32, #tpu.memory_space<vmem>>
        %dma_start3A_140 = arith.constant 0 : i32
        %dma_start3A_141 = arith.constant 0 : i32
        %dma_start3A_142 = tpu.memref_slice %arg2[%dma_start3A_140, %dma_start3A_141] : memref<40960x128xf32, #tpu.memory_space<hbm>> -> memref<40960x128xf32, #tpu.memory_space<hbm>>
        tpu.enqueue_indirect_dma source(%dma_start3A_142 : memref<40960x128xf32, #tpu.memory_space<hbm>>) target(%arg11 : memref<64x128xf32, #tpu.memory_space<vmem>>) offsets(%dma_start3A_139 : memref<64xi32, #tpu.memory_space<vmem>>) semaphore(%arg18 : memref<!tpu.dma_semaphore, #tpu.memory_space<semaphore_mem>>)
        %dma_start3A_143 = arith.constant 1 : i32
        %dma_start3A_144 = arith.constant 0 : i32
        %dma_start3A_145 = tpu.memref_slice %arg8[%dma_start3A_143, %dma_start3A_144] : memref<32x64xi32, #tpu.memory_space<vmem>> -> memref<1x64xi32, #tpu.memory_space<vmem>>
        %dma_start3A_146 = tpu.memref_squeeze %dma_start3A_145 : memref<1x64xi32, #tpu.memory_space<vmem>> -> memref<64xi32, #tpu.memory_space<vmem>>
        %dma_start3A_147 = arith.constant 0 : i32
        %dma_start3A_148 = arith.constant 0 : i32
        %dma_start3A_149 = tpu.memref_slice %arg2[%dma_start3A_147, %dma_start3A_148] : memref<40960x128xf32, #tpu.memory_space<hbm>> -> memref<40960x128xf32, #tpu.memory_space<hbm>>
        tpu.enqueue_indirect_dma source(%dma_start3A_149 : memref<40960x128xf32, #tpu.memory_space<hbm>>) target(%arg12 : memref<64x128xf32, #tpu.memory_space<vmem>>) offsets(%dma_start3A_146 : memref<64xi32, #tpu.memory_space<vmem>>) semaphore(%arg19 : memref<!tpu.dma_semaphore, #tpu.memory_space<semaphore_mem>>)
        %scan3A_150 = arith.constant 0 : i32
        %scan3A_151 = arith.constant 0 : i32
        %scan3A_152 = arith.constant 8 : i32
        %scan3A_153 = arith.addi %scan3A_151, %scan3A_152 : i32
        %scan3A_154 = arith.constant 1 : i32
        scf.for %scan3A_180 = %scan3A_151 to %scan3A_153 step %scan3A_154  : i32 {
          %mul3A_181 = arith.constant 4 : i32
          %mul3A_182 = arith.muli %scan3A_180, %mul3A_181 : i32
          %add3A_183 = arith.constant 0 : i32
          %add3A_184 = arith.addi %mul3A_182, %add3A_183 : i32
          %ge3A = arith.constant 2 : i32
          %ge3A_185 = arith.cmpi sge, %add3A_184, %ge3A : i32
          %add3A_186 = arith.constant 2 : i32
          %add3A_187 = arith.addi %add3A_184, %add3A_186 : i32
          %lt3A_188 = arith.constant 32 : i32
          %lt3A_189 = arith.cmpi slt, %add3A_187, %lt3A_188 : i32
          %and3A = arith.andi %ge3A_185, %lt3A_189 : i1
          %convert_element_type3A_190 = arith.extui %and3A : i1 to i32
          %cond3A_191 = arith.constant 0 : i32
          %cond3A_192 = arith.cmpi ne, %convert_element_type3A_190, %cond3A_191 : i32
          scf.if %cond3A_192 {
            %dma_wait3A_311 = arith.constant 0 : i32
            %dma_wait3A_312 = arith.constant 0 : i32
            %dma_wait3A_313 = tpu.memref_slice %arg15[%dma_wait3A_311, %dma_wait3A_312] : memref<10240x128xf32, #tpu.memory_space<vmem_shared>> -> memref<64x128xf32, #tpu.memory_space<vmem_shared>>
            %dma_wait3A_314 = arith.constant 0 : i32
            %dma_wait3A_315 = arith.constant 0 : i32
            %dma_wait3A_316 = tpu.memref_slice %arg15[%dma_wait3A_314, %dma_wait3A_315] : memref<10240x128xf32, #tpu.memory_space<vmem_shared>> -> memref<64x128xf32, #tpu.memory_space<vmem_shared>>
            tpu.wait_dma2 semaphore(%arg24 : memref<!tpu.dma_semaphore, #tpu.memory_space<semaphore_mem>>) src(%arg13 : memref<64x128xf32, #tpu.memory_space<vmem>>) dst(%dma_wait3A_316 : memref<64x128xf32, #tpu.memory_space<vmem_shared>>)
          } else {
          }
          %add3A_193 = arith.constant 2 : i32
          %add3A_194 = arith.addi %add3A_184, %add3A_193 : i32
          %lt3A_195 = arith.constant 32 : i32
          %lt3A_196 = arith.cmpi slt, %add3A_194, %lt3A_195 : i32
          %convert_element_type3A_197 = arith.extui %lt3A_196 : i1 to i32
          %cond3A_198 = arith.constant 0 : i32
          %cond3A_199 = arith.cmpi ne, %convert_element_type3A_197, %cond3A_198 : i32
          scf.if %cond3A_199 {
            %add3A_311 = arith.constant 2 : i32
            %add3A_312 = arith.addi %add3A_184, %add3A_311 : i32
            %dma_start3A_313 = arith.constant 0 : i32
            %dma_start3A_314 = tpu.memref_slice %arg8[%add3A_312, %dma_start3A_313] : memref<32x64xi32, #tpu.memory_space<vmem>> -> memref<1x64xi32, #tpu.memory_space<vmem>>
            %dma_start3A_315 = tpu.memref_squeeze %dma_start3A_314 : memref<1x64xi32, #tpu.memory_space<vmem>> -> memref<64xi32, #tpu.memory_space<vmem>>
            %dma_start3A_316 = arith.constant 0 : i32
            %dma_start3A_317 = arith.constant 0 : i32
            %dma_start3A_318 = tpu.memref_slice %arg2[%dma_start3A_316, %dma_start3A_317] : memref<40960x128xf32, #tpu.memory_space<hbm>> -> memref<40960x128xf32, #tpu.memory_space<hbm>>
            tpu.enqueue_indirect_dma source(%dma_start3A_318 : memref<40960x128xf32, #tpu.memory_space<hbm>>) target(%arg13 : memref<64x128xf32, #tpu.memory_space<vmem>>) offsets(%dma_start3A_315 : memref<64xi32, #tpu.memory_space<vmem>>) semaphore(%arg20 : memref<!tpu.dma_semaphore, #tpu.memory_space<semaphore_mem>>)
          } else {
          }
          %dma_wait3A_200 = arith.constant 0 : i32
          %dma_wait3A_201 = arith.constant 0 : i32
          %dma_wait3A_202 = tpu.memref_slice %arg2[%dma_wait3A_200, %dma_wait3A_201] : memref<40960x128xf32, #tpu.memory_space<hbm>> -> memref<64x128xf32, #tpu.memory_space<hbm>>
          %dma_wait3A_203 = arith.constant 0 : i32
          %dma_wait3A_204 = arith.constant 0 : i32
          %dma_wait3A_205 = tpu.memref_slice %arg2[%dma_wait3A_203, %dma_wait3A_204] : memref<40960x128xf32, #tpu.memory_space<hbm>> -> memref<64x128xf32, #tpu.memory_space<hbm>>
          tpu.wait_dma2 semaphore(%arg18 : memref<!tpu.dma_semaphore, #tpu.memory_space<semaphore_mem>>) src(%dma_wait3A_205 : memref<64x128xf32, #tpu.memory_space<hbm>>) dst(%arg11 : memref<64x128xf32, #tpu.memory_space<vmem>>)
          %dma_start3A_206 = arith.constant 0 : i32
          %dma_start3A_207 = tpu.memref_slice %arg10[%add3A_184, %dma_start3A_206] : memref<32x64xi32, #tpu.memory_space<vmem>> -> memref<1x64xi32, #tpu.memory_space<vmem>>
          %dma_start3A_208 = tpu.memref_squeeze %dma_start3A_207 : memref<1x64xi32, #tpu.memory_space<vmem>> -> memref<64xi32, #tpu.memory_space<vmem>>
          %dma_start3A_209 = arith.constant 0 : i32
          %dma_start3A_210 = arith.constant 0 : i32
          %dma_start3A_211 = tpu.memref_slice %arg15[%dma_start3A_209, %dma_start3A_210] : memref<10240x128xf32, #tpu.memory_space<vmem_shared>> -> memref<10240x128xf32, #tpu.memory_space<vmem_shared>>
          tpu.enqueue_indirect_dma source(%arg11 : memref<64x128xf32, #tpu.memory_space<vmem>>) target(%dma_start3A_211 : memref<10240x128xf32, #tpu.memory_space<vmem_shared>>) offsets(%dma_start3A_208 : memref<64xi32, #tpu.memory_space<vmem>>) semaphore(%arg22 : memref<!tpu.dma_semaphore, #tpu.memory_space<semaphore_mem>>) {add = true}
          %mul3A_212 = arith.constant 4 : i32
          %mul3A_213 = arith.muli %scan3A_180, %mul3A_212 : i32
          %add3A_214 = arith.constant 1 : i32
          %add3A_215 = arith.addi %mul3A_213, %add3A_214 : i32
          %ge3A_216 = arith.constant 2 : i32
          %ge3A_217 = arith.cmpi sge, %add3A_215, %ge3A_216 : i32
          %add3A_218 = arith.constant 2 : i32
          %add3A_219 = arith.addi %add3A_215, %add3A_218 : i32
          %lt3A_220 = arith.constant 32 : i32
          %lt3A_221 = arith.cmpi slt, %add3A_219, %lt3A_220 : i32
          %and3A_222 = arith.andi %ge3A_217, %lt3A_221 : i1
          %convert_element_type3A_223 = arith.extui %and3A_222 : i1 to i32
          %cond3A_224 = arith.constant 0 : i32
          %cond3A_225 = arith.cmpi ne, %convert_element_type3A_223, %cond3A_224 : i32
          scf.if %cond3A_225 {
            %dma_wait3A_311 = arith.constant 0 : i32
            %dma_wait3A_312 = arith.constant 0 : i32
            %dma_wait3A_313 = tpu.memref_slice %arg15[%dma_wait3A_311, %dma_wait3A_312] : memref<10240x128xf32, #tpu.memory_space<vmem_shared>> -> memref<64x128xf32, #tpu.memory_space<vmem_shared>>
            %dma_wait3A_314 = arith.constant 0 : i32
            %dma_wait3A_315 = arith.constant 0 : i32
            %dma_wait3A_316 = tpu.memref_slice %arg15[%dma_wait3A_314, %dma_wait3A_315] : memref<10240x128xf32, #tpu.memory_space<vmem_shared>> -> memref<64x128xf32, #tpu.memory_space<vmem_shared>>
            tpu.wait_dma2 semaphore(%arg25 : memref<!tpu.dma_semaphore, #tpu.memory_space<semaphore_mem>>) src(%arg14 : memref<64x128xf32, #tpu.memory_space<vmem>>) dst(%dma_wait3A_316 : memref<64x128xf32, #tpu.memory_space<vmem_shared>>)
          } else {
          }
          %add3A_226 = arith.constant 2 : i32
          %add3A_227 = arith.addi %add3A_215, %add3A_226 : i32
          %lt3A_228 = arith.constant 32 : i32
          %lt3A_229 = arith.cmpi slt, %add3A_227, %lt3A_228 : i32
          %convert_element_type3A_230 = arith.extui %lt3A_229 : i1 to i32
          %cond3A_231 = arith.constant 0 : i32
          %cond3A_232 = arith.cmpi ne, %convert_element_type3A_230, %cond3A_231 : i32
          scf.if %cond3A_232 {
            %add3A_311 = arith.constant 2 : i32
            %add3A_312 = arith.addi %add3A_215, %add3A_311 : i32
            %dma_start3A_313 = arith.constant 0 : i32
            %dma_start3A_314 = tpu.memref_slice %arg8[%add3A_312, %dma_start3A_313] : memref<32x64xi32, #tpu.memory_space<vmem>> -> memref<1x64xi32, #tpu.memory_space<vmem>>
            %dma_start3A_315 = tpu.memref_squeeze %dma_start3A_314 : memref<1x64xi32, #tpu.memory_space<vmem>> -> memref<64xi32, #tpu.memory_space<vmem>>
            %dma_start3A_316 = arith.constant 0 : i32
            %dma_start3A_317 = arith.constant 0 : i32
            %dma_start3A_318 = tpu.memref_slice %arg2[%dma_start3A_316, %dma_start3A_317] : memref<40960x128xf32, #tpu.memory_space<hbm>> -> memref<40960x128xf32, #tpu.memory_space<hbm>>
            tpu.enqueue_indirect_dma source(%dma_start3A_318 : memref<40960x128xf32, #tpu.memory_space<hbm>>) target(%arg14 : memref<64x128xf32, #tpu.memory_space<vmem>>) offsets(%dma_start3A_315 : memref<64xi32, #tpu.memory_space<vmem>>) semaphore(%arg21 : memref<!tpu.dma_semaphore, #tpu.memory_space<semaphore_mem>>)
          } else {
          }
          %dma_wait3A_233 = arith.constant 0 : i32
          %dma_wait3A_234 = arith.constant 0 : i32
          %dma_wait3A_235 = tpu.memref_slice %arg2[%dma_wait3A_233, %dma_wait3A_234] : memref<40960x128xf32, #tpu.memory_space<hbm>> -> memref<64x128xf32, #tpu.memory_space<hbm>>
          %dma_wait3A_236 = arith.constant 0 : i32
          %dma_wait3A_237 = arith.constant 0 : i32
          %dma_wait3A_238 = tpu.memref_slice %arg2[%dma_wait3A_236, %dma_wait3A_237] : memref<40960x128xf32, #tpu.memory_space<hbm>> -> memref<64x128xf32, #tpu.memory_space<hbm>>
          tpu.wait_dma2 semaphore(%arg19 : memref<!tpu.dma_semaphore, #tpu.memory_space<semaphore_mem>>) src(%dma_wait3A_238 : memref<64x128xf32, #tpu.memory_space<hbm>>) dst(%arg12 : memref<64x128xf32, #tpu.memory_space<vmem>>)
          %dma_start3A_239 = arith.constant 0 : i32
          %dma_start3A_240 = tpu.memref_slice %arg10[%add3A_215, %dma_start3A_239] : memref<32x64xi32, #tpu.memory_space<vmem>> -> memref<1x64xi32, #tpu.memory_space<vmem>>
          %dma_start3A_241 = tpu.memref_squeeze %dma_start3A_240 : memref<1x64xi32, #tpu.memory_space<vmem>> -> memref<64xi32, #tpu.memory_space<vmem>>
          %dma_start3A_242 = arith.constant 0 : i32
          %dma_start3A_243 = arith.constant 0 : i32
          %dma_start3A_244 = tpu.memref_slice %arg15[%dma_start3A_242, %dma_start3A_243] : memref<10240x128xf32, #tpu.memory_space<vmem_shared>> -> memref<10240x128xf32, #tpu.memory_space<vmem_shared>>
          tpu.enqueue_indirect_dma source(%arg12 : memref<64x128xf32, #tpu.memory_space<vmem>>) target(%dma_start3A_244 : memref<10240x128xf32, #tpu.memory_space<vmem_shared>>) offsets(%dma_start3A_241 : memref<64xi32, #tpu.memory_space<vmem>>) semaphore(%arg23 : memref<!tpu.dma_semaphore, #tpu.memory_space<semaphore_mem>>) {add = true}
          %mul3A_245 = arith.constant 4 : i32
          %mul3A_246 = arith.muli %scan3A_180, %mul3A_245 : i32
          %add3A_247 = arith.constant 2 : i32
          %add3A_248 = arith.addi %mul3A_246, %add3A_247 : i32
          %ge3A_249 = arith.constant 2 : i32
          %ge3A_250 = arith.cmpi sge, %add3A_248, %ge3A_249 : i32
          %add3A_251 = arith.constant 2 : i32
          %add3A_252 = arith.addi %add3A_248, %add3A_251 : i32
          %lt3A_253 = arith.constant 32 : i32
          %lt3A_254 = arith.cmpi slt, %add3A_252, %lt3A_253 : i32
          %and3A_255 = arith.andi %ge3A_250, %lt3A_254 : i1
          %convert_element_type3A_256 = arith.extui %and3A_255 : i1 to i32
          %cond3A_257 = arith.constant 0 : i32
          %cond3A_258 = arith.cmpi ne, %convert_element_type3A_256, %cond3A_257 : i32
          scf.if %cond3A_258 {
            %dma_wait3A_311 = arith.constant 0 : i32
            %dma_wait3A_312 = arith.constant 0 : i32
            %dma_wait3A_313 = tpu.memref_slice %arg15[%dma_wait3A_311, %dma_wait3A_312] : memref<10240x128xf32, #tpu.memory_space<vmem_shared>> -> memref<64x128xf32, #tpu.memory_space<vmem_shared>>
            %dma_wait3A_314 = arith.constant 0 : i32
            %dma_wait3A_315 = arith.constant 0 : i32
            %dma_wait3A_316 = tpu.memref_slice %arg15[%dma_wait3A_314, %dma_wait3A_315] : memref<10240x128xf32, #tpu.memory_space<vmem_shared>> -> memref<64x128xf32, #tpu.memory_space<vmem_shared>>
            tpu.wait_dma2 semaphore(%arg22 : memref<!tpu.dma_semaphore, #tpu.memory_space<semaphore_mem>>) src(%arg11 : memref<64x128xf32, #tpu.memory_space<vmem>>) dst(%dma_wait3A_316 : memref<64x128xf32, #tpu.memory_space<vmem_shared>>)
          } else {
          }
          %add3A_259 = arith.constant 2 : i32
          %add3A_260 = arith.addi %add3A_248, %add3A_259 : i32
          %lt3A_261 = arith.constant 32 : i32
          %lt3A_262 = arith.cmpi slt, %add3A_260, %lt3A_261 : i32
          %convert_element_type3A_263 = arith.extui %lt3A_262 : i1 to i32
          %cond3A_264 = arith.constant 0 : i32
          %cond3A_265 = arith.cmpi ne, %convert_element_type3A_263, %cond3A_264 : i32
          scf.if %cond3A_265 {
            %add3A_311 = arith.constant 2 : i32
            %add3A_312 = arith.addi %add3A_248, %add3A_311 : i32
            %dma_start3A_313 = arith.constant 0 : i32
            %dma_start3A_314 = tpu.memref_slice %arg8[%add3A_312, %dma_start3A_313] : memref<32x64xi32, #tpu.memory_space<vmem>> -> memref<1x64xi32, #tpu.memory_space<vmem>>
            %dma_start3A_315 = tpu.memref_squeeze %dma_start3A_314 : memref<1x64xi32, #tpu.memory_space<vmem>> -> memref<64xi32, #tpu.memory_space<vmem>>
            %dma_start3A_316 = arith.constant 0 : i32
            %dma_start3A_317 = arith.constant 0 : i32
            %dma_start3A_318 = tpu.memref_slice %arg2[%dma_start3A_316, %dma_start3A_317] : memref<40960x128xf32, #tpu.memory_space<hbm>> -> memref<40960x128xf32, #tpu.memory_space<hbm>>
            tpu.enqueue_indirect_dma source(%dma_start3A_318 : memref<40960x128xf32, #tpu.memory_space<hbm>>) target(%arg11 : memref<64x128xf32, #tpu.memory_space<vmem>>) offsets(%dma_start3A_315 : memref<64xi32, #tpu.memory_space<vmem>>) semaphore(%arg18 : memref<!tpu.dma_semaphore, #tpu.memory_space<semaphore_mem>>)
          } else {
          }
          %dma_wait3A_266 = arith.constant 0 : i32
          %dma_wait3A_267 = arith.constant 0 : i32
          %dma_wait3A_268 = tpu.memref_slice %arg2[%dma_wait3A_266, %dma_wait3A_267] : memref<40960x128xf32, #tpu.memory_space<hbm>> -> memref<64x128xf32, #tpu.memory_space<hbm>>
          %dma_wait3A_269 = arith.constant 0 : i32
          %dma_wait3A_270 = arith.constant 0 : i32
          %dma_wait3A_271 = tpu.memref_slice %arg2[%dma_wait3A_269, %dma_wait3A_270] : memref<40960x128xf32, #tpu.memory_space<hbm>> -> memref<64x128xf32, #tpu.memory_space<hbm>>
          tpu.wait_dma2 semaphore(%arg20 : memref<!tpu.dma_semaphore, #tpu.memory_space<semaphore_mem>>) src(%dma_wait3A_271 : memref<64x128xf32, #tpu.memory_space<hbm>>) dst(%arg13 : memref<64x128xf32, #tpu.memory_space<vmem>>)
          %dma_start3A_272 = arith.constant 0 : i32
          %dma_start3A_273 = tpu.memref_slice %arg10[%add3A_248, %dma_start3A_272] : memref<32x64xi32, #tpu.memory_space<vmem>> -> memref<1x64xi32, #tpu.memory_space<vmem>>
          %dma_start3A_274 = tpu.memref_squeeze %dma_start3A_273 : memref<1x64xi32, #tpu.memory_space<vmem>> -> memref<64xi32, #tpu.memory_space<vmem>>
          %dma_start3A_275 = arith.constant 0 : i32
          %dma_start3A_276 = arith.constant 0 : i32
          %dma_start3A_277 = tpu.memref_slice %arg15[%dma_start3A_275, %dma_start3A_276] : memref<10240x128xf32, #tpu.memory_space<vmem_shared>> -> memref<10240x128xf32, #tpu.memory_space<vmem_shared>>
          tpu.enqueue_indirect_dma source(%arg13 : memref<64x128xf32, #tpu.memory_space<vmem>>) target(%dma_start3A_277 : memref<10240x128xf32, #tpu.memory_space<vmem_shared>>) offsets(%dma_start3A_274 : memref<64xi32, #tpu.memory_space<vmem>>) semaphore(%arg24 : memref<!tpu.dma_semaphore, #tpu.memory_space<semaphore_mem>>) {add = true}
          %mul3A_278 = arith.constant 4 : i32
          %mul3A_279 = arith.muli %scan3A_180, %mul3A_278 : i32
          %add3A_280 = arith.constant 3 : i32
          %add3A_281 = arith.addi %mul3A_279, %add3A_280 : i32
          %ge3A_282 = arith.constant 2 : i32
          %ge3A_283 = arith.cmpi sge, %add3A_281, %ge3A_282 : i32
          %add3A_284 = arith.constant 2 : i32
          %add3A_285 = arith.addi %add3A_281, %add3A_284 : i32
          %lt3A_286 = arith.constant 32 : i32
          %lt3A_287 = arith.cmpi slt, %add3A_285, %lt3A_286 : i32
          %and3A_288 = arith.andi %ge3A_283, %lt3A_287 : i1
          %convert_element_type3A_289 = arith.extui %and3A_288 : i1 to i32
          %cond3A_290 = arith.constant 0 : i32
          %cond3A_291 = arith.cmpi ne, %convert_element_type3A_289, %cond3A_290 : i32
          scf.if %cond3A_291 {
            %dma_wait3A_311 = arith.constant 0 : i32
            %dma_wait3A_312 = arith.constant 0 : i32
            %dma_wait3A_313 = tpu.memref_slice %arg15[%dma_wait3A_311, %dma_wait3A_312] : memref<10240x128xf32, #tpu.memory_space<vmem_shared>> -> memref<64x128xf32, #tpu.memory_space<vmem_shared>>
            %dma_wait3A_314 = arith.constant 0 : i32
            %dma_wait3A_315 = arith.constant 0 : i32
            %dma_wait3A_316 = tpu.memref_slice %arg15[%dma_wait3A_314, %dma_wait3A_315] : memref<10240x128xf32, #tpu.memory_space<vmem_shared>> -> memref<64x128xf32, #tpu.memory_space<vmem_shared>>
            tpu.wait_dma2 semaphore(%arg23 : memref<!tpu.dma_semaphore, #tpu.memory_space<semaphore_mem>>) src(%arg12 : memref<64x128xf32, #tpu.memory_space<vmem>>) dst(%dma_wait3A_316 : memref<64x128xf32, #tpu.memory_space<vmem_shared>>)
          } else {
          }
          %add3A_292 = arith.constant 2 : i32
          %add3A_293 = arith.addi %add3A_281, %add3A_292 : i32
          %lt3A_294 = arith.constant 32 : i32
          %lt3A_295 = arith.cmpi slt, %add3A_293, %lt3A_294 : i32
          %convert_element_type3A_296 = arith.extui %lt3A_295 : i1 to i32
          %cond3A_297 = arith.constant 0 : i32
          %cond3A_298 = arith.cmpi ne, %convert_element_type3A_296, %cond3A_297 : i32
          scf.if %cond3A_298 {
            %add3A_311 = arith.constant 2 : i32
            %add3A_312 = arith.addi %add3A_281, %add3A_311 : i32
            %dma_start3A_313 = arith.constant 0 : i32
            %dma_start3A_314 = tpu.memref_slice %arg8[%add3A_312, %dma_start3A_313] : memref<32x64xi32, #tpu.memory_space<vmem>> -> memref<1x64xi32, #tpu.memory_space<vmem>>
            %dma_start3A_315 = tpu.memref_squeeze %dma_start3A_314 : memref<1x64xi32, #tpu.memory_space<vmem>> -> memref<64xi32, #tpu.memory_space<vmem>>
            %dma_start3A_316 = arith.constant 0 : i32
            %dma_start3A_317 = arith.constant 0 : i32
            %dma_start3A_318 = tpu.memref_slice %arg2[%dma_start3A_316, %dma_start3A_317] : memref<40960x128xf32, #tpu.memory_space<hbm>> -> memref<40960x128xf32, #tpu.memory_space<hbm>>
            tpu.enqueue_indirect_dma source(%dma_start3A_318 : memref<40960x128xf32, #tpu.memory_space<hbm>>) target(%arg12 : memref<64x128xf32, #tpu.memory_space<vmem>>) offsets(%dma_start3A_315 : memref<64xi32, #tpu.memory_space<vmem>>) semaphore(%arg19 : memref<!tpu.dma_semaphore, #tpu.memory_space<semaphore_mem>>)
          } else {
          }
          %dma_wait3A_299 = arith.constant 0 : i32
          %dma_wait3A_300 = arith.constant 0 : i32
          %dma_wait3A_301 = tpu.memref_slice %arg2[%dma_wait3A_299, %dma_wait3A_300] : memref<40960x128xf32, #tpu.memory_space<hbm>> -> memref<64x128xf32, #tpu.memory_space<hbm>>
          %dma_wait3A_302 = arith.constant 0 : i32
          %dma_wait3A_303 = arith.constant 0 : i32
          %dma_wait3A_304 = tpu.memref_slice %arg2[%dma_wait3A_302, %dma_wait3A_303] : memref<40960x128xf32, #tpu.memory_space<hbm>> -> memref<64x128xf32, #tpu.memory_space<hbm>>
          tpu.wait_dma2 semaphore(%arg21 : memref<!tpu.dma_semaphore, #tpu.memory_space<semaphore_mem>>) src(%dma_wait3A_304 : memref<64x128xf32, #tpu.memory_space<hbm>>) dst(%arg14 : memref<64x128xf32, #tpu.memory_space<vmem>>)
          %dma_start3A_305 = arith.constant 0 : i32
          %dma_start3A_306 = tpu.memref_slice %arg10[%add3A_281, %dma_start3A_305] : memref<32x64xi32, #tpu.memory_space<vmem>> -> memref<1x64xi32, #tpu.memory_space<vmem>>
          %dma_start3A_307 = tpu.memref_squeeze %dma_start3A_306 : memref<1x64xi32, #tpu.memory_space<vmem>> -> memref<64xi32, #tpu.memory_space<vmem>>
          %dma_start3A_308 = arith.constant 0 : i32
          %dma_start3A_309 = arith.constant 0 : i32
          %dma_start3A_310 = tpu.memref_slice %arg15[%dma_start3A_308, %dma_start3A_309] : memref<10240x128xf32, #tpu.memory_space<vmem_shared>> -> memref<10240x128xf32, #tpu.memory_space<vmem_shared>>
          tpu.enqueue_indirect_dma source(%arg14 : memref<64x128xf32, #tpu.memory_space<vmem>>) target(%dma_start3A_310 : memref<10240x128xf32, #tpu.memory_space<vmem_shared>>) offsets(%dma_start3A_307 : memref<64xi32, #tpu.memory_space<vmem>>) semaphore(%arg25 : memref<!tpu.dma_semaphore, #tpu.memory_space<semaphore_mem>>) {add = true}
        }
        %scan3A_155 = arith.constant 8 : i32
        %dma_wait3A_156 = arith.constant 0 : i32
        %dma_wait3A_157 = arith.constant 0 : i32
        %dma_wait3A_158 = tpu.memref_slice %arg15[%dma_wait3A_156, %dma_wait3A_157] : memref<10240x128xf32, #tpu.memory_space<vmem_shared>> -> memref<64x128xf32, #tpu.memory_space<vmem_shared>>
        %dma_wait3A_159 = arith.constant 0 : i32
        %dma_wait3A_160 = arith.constant 0 : i32
        %dma_wait3A_161 = tpu.memref_slice %arg15[%dma_wait3A_159, %dma_wait3A_160] : memref<10240x128xf32, #tpu.memory_space<vmem_shared>> -> memref<64x128xf32, #tpu.memory_space<vmem_shared>>
        tpu.wait_dma2 semaphore(%arg22 : memref<!tpu.dma_semaphore, #tpu.memory_space<semaphore_mem>>) src(%arg11 : memref<64x128xf32, #tpu.memory_space<vmem>>) dst(%dma_wait3A_161 : memref<64x128xf32, #tpu.memory_space<vmem_shared>>)
        %dma_wait3A_162 = arith.constant 0 : i32
        %dma_wait3A_163 = arith.constant 0 : i32
        %dma_wait3A_164 = tpu.memref_slice %arg15[%dma_wait3A_162, %dma_wait3A_163] : memref<10240x128xf32, #tpu.memory_space<vmem_shared>> -> memref<64x128xf32, #tpu.memory_space<vmem_shared>>
        %dma_wait3A_165 = arith.constant 0 : i32
        %dma_wait3A_166 = arith.constant 0 : i32
        %dma_wait3A_167 = tpu.memref_slice %arg15[%dma_wait3A_165, %dma_wait3A_166] : memref<10240x128xf32, #tpu.memory_space<vmem_shared>> -> memref<64x128xf32, #tpu.memory_space<vmem_shared>>
        tpu.wait_dma2 semaphore(%arg23 : memref<!tpu.dma_semaphore, #tpu.memory_space<semaphore_mem>>) src(%arg12 : memref<64x128xf32, #tpu.memory_space<vmem>>) dst(%dma_wait3A_167 : memref<64x128xf32, #tpu.memory_space<vmem_shared>>)
        %dma_wait3A_168 = arith.constant 0 : i32
        %dma_wait3A_169 = arith.constant 0 : i32
        %dma_wait3A_170 = tpu.memref_slice %arg15[%dma_wait3A_168, %dma_wait3A_169] : memref<10240x128xf32, #tpu.memory_space<vmem_shared>> -> memref<64x128xf32, #tpu.memory_space<vmem_shared>>
        %dma_wait3A_171 = arith.constant 0 : i32
        %dma_wait3A_172 = arith.constant 0 : i32
        %dma_wait3A_173 = tpu.memref_slice %arg15[%dma_wait3A_171, %dma_wait3A_172] : memref<10240x128xf32, #tpu.memory_space<vmem_shared>> -> memref<64x128xf32, #tpu.memory_space<vmem_shared>>
        tpu.wait_dma2 semaphore(%arg24 : memref<!tpu.dma_semaphore, #tpu.memory_space<semaphore_mem>>) src(%arg13 : memref<64x128xf32, #tpu.memory_space<vmem>>) dst(%dma_wait3A_173 : memref<64x128xf32, #tpu.memory_space<vmem_shared>>)
        %dma_wait3A_174 = arith.constant 0 : i32
        %dma_wait3A_175 = arith.constant 0 : i32
        %dma_wait3A_176 = tpu.memref_slice %arg15[%dma_wait3A_174, %dma_wait3A_175] : memref<10240x128xf32, #tpu.memory_space<vmem_shared>> -> memref<64x128xf32, #tpu.memory_space<vmem_shared>>
        %dma_wait3A_177 = arith.constant 0 : i32
        %dma_wait3A_178 = arith.constant 0 : i32
        %dma_wait3A_179 = tpu.memref_slice %arg15[%dma_wait3A_177, %dma_wait3A_178] : memref<10240x128xf32, #tpu.memory_space<vmem_shared>> -> memref<64x128xf32, #tpu.memory_space<vmem_shared>>
        tpu.wait_dma2 semaphore(%arg25 : memref<!tpu.dma_semaphore, #tpu.memory_space<semaphore_mem>>) src(%arg14 : memref<64x128xf32, #tpu.memory_space<vmem>>) dst(%dma_wait3A_179 : memref<64x128xf32, #tpu.memory_space<vmem_shared>>)
      }
      %scan3A_31 = arith.constant 5 : i32
      %barrier3A_32 = arith.constant 0 : index
      tpu.barrier barrier_id(%barrier3A_32)
      %mul3A_33 = arith.constant 10240 : i32
      %mul3A_34 = arith.muli %add3A, %mul3A_33 : i32
      %add3A_35 = arith.addi %mul3A_34, %mul3A_0 : i32
      "tpu.region"() ({
        %run_scoped3A = tpu.sem_alloc : memref<!tpu.dma_semaphore, #tpu.memory_space<semaphore_mem>>
        %dma_start3A_37 = arith.constant 0 : i32
        %dma_start3A_38 = tpu.memref_slice %arg6[%add3A_35, %dma_start3A_37] : memref<40960x128xf32, #tpu.memory_space<hbm>> -> memref<640x128xf32, #tpu.memory_space<hbm>>
        %dma_start3A_39 = arith.constant 0 : i32
        %dma_start3A_40 = tpu.memref_slice %arg15[%mul3A_0, %dma_start3A_39] : memref<10240x128xf32, #tpu.memory_space<vmem_shared>> -> memref<640x128xf32, #tpu.memory_space<vmem_shared>>
        tpu.enqueue_dma source(%dma_start3A_40 : memref<640x128xf32, #tpu.memory_space<vmem_shared>>) target(%dma_start3A_38 : memref<640x128xf32, #tpu.memory_space<hbm>>) target_semaphore(%run_scoped3A : memref<!tpu.dma_semaphore, #tpu.memory_space<semaphore_mem>>)
        %dma_wait3A = arith.constant 0 : i32
        %dma_wait3A_41 = tpu.memref_slice %arg6[%add3A_35, %dma_wait3A] : memref<40960x128xf32, #tpu.memory_space<hbm>> -> memref<640x128xf32, #tpu.memory_space<hbm>>
        %dma_wait3A_42 = arith.constant 0 : i32
        %dma_wait3A_43 = tpu.memref_slice %arg15[%mul3A_0, %dma_wait3A_42] : memref<10240x128xf32, #tpu.memory_space<vmem_shared>> -> memref<640x128xf32, #tpu.memory_space<vmem_shared>>
        tpu.wait_dma2 semaphore(%run_scoped3A : memref<!tpu.dma_semaphore, #tpu.memory_space<semaphore_mem>>) src(%dma_wait3A_43 : memref<640x128xf32, #tpu.memory_space<vmem_shared>>) dst(%dma_wait3A_41 : memref<640x128xf32, #tpu.memory_space<hbm>>)
        tpu.yield
      }) : () -> ()
      %barrier3A_36 = arith.constant 0 : index
      tpu.barrier barrier_id(%barrier3A_36)
    }
    %scan3A_5 = arith.constant 2 : i32
    return
  }
}

#map = affine_map<(d0, d1) -> (0, 0, 0)>
#map1 = affine_map<(d0, d1) -> (0)>
module attributes {stable_mosaic.version = 14 : i64} {
  func.func @_counts_body(%arg0: i32, %arg1: i32, %arg2: memref<16x160x128xi32, #tpu.memory_space<hbm>>, %arg3: memref<10240xf32, #tpu.memory_space<hbm>>, %arg4: memref<160x128xi32, #tpu.memory_space<vmem>>, %arg5: memref<10240xf32, #tpu.memory_space<vmem>>, %arg6: memref<640xf32, #tpu.memory_space<vmem>>, %arg7: memref<640xf32, #tpu.memory_space<vmem>>, %arg8: memref<16x10240xf32, #tpu.memory_space<vmem_shared>>) attributes {dimension_semantics = [#tpu.dimension_semantics<core_parallel>, #tpu.dimension_semantics<subcore_parallel>], iteration_bounds = array<i64: 2, 16>, scalar_prefetch = 0 : i64, scratch_operands = 5 : i64, tpu.core_type = #tpu.core_type<sc_vector_subcore>, window_params = [{transform_indices = #map}, {transform_indices = #map1}]} {
    %eq3A = arith.constant 0 : i32
    %eq3A_0 = arith.cmpi eq, %arg0, %eq3A : i32
    %convert_element_type3A = arith.extui %eq3A_0 : i1 to i32
    %cond3A = arith.constant 0 : i32
    %cond3A_1 = arith.cmpi ne, %convert_element_type3A, %cond3A : i32
    scf.if %cond3A_1 {
      "tpu.region"() ({
        %run_scoped3A = tpu.sem_alloc : memref<!tpu.dma_semaphore, #tpu.memory_space<semaphore_mem>>
        %dma_start3A = arith.constant 0 : i32
        %dma_start3A_29 = arith.constant 0 : i32
        %dma_start3A_30 = tpu.memref_slice %arg2[%arg1, %dma_start3A, %dma_start3A_29] : memref<16x160x128xi32, #tpu.memory_space<hbm>> -> memref<1x160x128xi32, #tpu.memory_space<hbm>>
        %dma_start3A_31 = tpu.memref_squeeze %dma_start3A_30 : memref<1x160x128xi32, #tpu.memory_space<hbm>> -> memref<160x128xi32, #tpu.memory_space<hbm>>
        %dma_start3A_32 = arith.constant 0 : i32
        %dma_start3A_33 = arith.constant 0 : i32
        %dma_start3A_34 = tpu.memref_slice %arg2[%arg1, %dma_start3A_32, %dma_start3A_33] : memref<16x160x128xi32, #tpu.memory_space<hbm>> -> memref<1x160x128xi32, #tpu.memory_space<hbm>>
        %dma_start3A_35 = tpu.memref_squeeze %dma_start3A_34 : memref<1x160x128xi32, #tpu.memory_space<hbm>> -> memref<160x128xi32, #tpu.memory_space<hbm>>
        tpu.enqueue_dma source(%dma_start3A_35 : memref<160x128xi32, #tpu.memory_space<hbm>>) target(%arg4 : memref<160x128xi32, #tpu.memory_space<vmem>>) target_semaphore(%run_scoped3A : memref<!tpu.dma_semaphore, #tpu.memory_space<semaphore_mem>>)
        %dma_wait3A = arith.constant 0 : i32
        %dma_wait3A_36 = arith.constant 0 : i32
        %dma_wait3A_37 = tpu.memref_slice %arg2[%arg1, %dma_wait3A, %dma_wait3A_36] : memref<16x160x128xi32, #tpu.memory_space<hbm>> -> memref<1x160x128xi32, #tpu.memory_space<hbm>>
        %dma_wait3A_38 = tpu.memref_squeeze %dma_wait3A_37 : memref<1x160x128xi32, #tpu.memory_space<hbm>> -> memref<160x128xi32, #tpu.memory_space<hbm>>
        %dma_wait3A_39 = arith.constant 0 : i32
        %dma_wait3A_40 = arith.constant 0 : i32
        %dma_wait3A_41 = tpu.memref_slice %arg2[%arg1, %dma_wait3A_39, %dma_wait3A_40] : memref<16x160x128xi32, #tpu.memory_space<hbm>> -> memref<1x160x128xi32, #tpu.memory_space<hbm>>
        %dma_wait3A_42 = tpu.memref_squeeze %dma_wait3A_41 : memref<1x160x128xi32, #tpu.memory_space<hbm>> -> memref<160x128xi32, #tpu.memory_space<hbm>>
        tpu.wait_dma2 semaphore(%run_scoped3A : memref<!tpu.dma_semaphore, #tpu.memory_space<semaphore_mem>>) src(%dma_wait3A_42 : memref<160x128xi32, #tpu.memory_space<hbm>>) dst(%arg4 : memref<160x128xi32, #tpu.memory_space<vmem>>)
        tpu.yield
      }) : () -> ()
      %broadcast_in_dim3A = arith.constant 0.000000e+00 : f32
      %broadcast_in_dim3A_2 = vector.broadcast %broadcast_in_dim3A : f32 to vector<16xf32>
      %scan3A = arith.constant 0 : i32
      %scan3A_3 = arith.constant 0 : i32
      %scan3A_4 = arith.constant 640 : i32
      %scan3A_5 = arith.addi %scan3A_3, %scan3A_4 : i32
      %scan3A_6 = arith.constant 1 : i32
      scf.for %scan3A_29 = %scan3A_3 to %scan3A_5 step %scan3A_6  : i32 {
        %mul3A_30 = arith.constant 16 : i32
        %mul3A_31 = arith.muli %scan3A_29, %mul3A_30 : i32
        %swap3A = arith.index_cast %mul3A_31 : i32 to index
        %swap3A_32 = tpu.vector_load %arg5[%swap3A] {strides = array<i32>} : memref<10240xf32, #tpu.memory_space<vmem>>, vector<16xf32>,
        tpu.vector_store %arg5[%swap3A], %broadcast_in_dim3A_2 {strides = array<i32>} : memref<10240xf32, #tpu.memory_space<vmem>>, vector<16xf32>,
      }
      %scan3A_7 = arith.constant 640 : i32
      %broadcast_in_dim3A_8 = arith.constant 1.000000e+00 : f32
      %broadcast_in_dim3A_9 = vector.broadcast %broadcast_in_dim3A_8 : f32 to vector<16xf32>
      %scan3A_10 = arith.constant 0 : i32
      %scan3A_11 = arith.constant 0 : i32
      %scan3A_12 = arith.constant 160 : i32
      %scan3A_13 = arith.addi %scan3A_11, %scan3A_12 : i32
      %scan3A_14 = arith.constant 1 : i32
      scf.for %scan3A_29 = %scan3A_11 to %scan3A_13 step %scan3A_14  : i32 {
        %get3A = arith.index_cast %scan3A_29 : i32 to index
        %get3A_30 = arith.constant 0 : index
        %get3A_31 = tpu.vector_load %arg4[%get3A, %get3A_30] {strides = array<i32>} : memref<160x128xi32, #tpu.memory_space<vmem>>, vector<16xi32>,
        tpu.vector_store_idx %arg5[%get3A_31], %broadcast_in_dim3A_9 {add = true} : memref<10240xf32, #tpu.memory_space<vmem>>[vector<16xi32>], vector<16xf32>,
        %get3A_32 = arith.index_cast %scan3A_29 : i32 to index
        %get3A_33 = arith.constant 16 : index
        %get3A_34 = tpu.vector_load %arg4[%get3A_32, %get3A_33] {strides = array<i32>} : memref<160x128xi32, #tpu.memory_space<vmem>>, vector<16xi32>,
        tpu.vector_store_idx %arg5[%get3A_34], %broadcast_in_dim3A_9 {add = true} : memref<10240xf32, #tpu.memory_space<vmem>>[vector<16xi32>], vector<16xf32>,
        %get3A_35 = arith.index_cast %scan3A_29 : i32 to index
        %get3A_36 = arith.constant 32 : index
        %get3A_37 = tpu.vector_load %arg4[%get3A_35, %get3A_36] {strides = array<i32>} : memref<160x128xi32, #tpu.memory_space<vmem>>, vector<16xi32>,
        tpu.vector_store_idx %arg5[%get3A_37], %broadcast_in_dim3A_9 {add = true} : memref<10240xf32, #tpu.memory_space<vmem>>[vector<16xi32>], vector<16xf32>,
        %get3A_38 = arith.index_cast %scan3A_29 : i32 to index
        %get3A_39 = arith.constant 48 : index
        %get3A_40 = tpu.vector_load %arg4[%get3A_38, %get3A_39] {strides = array<i32>} : memref<160x128xi32, #tpu.memory_space<vmem>>, vector<16xi32>,
        tpu.vector_store_idx %arg5[%get3A_40], %broadcast_in_dim3A_9 {add = true} : memref<10240xf32, #tpu.memory_space<vmem>>[vector<16xi32>], vector<16xf32>,
        %get3A_41 = arith.index_cast %scan3A_29 : i32 to index
        %get3A_42 = arith.constant 64 : index
        %get3A_43 = tpu.vector_load %arg4[%get3A_41, %get3A_42] {strides = array<i32>} : memref<160x128xi32, #tpu.memory_space<vmem>>, vector<16xi32>,
        tpu.vector_store_idx %arg5[%get3A_43], %broadcast_in_dim3A_9 {add = true} : memref<10240xf32, #tpu.memory_space<vmem>>[vector<16xi32>], vector<16xf32>,
        %get3A_44 = arith.index_cast %scan3A_29 : i32 to index
        %get3A_45 = arith.constant 80 : index
        %get3A_46 = tpu.vector_load %arg4[%get3A_44, %get3A_45] {strides = array<i32>} : memref<160x128xi32, #tpu.memory_space<vmem>>, vector<16xi32>,
        tpu.vector_store_idx %arg5[%get3A_46], %broadcast_in_dim3A_9 {add = true} : memref<10240xf32, #tpu.memory_space<vmem>>[vector<16xi32>], vector<16xf32>,
        %get3A_47 = arith.index_cast %scan3A_29 : i32 to index
        %get3A_48 = arith.constant 96 : index
        %get3A_49 = tpu.vector_load %arg4[%get3A_47, %get3A_48] {strides = array<i32>} : memref<160x128xi32, #tpu.memory_space<vmem>>, vector<16xi32>,
        tpu.vector_store_idx %arg5[%get3A_49], %broadcast_in_dim3A_9 {add = true} : memref<10240xf32, #tpu.memory_space<vmem>>[vector<16xi32>], vector<16xf32>,
        %get3A_50 = arith.index_cast %scan3A_29 : i32 to index
        %get3A_51 = arith.constant 112 : index
        %get3A_52 = tpu.vector_load %arg4[%get3A_50, %get3A_51] {strides = array<i32>} : memref<160x128xi32, #tpu.memory_space<vmem>>, vector<16xi32>,
        tpu.vector_store_idx %arg5[%get3A_52], %broadcast_in_dim3A_9 {add = true} : memref<10240xf32, #tpu.memory_space<vmem>>[vector<16xi32>], vector<16xf32>,
      }
      %scan3A_15 = arith.constant 160 : i32
      "tpu.region"() ({
        %run_scoped3A = tpu.sem_alloc : memref<!tpu.dma_semaphore, #tpu.memory_space<semaphore_mem>>
        %dma_start3A = arith.constant 0 : i32
        %dma_start3A_29 = tpu.memref_slice %arg8[%arg1, %dma_start3A] : memref<16x10240xf32, #tpu.memory_space<vmem_shared>> -> memref<1x10240xf32, #tpu.memory_space<vmem_shared>>
        %dma_start3A_30 = tpu.memref_squeeze %dma_start3A_29 : memref<1x10240xf32, #tpu.memory_space<vmem_shared>> -> memref<10240xf32, #tpu.memory_space<vmem_shared>>
        %dma_start3A_31 = arith.constant 0 : i32
        %dma_start3A_32 = tpu.memref_slice %arg8[%arg1, %dma_start3A_31] : memref<16x10240xf32, #tpu.memory_space<vmem_shared>> -> memref<1x10240xf32, #tpu.memory_space<vmem_shared>>
        %dma_start3A_33 = tpu.memref_squeeze %dma_start3A_32 : memref<1x10240xf32, #tpu.memory_space<vmem_shared>> -> memref<10240xf32, #tpu.memory_space<vmem_shared>>
        tpu.enqueue_dma source(%arg5 : memref<10240xf32, #tpu.memory_space<vmem>>) target(%dma_start3A_33 : memref<10240xf32, #tpu.memory_space<vmem_shared>>) target_semaphore(%run_scoped3A : memref<!tpu.dma_semaphore, #tpu.memory_space<semaphore_mem>>)
        %dma_wait3A = arith.constant 0 : i32
        %dma_wait3A_34 = tpu.memref_slice %arg8[%arg1, %dma_wait3A] : memref<16x10240xf32, #tpu.memory_space<vmem_shared>> -> memref<1x10240xf32, #tpu.memory_space<vmem_shared>>
        %dma_wait3A_35 = tpu.memref_squeeze %dma_wait3A_34 : memref<1x10240xf32, #tpu.memory_space<vmem_shared>> -> memref<10240xf32, #tpu.memory_space<vmem_shared>>
        %dma_wait3A_36 = arith.constant 0 : i32
        %dma_wait3A_37 = tpu.memref_slice %arg8[%arg1, %dma_wait3A_36] : memref<16x10240xf32, #tpu.memory_space<vmem_shared>> -> memref<1x10240xf32, #tpu.memory_space<vmem_shared>>
        %dma_wait3A_38 = tpu.memref_squeeze %dma_wait3A_37 : memref<1x10240xf32, #tpu.memory_space<vmem_shared>> -> memref<10240xf32, #tpu.memory_space<vmem_shared>>
        tpu.wait_dma2 semaphore(%run_scoped3A : memref<!tpu.dma_semaphore, #tpu.memory_space<semaphore_mem>>) src(%arg5 : memref<10240xf32, #tpu.memory_space<vmem>>) dst(%dma_wait3A_38 : memref<10240xf32, #tpu.memory_space<vmem_shared>>)
        tpu.yield
      }) : () -> ()
      %barrier3A = arith.constant 0 : index
      tpu.barrier barrier_id(%barrier3A)
      %scan3A_16 = arith.constant 0 : i32
      %scan3A_17 = arith.constant 0 : i32
      %scan3A_18 = arith.constant 40 : i32
      %scan3A_19 = arith.addi %scan3A_17, %scan3A_18 : i32
      %scan3A_20 = arith.constant 1 : i32
      scf.for %scan3A_29 = %scan3A_17 to %scan3A_19 step %scan3A_20  : i32 {
        %mul3A_30 = arith.constant 16 : i32
        %mul3A_31 = arith.muli %scan3A_29, %mul3A_30 : i32
        %swap3A = arith.index_cast %mul3A_31 : i32 to index
        %swap3A_32 = tpu.vector_load %arg7[%swap3A] {strides = array<i32>} : memref<640xf32, #tpu.memory_space<vmem>>, vector<16xf32>,
        tpu.vector_store %arg7[%swap3A], %broadcast_in_dim3A_2 {strides = array<i32>} : memref<640xf32, #tpu.memory_space<vmem>>, vector<16xf32>,
      }
      %scan3A_21 = arith.constant 40 : i32
      %scan3A_22 = arith.constant 0 : i32
      %scan3A_23 = arith.constant 0 : i32
      %scan3A_24 = arith.constant 16 : i32
      %scan3A_25 = arith.addi %scan3A_23, %scan3A_24 : i32
      %scan3A_26 = arith.constant 1 : i32
      scf.for %scan3A_29 = %scan3A_23 to %scan3A_25 step %scan3A_26  : i32 {
        %mul3A_30 = arith.constant 640 : i32
        %mul3A_31 = arith.muli %arg1, %mul3A_30 : i32
        "tpu.region"() ({
          %run_scoped3A = tpu.sem_alloc : memref<!tpu.dma_semaphore, #tpu.memory_space<semaphore_mem>>
          %dma_start3A = tpu.memref_slice %arg8[%scan3A_29, %mul3A_31] : memref<16x10240xf32, #tpu.memory_space<vmem_shared>> -> memref<1x640xf32, #tpu.memory_space<vmem_shared>>
          %dma_start3A_38 = tpu.memref_squeeze %dma_start3A : memref<1x640xf32, #tpu.memory_space<vmem_shared>> -> memref<640xf32, #tpu.memory_space<vmem_shared>>
          %dma_start3A_39 = tpu.memref_slice %arg8[%scan3A_29, %mul3A_31] : memref<16x10240xf32, #tpu.memory_space<vmem_shared>> -> memref<1x640xf32, #tpu.memory_space<vmem_shared>>
          %dma_start3A_40 = tpu.memref_squeeze %dma_start3A_39 : memref<1x640xf32, #tpu.memory_space<vmem_shared>> -> memref<640xf32, #tpu.memory_space<vmem_shared>>
          tpu.enqueue_dma source(%dma_start3A_40 : memref<640xf32, #tpu.memory_space<vmem_shared>>) target(%arg6 : memref<640xf32, #tpu.memory_space<vmem>>) target_semaphore(%run_scoped3A : memref<!tpu.dma_semaphore, #tpu.memory_space<semaphore_mem>>)
          %dma_wait3A = tpu.memref_slice %arg8[%scan3A_29, %mul3A_31] : memref<16x10240xf32, #tpu.memory_space<vmem_shared>> -> memref<1x640xf32, #tpu.memory_space<vmem_shared>>
          %dma_wait3A_41 = tpu.memref_squeeze %dma_wait3A : memref<1x640xf32, #tpu.memory_space<vmem_shared>> -> memref<640xf32, #tpu.memory_space<vmem_shared>>
          %dma_wait3A_42 = tpu.memref_slice %arg8[%scan3A_29, %mul3A_31] : memref<16x10240xf32, #tpu.memory_space<vmem_shared>> -> memref<1x640xf32, #tpu.memory_space<vmem_shared>>
          %dma_wait3A_43 = tpu.memref_squeeze %dma_wait3A_42 : memref<1x640xf32, #tpu.memory_space<vmem_shared>> -> memref<640xf32, #tpu.memory_space<vmem_shared>>
          tpu.wait_dma2 semaphore(%run_scoped3A : memref<!tpu.dma_semaphore, #tpu.memory_space<semaphore_mem>>) src(%dma_wait3A_43 : memref<640xf32, #tpu.memory_space<vmem_shared>>) dst(%arg6 : memref<640xf32, #tpu.memory_space<vmem>>)
          tpu.yield
        }) : () -> ()
        %scan3A_32 = arith.constant 0 : i32
        %scan3A_33 = arith.constant 0 : i32
        %scan3A_34 = arith.constant 40 : i32
        %scan3A_35 = arith.addi %scan3A_33, %scan3A_34 : i32
        %scan3A_36 = arith.constant 1 : i32
        scf.for %scan3A_38 = %scan3A_33 to %scan3A_35 step %scan3A_36  : i32 {
          %mul3A_39 = arith.constant 16 : i32
          %mul3A_40 = arith.muli %scan3A_38, %mul3A_39 : i32
          %get3A = arith.index_cast %mul3A_40 : i32 to index
          %get3A_41 = tpu.vector_load %arg7[%get3A] {strides = array<i32>} : memref<640xf32, #tpu.memory_space<vmem>>, vector<16xf32>,
          %mul3A_42 = arith.constant 16 : i32
          %mul3A_43 = arith.muli %scan3A_38, %mul3A_42 : i32
          %get3A_44 = arith.index_cast %mul3A_43 : i32 to index
          %get3A_45 = tpu.vector_load %arg6[%get3A_44] {strides = array<i32>} : memref<640xf32, #tpu.memory_space<vmem>>, vector<16xf32>,
          %add3A = arith.addf %get3A_41, %get3A_45 : vector<16xf32>
          %mul3A_46 = arith.constant 16 : i32
          %mul3A_47 = arith.muli %scan3A_38, %mul3A_46 : i32
          %swap3A = arith.index_cast %mul3A_47 : i32 to index
          %swap3A_48 = tpu.vector_load %arg7[%swap3A] {strides = array<i32>} : memref<640xf32, #tpu.memory_space<vmem>>, vector<16xf32>,
          tpu.vector_store %arg7[%swap3A], %add3A {strides = array<i32>} : memref<640xf32, #tpu.memory_space<vmem>>, vector<16xf32>,
        }
        %scan3A_37 = arith.constant 40 : i32
      }
      %scan3A_27 = arith.constant 16 : i32
      %mul3A = arith.constant 640 : i32
      %mul3A_28 = arith.muli %arg1, %mul3A : i32
      "tpu.region"() ({
        %run_scoped3A = tpu.sem_alloc : memref<!tpu.dma_semaphore, #tpu.memory_space<semaphore_mem>>
        %dma_start3A = tpu.memref_slice %arg3[%mul3A_28] : memref<10240xf32, #tpu.memory_space<hbm>> -> memref<640xf32, #tpu.memory_space<hbm>>
        %dma_start3A_29 = tpu.memref_slice %arg3[%mul3A_28] : memref<10240xf32, #tpu.memory_space<hbm>> -> memref<640xf32, #tpu.memory_space<hbm>>
        tpu.enqueue_dma source(%arg7 : memref<640xf32, #tpu.memory_space<vmem>>) target(%dma_start3A_29 : memref<640xf32, #tpu.memory_space<hbm>>) target_semaphore(%run_scoped3A : memref<!tpu.dma_semaphore, #tpu.memory_space<semaphore_mem>>)
        %dma_wait3A = tpu.memref_slice %arg3[%mul3A_28] : memref<10240xf32, #tpu.memory_space<hbm>> -> memref<640xf32, #tpu.memory_space<hbm>>
        %dma_wait3A_30 = tpu.memref_slice %arg3[%mul3A_28] : memref<10240xf32, #tpu.memory_space<hbm>> -> memref<640xf32, #tpu.memory_space<hbm>>
        tpu.wait_dma2 semaphore(%run_scoped3A : memref<!tpu.dma_semaphore, #tpu.memory_space<semaphore_mem>>) src(%arg7 : memref<640xf32, #tpu.memory_space<vmem>>) dst(%dma_wait3A_30 : memref<640xf32, #tpu.memory_space<hbm>>)
        tpu.yield
      }) : () -> ()
    } else {
    }
    return
  }
}

module attributes {stable_mosaic.version = 14 : i64} {
  func.func @body(%arg0: i32, %arg1: memref<1000x128xf32, #tpu.memory_space<vmem>>, %arg2: memref<128x512xf32, #tpu.memory_space<vmem>>, %arg3: memref<1x512xf32, #tpu.memory_space<vmem>>, %arg4: memref<3xf32, #tpu.memory_space<smem>>, %arg5: memref<1000x512xf32, #tpu.memory_space<vmem>>, %arg6: memref<4x1000x128xf32, #tpu.memory_space<vmem>>) attributes {dimension_semantics = [#tpu.dimension_semantics<arbitrary>], iteration_bounds = array<i64: 10>, scalar_prefetch = 0 : i64, scratch_operands = 0 : i64, tpu.core_type = #tpu.core_type<tc>, window_params = [{transform_indices = @transform_0, window_bounds = array<i64: 1000, 128>}, {pipeline_mode = #tpu.pipeline_mode<synchronous>, transform_indices = @transform_1, window_bounds = array<i64: 128, 512>}, {pipeline_mode = #tpu.pipeline_mode<synchronous>, transform_indices = @transform_2, window_bounds = array<i64: 1, 512>}, {transform_indices = @transform_3, window_bounds = array<i64: 3>}, {transform_indices = @transform_4, window_bounds = array<i64: 1000, 512>}, {transform_indices = @transform_5, window_bounds = array<i64: 4, 1000, 128>}]} {
    %get3A = arith.constant 0 : index
    %get3A_0 = arith.constant 0 : index
    %get3A_1 = vector.load %arg1[%get3A, %get3A_0] : memref<1000x128xf32, #tpu.memory_space<vmem>>, vector<1000x128xf32>
    %get3A_2 = arith.constant 0 : index
    %get3A_3 = arith.constant 0 : index
    %get3A_4 = vector.load %arg2[%get3A_2, %get3A_3] : memref<128x512xf32, #tpu.memory_space<vmem>>, vector<128x512xf32>
    %dot_general3A = arith.constant dense<0.000000e+00> : vector<1000x512xf32>
    %dot_general3A_5 = tpu.matmul %get3A_1, %get3A_4, %dot_general3A {dimension_numbers = #tpu.dot_dimension_numbers<[1], [0], [0], [1], [0, 0, 1, 1], [], []>, transpose_lhs_hint = false} : vector<1000x128xf32>, vector<128x512xf32>, vector<1000x512xf32> -> vector<1000x512xf32>
    %get3A_6 = arith.constant 0 : index
    %get3A_7 = arith.constant 0 : index
    %get3A_8 = vector.load %arg3[%get3A_6, %get3A_7] : memref<1x512xf32, #tpu.memory_space<vmem>>, vector<1x512xf32>
    %add3A = vector.broadcast %get3A_8 : vector<1x512xf32> to vector<1000x512xf32>
    %add3A_9 = arith.addf %dot_general3A_5, %add3A : vector<1000x512xf32>
    %swap3A = arith.constant 0 : index
    %swap3A_10 = arith.constant 0 : index
    %swap3A_11 = vector.load %arg5[%swap3A, %swap3A_10] : memref<1000x512xf32, #tpu.memory_space<vmem>>, vector<1000x512xf32>
    tpu.vector_store %arg5[%swap3A, %swap3A_10], %add3A_9 {strides = array<i32>} : memref<1000x512xf32, #tpu.memory_space<vmem>>, vector<1000x512xf32>,
    %get3A_12 = arith.constant 0 : index
    %get3A_13 = memref.load %arg4[%get3A_12] : memref<3xf32, #tpu.memory_space<smem>>
    %max3A = arith.constant 0.000000e+00 : f32
    %max3A_14 = vector.broadcast %max3A : f32 to vector<1000x512xf32>
    %max3A_15 = arith.maximumf %add3A_9, %max3A_14 : vector<1000x512xf32>
    %add3A_16 = arith.constant 1.000000e-07 : f32
    %add3A_17 = vector.broadcast %add3A_16 : f32 to vector<1000x512xf32>
    %add3A_18 = arith.addf %max3A_15, %add3A_17 : vector<1000x512xf32>
    %jit3A = arith.constant 1.000000e-07 : f32
    %jit3A_19 = arith.constant 1.000000e+04 : f32
    %max3A_20 = vector.broadcast %jit3A : f32 to vector<1000x512xf32>
    %max3A_21 = arith.maximumf %max3A_20, %add3A_18 : vector<1000x512xf32>
    %min3A = vector.broadcast %jit3A_19 : f32 to vector<1000x512xf32>
    %min3A_22 = arith.minimumf %min3A, %max3A_21 : vector<1000x512xf32>
    %log3A = math.log %min3A_22 : vector<1000x512xf32>
    %mul3A = vector.broadcast %get3A_13 : f32 to vector<1000x512xf32>
    %mul3A_23 = arith.mulf %mul3A, %log3A : vector<1000x512xf32>
    %exp3A = math.exp %mul3A_23 : vector<1000x512xf32>
    %slice3A = vector.extract_strided_slice %exp3A {offsets = [0, 0], sizes = [1000, 128], strides = [1, 1]} : vector<1000x512xf32> to vector<1000x128xf32>
    %swap3A_24 = arith.constant 0 : index
    %swap3A_25 = arith.constant 0 : index
    %swap3A_26 = arith.constant 0 : index
    %swap3A_27 = vector.load %arg6[%swap3A_24, %swap3A_25, %swap3A_26] : memref<4x1000x128xf32, #tpu.memory_space<vmem>>, vector<1x1000x128xf32>
    %swap3A_28 = vector.shape_cast %swap3A_27 : vector<1x1000x128xf32> to vector<1000x128xf32>
    %swap3A_29 = vector.shape_cast %slice3A : vector<1000x128xf32> to vector<1x1000x128xf32>
    tpu.vector_store %arg6[%swap3A_24, %swap3A_25, %swap3A_26], %swap3A_29 {strides = array<i32>} : memref<4x1000x128xf32, #tpu.memory_space<vmem>>, vector<1x1000x128xf32>,
    %slice3A_30 = vector.extract_strided_slice %exp3A {offsets = [0, 128], sizes = [1000, 128], strides = [1, 1]} : vector<1000x512xf32> to vector<1000x128xf32>
    %swap3A_31 = arith.constant 1 : index
    %swap3A_32 = arith.constant 0 : index
    %swap3A_33 = arith.constant 0 : index
    %swap3A_34 = vector.load %arg6[%swap3A_31, %swap3A_32, %swap3A_33] : memref<4x1000x128xf32, #tpu.memory_space<vmem>>, vector<1x1000x128xf32>
    %swap3A_35 = vector.shape_cast %swap3A_34 : vector<1x1000x128xf32> to vector<1000x128xf32>
    %swap3A_36 = vector.shape_cast %slice3A_30 : vector<1000x128xf32> to vector<1x1000x128xf32>
    tpu.vector_store %arg6[%swap3A_31, %swap3A_32, %swap3A_33], %swap3A_36 {strides = array<i32>} : memref<4x1000x128xf32, #tpu.memory_space<vmem>>, vector<1x1000x128xf32>,
    %slice3A_37 = vector.extract_strided_slice %exp3A {offsets = [0, 256], sizes = [1000, 128], strides = [1, 1]} : vector<1000x512xf32> to vector<1000x128xf32>
    %swap3A_38 = arith.constant 2 : index
    %swap3A_39 = arith.constant 0 : index
    %swap3A_40 = arith.constant 0 : index
    %swap3A_41 = vector.load %arg6[%swap3A_38, %swap3A_39, %swap3A_40] : memref<4x1000x128xf32, #tpu.memory_space<vmem>>, vector<1x1000x128xf32>
    %swap3A_42 = vector.shape_cast %swap3A_41 : vector<1x1000x128xf32> to vector<1000x128xf32>
    %swap3A_43 = vector.shape_cast %slice3A_37 : vector<1000x128xf32> to vector<1x1000x128xf32>
    tpu.vector_store %arg6[%swap3A_38, %swap3A_39, %swap3A_40], %swap3A_43 {strides = array<i32>} : memref<4x1000x128xf32, #tpu.memory_space<vmem>>, vector<1x1000x128xf32>,
    %slice3A_44 = vector.extract_strided_slice %exp3A {offsets = [0, 384], sizes = [1000, 128], strides = [1, 1]} : vector<1000x512xf32> to vector<1000x128xf32>
    %swap3A_45 = arith.constant 3 : index
    %swap3A_46 = arith.constant 0 : index
    %swap3A_47 = arith.constant 0 : index
    %swap3A_48 = vector.load %arg6[%swap3A_45, %swap3A_46, %swap3A_47] : memref<4x1000x128xf32, #tpu.memory_space<vmem>>, vector<1x1000x128xf32>
    %swap3A_49 = vector.shape_cast %swap3A_48 : vector<1x1000x128xf32> to vector<1000x128xf32>
    %swap3A_50 = vector.shape_cast %slice3A_44 : vector<1000x128xf32> to vector<1x1000x128xf32>
    tpu.vector_store %arg6[%swap3A_45, %swap3A_46, %swap3A_47], %swap3A_50 {strides = array<i32>} : memref<4x1000x128xf32, #tpu.memory_space<vmem>>, vector<1x1000x128xf32>,
    return
  }
  func.func @transform_0(%arg0: i32) -> (i32, i32) {
    %c0_i32 = arith.constant 0 : i32
    %c0_i32_0 = arith.constant 0 : i32
    return %arg0, %c0_i32 : i32, i32
  }
  func.func @transform_1(%arg0: i32) -> (i32, i32) {
    %c0_i32 = arith.constant 0 : i32
    %c0_i32_0 = arith.constant 0 : i32
    %c0_i32_1 = arith.constant 0 : i32
    return %c0_i32, %c0_i32_0 : i32, i32
  }
  func.func @transform_2(%arg0: i32) -> (i32, i32) {
    %c0_i32 = arith.constant 0 : i32
    %c0_i32_0 = arith.constant 0 : i32
    %c0_i32_1 = arith.constant 0 : i32
    return %c0_i32, %c0_i32_0 : i32, i32
  }
  func.func @transform_3(%arg0: i32) -> i32 {
    %c0_i32 = arith.constant 0 : i32
    %c0_i32_0 = arith.constant 0 : i32
    return %c0_i32 : i32
  }
  func.func @transform_4(%arg0: i32) -> (i32, i32) {
    %c0_i32 = arith.constant 0 : i32
    %c0_i32_0 = arith.constant 0 : i32
    return %arg0, %c0_i32 : i32, i32
  }
  func.func @transform_5(%arg0: i32) -> (i32, i32, i32) {
    %c0_i32 = arith.constant 0 : i32
    %c0_i32_0 = arith.constant 0 : i32
    %c0_i32_1 = arith.constant 0 : i32
    return %c0_i32, %arg0, %c0_i32_0 : i32, i32, i32
  }
}

module attributes {stable_mosaic.version = 14 : i64} {
  func.func @body(%arg0: i32, %arg1: memref<1000x512xf32, #tpu.memory_space<vmem>>, %arg2: memref<4x1000x128xf32, #tpu.memory_space<vmem>>, %arg3: memref<1000x1xf32, #tpu.memory_space<vmem>>, %arg4: memref<1xf32, #tpu.memory_space<smem>>, %arg5: memref<1xf32, #tpu.memory_space<smem>>, %arg6: memref<512x512xf32, #tpu.memory_space<vmem>>, %arg7: memref<1x512xf32, #tpu.memory_space<vmem>>, %arg8: memref<1000x512xf32, #tpu.memory_space<vmem>>, %arg9: memref<1x512xf32, #tpu.memory_space<vmem>>, %arg10: memref<1x512xf32, #tpu.memory_space<vmem>>) attributes {dimension_semantics = [#tpu.dimension_semantics<arbitrary>], iteration_bounds = array<i64: 10>, scalar_prefetch = 0 : i64, scratch_operands = 0 : i64, tpu.core_type = #tpu.core_type<tc>, window_params = [{transform_indices = @transform_0, window_bounds = array<i64: 1000, 512>}, {transform_indices = @transform_1, window_bounds = array<i64: 4, 1000, 128>}, {transform_indices = @transform_2, window_bounds = array<i64: 1000, 1>}, {transform_indices = @transform_3, window_bounds = array<i64: 1>}, {transform_indices = @transform_4, window_bounds = array<i64: 1>}, {pipeline_mode = #tpu.pipeline_mode<synchronous>, transform_indices = @transform_5, window_bounds = array<i64: 512, 512>}, {pipeline_mode = #tpu.pipeline_mode<synchronous>, transform_indices = @transform_6, window_bounds = array<i64: 1, 512>}, {transform_indices = @transform_7, window_bounds = array<i64: 1000, 512>}, {pipeline_mode = #tpu.pipeline_mode<synchronous>, transform_indices = @transform_8, window_bounds = array<i64: 1, 512>}, {pipeline_mode = #tpu.pipeline_mode<synchronous>, transform_indices = @transform_9, window_bounds = array<i64: 1, 512>}]} {
    %get3A = arith.constant 0 : index
    %get3A_0 = arith.constant 0 : index
    %get3A_1 = arith.constant 0 : index
    %get3A_2 = vector.load %arg2[%get3A, %get3A_0, %get3A_1] : memref<4x1000x128xf32, #tpu.memory_space<vmem>>, vector<1x1000x128xf32>
    %get3A_3 = vector.shape_cast %get3A_2 : vector<1x1000x128xf32> to vector<1000x128xf32>
    %get3A_4 = arith.constant 1 : index
    %get3A_5 = arith.constant 0 : index
    %get3A_6 = arith.constant 0 : index
    %get3A_7 = vector.load %arg2[%get3A_4, %get3A_5, %get3A_6] : memref<4x1000x128xf32, #tpu.memory_space<vmem>>, vector<1x1000x128xf32>
    %get3A_8 = vector.shape_cast %get3A_7 : vector<1x1000x128xf32> to vector<1000x128xf32>
    %get3A_9 = arith.constant 2 : index
    %get3A_10 = arith.constant 0 : index
    %get3A_11 = arith.constant 0 : index
    %get3A_12 = vector.load %arg2[%get3A_9, %get3A_10, %get3A_11] : memref<4x1000x128xf32, #tpu.memory_space<vmem>>, vector<1x1000x128xf32>
    %get3A_13 = vector.shape_cast %get3A_12 : vector<1x1000x128xf32> to vector<1000x128xf32>
    %get3A_14 = arith.constant 3 : index
    %get3A_15 = arith.constant 0 : index
    %get3A_16 = arith.constant 0 : index
    %get3A_17 = vector.load %arg2[%get3A_14, %get3A_15, %get3A_16] : memref<4x1000x128xf32, #tpu.memory_space<vmem>>, vector<1x1000x128xf32>
    %get3A_18 = vector.shape_cast %get3A_17 : vector<1x1000x128xf32> to vector<1000x128xf32>
    %concatenate3A = tpu.concatenate %get3A_3, %get3A_8, %get3A_13, %get3A_18 in 1 : vector<1000x128xf32>, vector<1000x128xf32>, vector<1000x128xf32>, vector<1000x128xf32> -> vector<1000x512xf32>
    %get3A_19 = arith.constant 0 : index
    %get3A_20 = arith.constant 0 : index
    %get3A_21 = vector.load %arg3[%get3A_19, %get3A_20] : memref<1000x1xf32, #tpu.memory_space<vmem>>, vector<1000x1xf32>
    %max3A = arith.constant 1.000000e+00 : f32
    %max3A_22 = vector.broadcast %max3A : f32 to vector<1000x1xf32>
    %max3A_23 = arith.maximumf %get3A_21, %max3A_22 : vector<1000x1xf32>
    %div3A = vector.broadcast %max3A_23 : vector<1000x1xf32> to vector<1000x512xf32>
    %div3A_24 = arith.divf %concatenate3A, %div3A : vector<1000x512xf32>
    %jit3A = arith.constant 1.000000e-07 : f32
    %jit3A_25 = arith.constant 1.000000e+04 : f32
    %max3A_26 = vector.broadcast %jit3A : f32 to vector<1000x512xf32>
    %max3A_27 = arith.maximumf %max3A_26, %div3A_24 : vector<1000x512xf32>
    %min3A = vector.broadcast %jit3A_25 : f32 to vector<1000x512xf32>
    %min3A_28 = arith.minimumf %min3A, %max3A_27 : vector<1000x512xf32>
    %log3A = math.log %min3A_28 : vector<1000x512xf32>
    %get3A_29 = arith.constant 0 : index
    %get3A_30 = memref.load %arg4[%get3A_29] : memref<1xf32, #tpu.memory_space<smem>>
    %div3A_31 = vector.broadcast %get3A_30 : f32 to vector<1000x512xf32>
    %div3A_32 = arith.divf %log3A, %div3A_31 : vector<1000x512xf32>
    %exp3A = math.exp %div3A_32 : vector<1000x512xf32>
    %mul3A = arith.mulf %exp3A, %exp3A : vector<1000x512xf32>
    %reduce_sum3A = arith.constant dense<0.000000e+00> : vector<1000xf32>
    %reduce_sum3A_33 = vector.multi_reduction <add>, %mul3A, %reduce_sum3A [1] : vector<1000x512xf32> to vector<1000xf32>
    %broadcast_in_dim3A = vector.shape_cast %reduce_sum3A_33 : vector<1000xf32> to vector<1000x1xf32>
    %sqrt3A = math.sqrt %broadcast_in_dim3A : vector<1000x1xf32>
    %max3A_34 = arith.constant 9.99999996E-13 : f32
    %max3A_35 = vector.broadcast %max3A_34 : f32 to vector<1000x1xf32>
    %max3A_36 = arith.maximumf %sqrt3A, %max3A_35 : vector<1000x1xf32>
    %div3A_37 = vector.broadcast %max3A_36 : vector<1000x1xf32> to vector<1000x512xf32>
    %div3A_38 = arith.divf %exp3A, %div3A_37 : vector<1000x512xf32>
    %get3A_39 = arith.constant 0 : index
    %get3A_40 = arith.constant 0 : index
    %get3A_41 = vector.load %arg1[%get3A_39, %get3A_40] : memref<1000x512xf32, #tpu.memory_space<vmem>>, vector<1000x512xf32>
    %mul3A_42 = arith.mulf %get3A_41, %get3A_41 : vector<1000x512xf32>
    %reduce_sum3A_43 = arith.constant dense<0.000000e+00> : vector<1000xf32>
    %reduce_sum3A_44 = vector.multi_reduction <add>, %mul3A_42, %reduce_sum3A_43 [1] : vector<1000x512xf32> to vector<1000xf32>
    %broadcast_in_dim3A_45 = vector.shape_cast %reduce_sum3A_44 : vector<1000xf32> to vector<1000x1xf32>
    %sqrt3A_46 = math.sqrt %broadcast_in_dim3A_45 : vector<1000x1xf32>
    %mul3A_47 = vector.broadcast %sqrt3A_46 : vector<1000x1xf32> to vector<1000x512xf32>
    %mul3A_48 = arith.mulf %div3A_38, %mul3A_47 : vector<1000x512xf32>
    %get3A_49 = arith.constant 0 : index
    %get3A_50 = memref.load %arg5[%get3A_49] : memref<1xf32, #tpu.memory_space<smem>>
    %mul3A_51 = vector.broadcast %get3A_50 : f32 to vector<1000x512xf32>
    %mul3A_52 = arith.mulf %mul3A_48, %mul3A_51 : vector<1000x512xf32>
    %add3A = arith.addf %get3A_41, %mul3A_52 : vector<1000x512xf32>
    %get3A_53 = arith.constant 0 : index
    %get3A_54 = arith.constant 0 : index
    %get3A_55 = vector.load %arg6[%get3A_53, %get3A_54] : memref<512x512xf32, #tpu.memory_space<vmem>>, vector<512x512xf32>
    %dot_general3A = arith.constant dense<0.000000e+00> : vector<1000x512xf32>
    %dot_general3A_56 = tpu.matmul %add3A, %get3A_55, %dot_general3A {dimension_numbers = #tpu.dot_dimension_numbers<[1], [0], [0], [1], [0, 0, 1, 1], [], []>, transpose_lhs_hint = false} : vector<1000x512xf32>, vector<512x512xf32>, vector<1000x512xf32> -> vector<1000x512xf32>
    %get3A_57 = arith.constant 0 : index
    %get3A_58 = arith.constant 0 : index
    %get3A_59 = vector.load %arg7[%get3A_57, %get3A_58] : memref<1x512xf32, #tpu.memory_space<vmem>>, vector<1x512xf32>
    %add3A_60 = vector.broadcast %get3A_59 : vector<1x512xf32> to vector<1000x512xf32>
    %add3A_61 = arith.addf %dot_general3A_56, %add3A_60 : vector<1000x512xf32>
    %swap3A = arith.constant 0 : index
    %swap3A_62 = arith.constant 0 : index
    %swap3A_63 = vector.load %arg8[%swap3A, %swap3A_62] : memref<1000x512xf32, #tpu.memory_space<vmem>>, vector<1000x512xf32>
    tpu.vector_store %arg8[%swap3A, %swap3A_62], %add3A_61 {strides = array<i32>} : memref<1000x512xf32, #tpu.memory_space<vmem>>, vector<1000x512xf32>,
    %eq3A = arith.constant 0 : i32
    %eq3A_64 = arith.cmpi eq, %arg0, %eq3A : i32
    %convert_element_type3A = arith.extui %eq3A_64 : i1 to i32
    %cond3A = arith.constant 0 : i32
    %cond3A_65 = arith.cmpi ne, %convert_element_type3A, %cond3A : i32
    scf.if %cond3A_65 {
      %broadcast_in_dim3A_87 = arith.constant 0.000000e+00 : f32
      %broadcast_in_dim3A_88 = vector.broadcast %broadcast_in_dim3A_87 : f32 to vector<1x512xf32>
      %swap3A_89 = arith.constant 0 : index
      %swap3A_90 = arith.constant 0 : index
      %swap3A_91 = vector.load %arg9[%swap3A_89, %swap3A_90] : memref<1x512xf32, #tpu.memory_space<vmem>>, vector<1x512xf32>
      tpu.vector_store %arg9[%swap3A_89, %swap3A_90], %broadcast_in_dim3A_88 {strides = array<i32>} : memref<1x512xf32, #tpu.memory_space<vmem>>, vector<1x512xf32>,
      %broadcast_in_dim3A_92 = arith.constant 0.000000e+00 : f32
      %broadcast_in_dim3A_93 = vector.broadcast %broadcast_in_dim3A_92 : f32 to vector<1x512xf32>
      %swap3A_94 = arith.constant 0 : index
      %swap3A_95 = arith.constant 0 : index
      %swap3A_96 = vector.load %arg10[%swap3A_94, %swap3A_95] : memref<1x512xf32, #tpu.memory_space<vmem>>, vector<1x512xf32>
      tpu.vector_store %arg10[%swap3A_94, %swap3A_95], %broadcast_in_dim3A_93 {strides = array<i32>} : memref<1x512xf32, #tpu.memory_space<vmem>>, vector<1x512xf32>,
    } else {
    }
    %get3A_66 = arith.constant 0 : index
    %get3A_67 = arith.constant 0 : index
    %get3A_68 = vector.load %arg9[%get3A_66, %get3A_67] : memref<1x512xf32, #tpu.memory_space<vmem>>, vector<1x512xf32>
    %reduce_sum3A_69 = arith.constant dense<0.000000e+00> : vector<512xf32>
    %reduce_sum3A_70 = vector.multi_reduction <add>, %add3A_61, %reduce_sum3A_69 [0] : vector<1000x512xf32> to vector<512xf32>
    %broadcast_in_dim3A_71 = vector.shape_cast %reduce_sum3A_70 : vector<512xf32> to vector<1x512xf32>
    %add3A_72 = arith.addf %get3A_68, %broadcast_in_dim3A_71 : vector<1x512xf32>
    %swap3A_73 = arith.constant 0 : index
    %swap3A_74 = arith.constant 0 : index
    %swap3A_75 = vector.load %arg9[%swap3A_73, %swap3A_74] : memref<1x512xf32, #tpu.memory_space<vmem>>, vector<1x512xf32>
    tpu.vector_store %arg9[%swap3A_73, %swap3A_74], %add3A_72 {strides = array<i32>} : memref<1x512xf32, #tpu.memory_space<vmem>>, vector<1x512xf32>,
    %get3A_76 = arith.constant 0 : index
    %get3A_77 = arith.constant 0 : index
    %get3A_78 = vector.load %arg10[%get3A_76, %get3A_77] : memref<1x512xf32, #tpu.memory_space<vmem>>, vector<1x512xf32>
    %mul3A_79 = arith.mulf %add3A_61, %add3A_61 : vector<1000x512xf32>
    %reduce_sum3A_80 = arith.constant dense<0.000000e+00> : vector<512xf32>
    %reduce_sum3A_81 = vector.multi_reduction <add>, %mul3A_79, %reduce_sum3A_80 [0] : vector<1000x512xf32> to vector<512xf32>
    %broadcast_in_dim3A_82 = vector.shape_cast %reduce_sum3A_81 : vector<512xf32> to vector<1x512xf32>
    %add3A_83 = arith.addf %get3A_78, %broadcast_in_dim3A_82 : vector<1x512xf32>
    %swap3A_84 = arith.constant 0 : index
    %swap3A_85 = arith.constant 0 : index
    %swap3A_86 = vector.load %arg10[%swap3A_84, %swap3A_85] : memref<1x512xf32, #tpu.memory_space<vmem>>, vector<1x512xf32>
    tpu.vector_store %arg10[%swap3A_84, %swap3A_85], %add3A_83 {strides = array<i32>} : memref<1x512xf32, #tpu.memory_space<vmem>>, vector<1x512xf32>,
    return
  }
  func.func @transform_0(%arg0: i32) -> (i32, i32) {
    %c0_i32 = arith.constant 0 : i32
    %c0_i32_0 = arith.constant 0 : i32
    return %arg0, %c0_i32 : i32, i32
  }
  func.func @transform_1(%arg0: i32) -> (i32, i32, i32) {
    %c0_i32 = arith.constant 0 : i32
    %c0_i32_0 = arith.constant 0 : i32
    %c0_i32_1 = arith.constant 0 : i32
    return %c0_i32, %arg0, %c0_i32_0 : i32, i32, i32
  }
  func.func @transform_2(%arg0: i32) -> (i32, i32) {
    %c0_i32 = arith.constant 0 : i32
    %c0_i32_0 = arith.constant 0 : i32
    return %arg0, %c0_i32 : i32, i32
  }
  func.func @transform_3(%arg0: i32) -> i32 {
    %c0_i32 = arith.constant 0 : i32
    %c0_i32_0 = arith.constant 0 : i32
    return %c0_i32 : i32
  }
  func.func @transform_4(%arg0: i32) -> i32 {
    %c0_i32 = arith.constant 0 : i32
    %c0_i32_0 = arith.constant 0 : i32
    return %c0_i32 : i32
  }
  func.func @transform_5(%arg0: i32) -> (i32, i32) {
    %c0_i32 = arith.constant 0 : i32
    %c0_i32_0 = arith.constant 0 : i32
    %c0_i32_1 = arith.constant 0 : i32
    return %c0_i32, %c0_i32_0 : i32, i32
  }
  func.func @transform_6(%arg0: i32) -> (i32, i32) {
    %c0_i32 = arith.constant 0 : i32
    %c0_i32_0 = arith.constant 0 : i32
    %c0_i32_1 = arith.constant 0 : i32
    return %c0_i32, %c0_i32_0 : i32, i32
  }
  func.func @transform_7(%arg0: i32) -> (i32, i32) {
    %c0_i32 = arith.constant 0 : i32
    %c0_i32_0 = arith.constant 0 : i32
    return %arg0, %c0_i32 : i32, i32
  }
  func.func @transform_8(%arg0: i32) -> (i32, i32) {
    %c0_i32 = arith.constant 0 : i32
    %c0_i32_0 = arith.constant 0 : i32
    %c0_i32_1 = arith.constant 0 : i32
    return %c0_i32, %c0_i32_0 : i32, i32
  }
  func.func @transform_9(%arg0: i32) -> (i32, i32) {
    %c0_i32 = arith.constant 0 : i32
    %c0_i32_0 = arith.constant 0 : i32
    %c0_i32_1 = arith.constant 0 : i32
    return %c0_i32, %c0_i32_0 : i32, i32
  }
}

module attributes {stable_mosaic.version = 14 : i64} {
  func.func @body(%arg0: i32, %arg1: memref<1000x512xf32, #tpu.memory_space<vmem>>, %arg2: memref<1x512xf32, #tpu.memory_space<vmem>>, %arg3: memref<1x512xf32, #tpu.memory_space<vmem>>, %arg4: memref<1x512xf32, #tpu.memory_space<vmem>>, %arg5: memref<1x512xf32, #tpu.memory_space<vmem>>, %arg6: memref<1xf32, #tpu.memory_space<smem>>, %arg7: memref<1000x512xf32, #tpu.memory_space<vmem>>, %arg8: memref<4x1000x128xf32, #tpu.memory_space<vmem>>) attributes {dimension_semantics = [#tpu.dimension_semantics<arbitrary>], iteration_bounds = array<i64: 10>, scalar_prefetch = 0 : i64, scratch_operands = 0 : i64, tpu.core_type = #tpu.core_type<tc>, window_params = [{transform_indices = @transform_0, window_bounds = array<i64: 1000, 512>}, {pipeline_mode = #tpu.pipeline_mode<synchronous>, transform_indices = @transform_1, window_bounds = array<i64: 1, 512>}, {pipeline_mode = #tpu.pipeline_mode<synchronous>, transform_indices = @transform_2, window_bounds = array<i64: 1, 512>}, {pipeline_mode = #tpu.pipeline_mode<synchronous>, transform_indices = @transform_3, window_bounds = array<i64: 1, 512>}, {pipeline_mode = #tpu.pipeline_mode<synchronous>, transform_indices = @transform_4, window_bounds = array<i64: 1, 512>}, {transform_indices = @transform_5, window_bounds = array<i64: 1>}, {transform_indices = @transform_6, window_bounds = array<i64: 1000, 512>}, {transform_indices = @transform_7, window_bounds = array<i64: 4, 1000, 128>}]} {
    %get3A = arith.constant 0 : index
    %get3A_0 = arith.constant 0 : index
    %get3A_1 = vector.load %arg1[%get3A, %get3A_0] : memref<1000x512xf32, #tpu.memory_space<vmem>>, vector<1000x512xf32>
    %get3A_2 = arith.constant 0 : index
    %get3A_3 = arith.constant 0 : index
    %get3A_4 = vector.load %arg2[%get3A_2, %get3A_3] : memref<1x512xf32, #tpu.memory_space<vmem>>, vector<1x512xf32>
    %sub3A = vector.broadcast %get3A_4 : vector<1x512xf32> to vector<1000x512xf32>
    %sub3A_5 = arith.subf %get3A_1, %sub3A : vector<1000x512xf32>
    %get3A_6 = arith.constant 0 : index
    %get3A_7 = arith.constant 0 : index
    %get3A_8 = vector.load %arg3[%get3A_6, %get3A_7] : memref<1x512xf32, #tpu.memory_space<vmem>>, vector<1x512xf32>
    %mul3A = vector.broadcast %get3A_8 : vector<1x512xf32> to vector<1000x512xf32>
    %mul3A_9 = arith.mulf %sub3A_5, %mul3A : vector<1000x512xf32>
    %get3A_10 = arith.constant 0 : index
    %get3A_11 = arith.constant 0 : index
    %get3A_12 = vector.load %arg4[%get3A_10, %get3A_11] : memref<1x512xf32, #tpu.memory_space<vmem>>, vector<1x512xf32>
    %mul3A_13 = vector.broadcast %get3A_12 : vector<1x512xf32> to vector<1000x512xf32>
    %mul3A_14 = arith.mulf %mul3A_9, %mul3A_13 : vector<1000x512xf32>
    %get3A_15 = arith.constant 0 : index
    %get3A_16 = arith.constant 0 : index
    %get3A_17 = vector.load %arg5[%get3A_15, %get3A_16] : memref<1x512xf32, #tpu.memory_space<vmem>>, vector<1x512xf32>
    %add3A = vector.broadcast %get3A_17 : vector<1x512xf32> to vector<1000x512xf32>
    %add3A_18 = arith.addf %mul3A_14, %add3A : vector<1000x512xf32>
    %max3A = arith.constant 0.000000e+00 : f32
    %max3A_19 = vector.broadcast %max3A : f32 to vector<1000x512xf32>
    %max3A_20 = arith.maximumf %add3A_18, %max3A_19 : vector<1000x512xf32>
    %swap3A = arith.constant 0 : index
    %swap3A_21 = arith.constant 0 : index
    %swap3A_22 = vector.load %arg7[%swap3A, %swap3A_21] : memref<1000x512xf32, #tpu.memory_space<vmem>>, vector<1000x512xf32>
    tpu.vector_store %arg7[%swap3A, %swap3A_21], %max3A_20 {strides = array<i32>} : memref<1000x512xf32, #tpu.memory_space<vmem>>, vector<1000x512xf32>,
    %get3A_23 = arith.constant 0 : index
    %get3A_24 = memref.load %arg6[%get3A_23] : memref<1xf32, #tpu.memory_space<smem>>
    %max3A_25 = arith.constant 0.000000e+00 : f32
    %max3A_26 = vector.broadcast %max3A_25 : f32 to vector<1000x512xf32>
    %max3A_27 = arith.maximumf %max3A_20, %max3A_26 : vector<1000x512xf32>
    %add3A_28 = arith.constant 1.000000e-07 : f32
    %add3A_29 = vector.broadcast %add3A_28 : f32 to vector<1000x512xf32>
    %add3A_30 = arith.addf %max3A_27, %add3A_29 : vector<1000x512xf32>
    %jit3A = arith.constant 1.000000e-07 : f32
    %jit3A_31 = arith.constant 1.000000e+04 : f32
    %max3A_32 = vector.broadcast %jit3A : f32 to vector<1000x512xf32>
    %max3A_33 = arith.maximumf %max3A_32, %add3A_30 : vector<1000x512xf32>
    %min3A = vector.broadcast %jit3A_31 : f32 to vector<1000x512xf32>
    %min3A_34 = arith.minimumf %min3A, %max3A_33 : vector<1000x512xf32>
    %log3A = math.log %min3A_34 : vector<1000x512xf32>
    %mul3A_35 = vector.broadcast %get3A_24 : f32 to vector<1000x512xf32>
    %mul3A_36 = arith.mulf %mul3A_35, %log3A : vector<1000x512xf32>
    %exp3A = math.exp %mul3A_36 : vector<1000x512xf32>
    %slice3A = vector.extract_strided_slice %exp3A {offsets = [0, 0], sizes = [1000, 128], strides = [1, 1]} : vector<1000x512xf32> to vector<1000x128xf32>
    %swap3A_37 = arith.constant 0 : index
    %swap3A_38 = arith.constant 0 : index
    %swap3A_39 = arith.constant 0 : index
    %swap3A_40 = vector.load %arg8[%swap3A_37, %swap3A_38, %swap3A_39] : memref<4x1000x128xf32, #tpu.memory_space<vmem>>, vector<1x1000x128xf32>
    %swap3A_41 = vector.shape_cast %swap3A_40 : vector<1x1000x128xf32> to vector<1000x128xf32>
    %swap3A_42 = vector.shape_cast %slice3A : vector<1000x128xf32> to vector<1x1000x128xf32>
    tpu.vector_store %arg8[%swap3A_37, %swap3A_38, %swap3A_39], %swap3A_42 {strides = array<i32>} : memref<4x1000x128xf32, #tpu.memory_space<vmem>>, vector<1x1000x128xf32>,
    %slice3A_43 = vector.extract_strided_slice %exp3A {offsets = [0, 128], sizes = [1000, 128], strides = [1, 1]} : vector<1000x512xf32> to vector<1000x128xf32>
    %swap3A_44 = arith.constant 1 : index
    %swap3A_45 = arith.constant 0 : index
    %swap3A_46 = arith.constant 0 : index
    %swap3A_47 = vector.load %arg8[%swap3A_44, %swap3A_45, %swap3A_46] : memref<4x1000x128xf32, #tpu.memory_space<vmem>>, vector<1x1000x128xf32>
    %swap3A_48 = vector.shape_cast %swap3A_47 : vector<1x1000x128xf32> to vector<1000x128xf32>
    %swap3A_49 = vector.shape_cast %slice3A_43 : vector<1000x128xf32> to vector<1x1000x128xf32>
    tpu.vector_store %arg8[%swap3A_44, %swap3A_45, %swap3A_46], %swap3A_49 {strides = array<i32>} : memref<4x1000x128xf32, #tpu.memory_space<vmem>>, vector<1x1000x128xf32>,
    %slice3A_50 = vector.extract_strided_slice %exp3A {offsets = [0, 256], sizes = [1000, 128], strides = [1, 1]} : vector<1000x512xf32> to vector<1000x128xf32>
    %swap3A_51 = arith.constant 2 : index
    %swap3A_52 = arith.constant 0 : index
    %swap3A_53 = arith.constant 0 : index
    %swap3A_54 = vector.load %arg8[%swap3A_51, %swap3A_52, %swap3A_53] : memref<4x1000x128xf32, #tpu.memory_space<vmem>>, vector<1x1000x128xf32>
    %swap3A_55 = vector.shape_cast %swap3A_54 : vector<1x1000x128xf32> to vector<1000x128xf32>
    %swap3A_56 = vector.shape_cast %slice3A_50 : vector<1000x128xf32> to vector<1x1000x128xf32>
    tpu.vector_store %arg8[%swap3A_51, %swap3A_52, %swap3A_53], %swap3A_56 {strides = array<i32>} : memref<4x1000x128xf32, #tpu.memory_space<vmem>>, vector<1x1000x128xf32>,
    %slice3A_57 = vector.extract_strided_slice %exp3A {offsets = [0, 384], sizes = [1000, 128], strides = [1, 1]} : vector<1000x512xf32> to vector<1000x128xf32>
    %swap3A_58 = arith.constant 3 : index
    %swap3A_59 = arith.constant 0 : index
    %swap3A_60 = arith.constant 0 : index
    %swap3A_61 = vector.load %arg8[%swap3A_58, %swap3A_59, %swap3A_60] : memref<4x1000x128xf32, #tpu.memory_space<vmem>>, vector<1x1000x128xf32>
    %swap3A_62 = vector.shape_cast %swap3A_61 : vector<1x1000x128xf32> to vector<1000x128xf32>
    %swap3A_63 = vector.shape_cast %slice3A_57 : vector<1000x128xf32> to vector<1x1000x128xf32>
    tpu.vector_store %arg8[%swap3A_58, %swap3A_59, %swap3A_60], %swap3A_63 {strides = array<i32>} : memref<4x1000x128xf32, #tpu.memory_space<vmem>>, vector<1x1000x128xf32>,
    return
  }
  func.func @transform_0(%arg0: i32) -> (i32, i32) {
    %c0_i32 = arith.constant 0 : i32
    %c0_i32_0 = arith.constant 0 : i32
    return %arg0, %c0_i32 : i32, i32
  }
  func.func @transform_1(%arg0: i32) -> (i32, i32) {
    %c0_i32 = arith.constant 0 : i32
    %c0_i32_0 = arith.constant 0 : i32
    %c0_i32_1 = arith.constant 0 : i32
    return %c0_i32, %c0_i32_0 : i32, i32
  }
  func.func @transform_2(%arg0: i32) -> (i32, i32) {
    %c0_i32 = arith.constant 0 : i32
    %c0_i32_0 = arith.constant 0 : i32
    %c0_i32_1 = arith.constant 0 : i32
    return %c0_i32, %c0_i32_0 : i32, i32
  }
  func.func @transform_3(%arg0: i32) -> (i32, i32) {
    %c0_i32 = arith.constant 0 : i32
    %c0_i32_0 = arith.constant 0 : i32
    %c0_i32_1 = arith.constant 0 : i32
    return %c0_i32, %c0_i32_0 : i32, i32
  }
  func.func @transform_4(%arg0: i32) -> (i32, i32) {
    %c0_i32 = arith.constant 0 : i32
    %c0_i32_0 = arith.constant 0 : i32
    %c0_i32_1 = arith.constant 0 : i32
    return %c0_i32, %c0_i32_0 : i32, i32
  }
  func.func @transform_5(%arg0: i32) -> i32 {
    %c0_i32 = arith.constant 0 : i32
    %c0_i32_0 = arith.constant 0 : i32
    return %c0_i32 : i32
  }
  func.func @transform_6(%arg0: i32) -> (i32, i32) {
    %c0_i32 = arith.constant 0 : i32
    %c0_i32_0 = arith.constant 0 : i32
    return %arg0, %c0_i32 : i32, i32
  }
  func.func @transform_7(%arg0: i32) -> (i32, i32, i32) {
    %c0_i32 = arith.constant 0 : i32
    %c0_i32_0 = arith.constant 0 : i32
    %c0_i32_1 = arith.constant 0 : i32
    return %c0_i32, %arg0, %c0_i32_0 : i32, i32, i32
  }
}

module attributes {stable_mosaic.version = 14 : i64} {
  func.func @body(%arg0: i32, %arg1: memref<3x1000x512xf32, #tpu.memory_space<vmem>>, %arg2: memref<1000x1xi32, #tpu.memory_space<vmem>>, %arg3: memref<1x1x1000xi32, #tpu.memory_space<vmem>>, %arg4: memref<10xi32, #tpu.memory_space<smem>>, %arg5: memref<10xi32, #tpu.memory_space<smem>>, %arg6: memref<64x512xf32, #tpu.memory_space<vmem>>, %arg7: memref<64x512xf32, #tpu.memory_space<vmem>>, %arg8: memref<64x1xf32, #tpu.memory_space<vmem>>) attributes {dimension_semantics = [#tpu.dimension_semantics<arbitrary>], iteration_bounds = array<i64: 10>, scalar_prefetch = 0 : i64, scratch_operands = 0 : i64, tpu.core_type = #tpu.core_type<tc>, window_params = [{transform_indices = @transform_0, window_bounds = array<i64: 3, 1000, 512>}, {transform_indices = @transform_1, window_bounds = array<i64: 1000, 1>}, {transform_indices = @transform_2, window_bounds = array<i64: 1, 1, 1000>}, {transform_indices = @transform_3, window_bounds = array<i64: 10>}, {transform_indices = @transform_4, window_bounds = array<i64: 10>}, {pipeline_mode = #tpu.pipeline_mode<synchronous>, transform_indices = @transform_5, window_bounds = array<i64: 64, 512>}, {pipeline_mode = #tpu.pipeline_mode<synchronous>, transform_indices = @transform_6, window_bounds = array<i64: 64, 512>}, {pipeline_mode = #tpu.pipeline_mode<synchronous>, transform_indices = @transform_7, window_bounds = array<i64: 64, 1>}]} {
    %get3A = arith.constant 0 : index
    %get3A_0 = arith.constant 0 : index
    %get3A_1 = arith.constant 0 : index
    %get3A_2 = vector.load %arg1[%get3A, %get3A_0, %get3A_1] : memref<3x1000x512xf32, #tpu.memory_space<vmem>>, vector<1x1000x512xf32>
    %get3A_3 = vector.shape_cast %get3A_2 : vector<1x1000x512xf32> to vector<1000x512xf32>
    %get3A_4 = arith.constant 1 : index
    %get3A_5 = arith.constant 0 : index
    %get3A_6 = arith.constant 0 : index
    %get3A_7 = vector.load %arg1[%get3A_4, %get3A_5, %get3A_6] : memref<3x1000x512xf32, #tpu.memory_space<vmem>>, vector<1x1000x512xf32>
    %get3A_8 = vector.shape_cast %get3A_7 : vector<1x1000x512xf32> to vector<1000x512xf32>
    %max3A = arith.maximumf %get3A_3, %get3A_8 : vector<1000x512xf32>
    %get3A_9 = arith.constant 2 : index
    %get3A_10 = arith.constant 0 : index
    %get3A_11 = arith.constant 0 : index
    %get3A_12 = vector.load %arg1[%get3A_9, %get3A_10, %get3A_11] : memref<3x1000x512xf32, #tpu.memory_space<vmem>>, vector<1x1000x512xf32>
    %get3A_13 = vector.shape_cast %get3A_12 : vector<1x1000x512xf32> to vector<1000x512xf32>
    %max3A_14 = arith.maximumf %max3A, %get3A_13 : vector<1000x512xf32>
    %eq3A = arith.constant 0 : i32
    %eq3A_15 = arith.cmpi eq, %arg0, %eq3A : i32
    %convert_element_type3A = arith.extui %eq3A_15 : i1 to i32
    %cond3A = arith.constant 0 : i32
    %cond3A_16 = arith.cmpi ne, %convert_element_type3A, %cond3A : i32
    scf.if %cond3A_16 {
      %broadcast_in_dim3A_59 = arith.constant 0.000000e+00 : f32
      %broadcast_in_dim3A_60 = vector.broadcast %broadcast_in_dim3A_59 : f32 to vector<64x512xf32>
      %swap3A_61 = arith.constant 0 : index
      %swap3A_62 = arith.constant 0 : index
      %swap3A_63 = vector.load %arg6[%swap3A_61, %swap3A_62] : memref<64x512xf32, #tpu.memory_space<vmem>>, vector<64x512xf32>
      tpu.vector_store %arg6[%swap3A_61, %swap3A_62], %broadcast_in_dim3A_60 {strides = array<i32>} : memref<64x512xf32, #tpu.memory_space<vmem>>, vector<64x512xf32>,
      %broadcast_in_dim3A_64 = arith.constant 0.000000e+00 : f32
      %broadcast_in_dim3A_65 = vector.broadcast %broadcast_in_dim3A_64 : f32 to vector<64x512xf32>
      %swap3A_66 = arith.constant 0 : index
      %swap3A_67 = arith.constant 0 : index
      %swap3A_68 = vector.load %arg7[%swap3A_66, %swap3A_67] : memref<64x512xf32, #tpu.memory_space<vmem>>, vector<64x512xf32>
      tpu.vector_store %arg7[%swap3A_66, %swap3A_67], %broadcast_in_dim3A_65 {strides = array<i32>} : memref<64x512xf32, #tpu.memory_space<vmem>>, vector<64x512xf32>,
      %broadcast_in_dim3A_69 = arith.constant 0.000000e+00 : f32
      %broadcast_in_dim3A_70 = vector.broadcast %broadcast_in_dim3A_69 : f32 to vector<64x1xf32>
      %swap3A_71 = arith.constant 0 : index
      %swap3A_72 = arith.constant 0 : index
      %swap3A_73 = vector.load %arg8[%swap3A_71, %swap3A_72] : memref<64x1xf32, #tpu.memory_space<vmem>>, vector<64x1xf32>
      tpu.vector_store %arg8[%swap3A_71, %swap3A_72], %broadcast_in_dim3A_70 {strides = array<i32>} : memref<64x1xf32, #tpu.memory_space<vmem>>, vector<64x1xf32>,
    } else {
    }
    %get3A_17 = arith.constant 0 : index
    %get3A_18 = arith.constant 0 : index
    %get3A_19 = arith.constant 0 : index
    %get3A_20 = vector.load %arg3[%get3A_17, %get3A_18, %get3A_19] : memref<1x1x1000xi32, #tpu.memory_space<vmem>>, vector<1x1x1000xi32>
    %get3A_21 = vector.shape_cast %get3A_20 : vector<1x1x1000xi32> to vector<1x1000xi32>
    %iota3A = tpu.iota {dimensions = array<i32: 0>} : vector<64x1000xi32>
    %eq3A_22 = vector.broadcast %get3A_21 : vector<1x1000xi32> to vector<64x1000xi32>
    %eq3A_23 = arith.cmpi eq, %eq3A_22, %iota3A : vector<64x1000xi32>
    %convert_element_type3A_24 = arith.extui %eq3A_23 : vector<64x1000xi1> to vector<64x1000xi32>
    %convert_element_type3A_25 = arith.sitofp %convert_element_type3A_24 : vector<64x1000xi32> to vector<64x1000xf32>
    %get3A_26 = arith.constant 0 : index
    %get3A_27 = arith.constant 0 : index
    %get3A_28 = vector.load %arg6[%get3A_26, %get3A_27] : memref<64x512xf32, #tpu.memory_space<vmem>>, vector<64x512xf32>
    %dot_general3A = arith.constant dense<0.000000e+00> : vector<64x512xf32>
    %dot_general3A_29 = tpu.matmul %convert_element_type3A_25, %max3A_14, %dot_general3A {dimension_numbers = #tpu.dot_dimension_numbers<[1], [0], [0], [1], [0, 0, 1, 1], [], []>, transpose_lhs_hint = false} : vector<64x1000xf32>, vector<1000x512xf32>, vector<64x512xf32> -> vector<64x512xf32>
    %add3A = arith.addf %get3A_28, %dot_general3A_29 : vector<64x512xf32>
    %swap3A = arith.constant 0 : index
    %swap3A_30 = arith.constant 0 : index
    %swap3A_31 = vector.load %arg6[%swap3A, %swap3A_30] : memref<64x512xf32, #tpu.memory_space<vmem>>, vector<64x512xf32>
    tpu.vector_store %arg6[%swap3A, %swap3A_30], %add3A {strides = array<i32>} : memref<64x512xf32, #tpu.memory_space<vmem>>, vector<64x512xf32>,
    %get3A_32 = arith.constant 0 : index
    %get3A_33 = arith.constant 0 : index
    %get3A_34 = vector.load %arg8[%get3A_32, %get3A_33] : memref<64x1xf32, #tpu.memory_space<vmem>>, vector<64x1xf32>
    %broadcast_in_dim3A = arith.constant 1.000000e+00 : f32
    %broadcast_in_dim3A_35 = vector.broadcast %broadcast_in_dim3A : f32 to vector<1000x1xf32>
    %dot_general3A_36 = arith.constant dense<0.000000e+00> : vector<64x1xf32>
    %dot_general3A_37 = tpu.matmul %convert_element_type3A_25, %broadcast_in_dim3A_35, %dot_general3A_36 {dimension_numbers = #tpu.dot_dimension_numbers<[1], [0], [0], [1], [0, 0, 1, 1], [], []>, transpose_lhs_hint = false} : vector<64x1000xf32>, vector<1000x1xf32>, vector<64x1xf32> -> vector<64x1xf32>
    %add3A_38 = arith.addf %get3A_34, %dot_general3A_37 : vector<64x1xf32>
    %swap3A_39 = arith.constant 0 : index
    %swap3A_40 = arith.constant 0 : index
    %swap3A_41 = vector.load %arg8[%swap3A_39, %swap3A_40] : memref<64x1xf32, #tpu.memory_space<vmem>>, vector<64x1xf32>
    tpu.vector_store %arg8[%swap3A_39, %swap3A_40], %add3A_38 {strides = array<i32>} : memref<64x1xf32, #tpu.memory_space<vmem>>, vector<64x1xf32>,
    %get3A_42 = arith.constant 0 : index
    %get3A_43 = arith.constant 0 : index
    %get3A_44 = vector.load %arg2[%get3A_42, %get3A_43] : memref<1000x1xi32, #tpu.memory_space<vmem>>, vector<1000x1xi32>
    %get3A_45 = arith.index_cast %arg0 : i32 to index
    %get3A_46 = memref.load %arg4[%get3A_45] : memref<10xi32, #tpu.memory_space<smem>>
    %get3A_47 = arith.index_cast %arg0 : i32 to index
    %get3A_48 = memref.load %arg5[%get3A_47] : memref<10xi32, #tpu.memory_space<smem>>
    %add3A_49 = arith.constant 1 : i32
    %add3A_50 = arith.addi %get3A_48, %add3A_49 : i32
    %while3A = arith.constant 0 : i32
    %while3A_51 = arith.subi %add3A_50, %get3A_46 : i32
    %while3A_52 = arith.addi %get3A_46, %while3A_51 : i32
    %while3A_53 = arith.constant 1 : i32
    %while3A_54 = arith.divsi %while3A_51, %while3A_53 : i32
    %while3A_55 = arith.muli %while3A_54, %while3A_53 : i32
    %while3A_56 = arith.addi %get3A_46, %while3A_55 : i32
    %while3A_57 = arith.constant 1 : i32
    scf.for %while3A_59 = %get3A_46 to %while3A_56 step %while3A_57  : i32 {
      %eq3A_60 = vector.broadcast %while3A_59 : i32 to vector<1000x1xi32>
      %eq3A_61 = arith.cmpi eq, %get3A_44, %eq3A_60 : vector<1000x1xi32>
      %jit3A = arith.constant 0.000000e+00 : f32
      %broadcast_in_dim3A_62 = vector.shape_cast %eq3A_61 : vector<1000x1xi1> to vector<1000x1xi1>
      %broadcast_in_dim3A_63 = vector.broadcast %broadcast_in_dim3A_62 : vector<1000x1xi1> to vector<1000x512xi1>
      %broadcast_in_dim3A_64 = vector.broadcast %jit3A : f32 to vector<1000x512xf32>
      %select_n3A = arith.select %broadcast_in_dim3A_63, %max3A_14, %broadcast_in_dim3A_64 : vector<1000x512xi1>, vector<1000x512xf32>
      %reduce_max3A = arith.constant dense<0xFF800000> : vector<512xf32>
      %reduce_max3A_65 = vector.multi_reduction <maximumf>, %select_n3A, %reduce_max3A [0] : vector<1000x512xf32> to vector<512xf32>
      %broadcast_in_dim3A_66 = vector.shape_cast %reduce_max3A_65 : vector<512xf32> to vector<1x512xf32>
      %get3A_67 = arith.index_cast %while3A_59 : i32 to index
      %get3A_68 = arith.constant 0 : index
      %get3A_69 = vector.load %arg7[%get3A_67, %get3A_68] : memref<64x512xf32, #tpu.memory_space<vmem>>, vector<1x512xf32>
      %max3A_70 = arith.maximumf %get3A_69, %broadcast_in_dim3A_66 : vector<1x512xf32>
      %swap3A_71 = arith.index_cast %while3A_59 : i32 to index
      %swap3A_72 = arith.constant 0 : index
      %swap3A_73 = vector.load %arg7[%swap3A_71, %swap3A_72] : memref<64x512xf32, #tpu.memory_space<vmem>>, vector<1x512xf32>
      tpu.vector_store %arg7[%swap3A_71, %swap3A_72], %max3A_70 {strides = array<i32>} : memref<64x512xf32, #tpu.memory_space<vmem>>, vector<1x512xf32>,
    }
    %while3A_58 = arith.constant 1 : i32
    scf.for %while3A_59 = %while3A_56 to %while3A_52 step %while3A_58  : i32 {
      %eq3A_60 = vector.broadcast %while3A_59 : i32 to vector<1000x1xi32>
      %eq3A_61 = arith.cmpi eq, %get3A_44, %eq3A_60 : vector<1000x1xi32>
      %jit3A = arith.constant 0.000000e+00 : f32
      %broadcast_in_dim3A_62 = vector.shape_cast %eq3A_61 : vector<1000x1xi1> to vector<1000x1xi1>
      %broadcast_in_dim3A_63 = vector.broadcast %broadcast_in_dim3A_62 : vector<1000x1xi1> to vector<1000x512xi1>
      %broadcast_in_dim3A_64 = vector.broadcast %jit3A : f32 to vector<1000x512xf32>
      %select_n3A = arith.select %broadcast_in_dim3A_63, %max3A_14, %broadcast_in_dim3A_64 : vector<1000x512xi1>, vector<1000x512xf32>
      %reduce_max3A = arith.constant dense<0xFF800000> : vector<512xf32>
      %reduce_max3A_65 = vector.multi_reduction <maximumf>, %select_n3A, %reduce_max3A [0] : vector<1000x512xf32> to vector<512xf32>
      %broadcast_in_dim3A_66 = vector.shape_cast %reduce_max3A_65 : vector<512xf32> to vector<1x512xf32>
      %get3A_67 = arith.index_cast %while3A_59 : i32 to index
      %get3A_68 = arith.constant 0 : index
      %get3A_69 = vector.load %arg7[%get3A_67, %get3A_68] : memref<64x512xf32, #tpu.memory_space<vmem>>, vector<1x512xf32>
      %max3A_70 = arith.maximumf %get3A_69, %broadcast_in_dim3A_66 : vector<1x512xf32>
      %swap3A_71 = arith.index_cast %while3A_59 : i32 to index
      %swap3A_72 = arith.constant 0 : index
      %swap3A_73 = vector.load %arg7[%swap3A_71, %swap3A_72] : memref<64x512xf32, #tpu.memory_space<vmem>>, vector<1x512xf32>
      tpu.vector_store %arg7[%swap3A_71, %swap3A_72], %max3A_70 {strides = array<i32>} : memref<64x512xf32, #tpu.memory_space<vmem>>, vector<1x512xf32>,
    }
    return
  }
  func.func @transform_0(%arg0: i32) -> (i32, i32, i32) {
    %c0_i32 = arith.constant 0 : i32
    %c0_i32_0 = arith.constant 0 : i32
    %c0_i32_1 = arith.constant 0 : i32
    return %c0_i32, %arg0, %c0_i32_0 : i32, i32, i32
  }
  func.func @transform_1(%arg0: i32) -> (i32, i32) {
    %c0_i32 = arith.constant 0 : i32
    %c0_i32_0 = arith.constant 0 : i32
    return %arg0, %c0_i32 : i32, i32
  }
  func.func @transform_2(%arg0: i32) -> (i32, i32, i32) {
    %c0_i32 = arith.constant 0 : i32
    %c0_i32_0 = arith.constant 0 : i32
    %c0_i32_1 = arith.constant 0 : i32
    return %arg0, %c0_i32, %c0_i32_0 : i32, i32, i32
  }
  func.func @transform_3(%arg0: i32) -> i32 {
    %c0_i32 = arith.constant 0 : i32
    %c0_i32_0 = arith.constant 0 : i32
    return %c0_i32 : i32
  }
  func.func @transform_4(%arg0: i32) -> i32 {
    %c0_i32 = arith.constant 0 : i32
    %c0_i32_0 = arith.constant 0 : i32
    return %c0_i32 : i32
  }
  func.func @transform_5(%arg0: i32) -> (i32, i32) {
    %c0_i32 = arith.constant 0 : i32
    %c0_i32_0 = arith.constant 0 : i32
    %c0_i32_1 = arith.constant 0 : i32
    return %c0_i32, %c0_i32_0 : i32, i32
  }
  func.func @transform_6(%arg0: i32) -> (i32, i32) {
    %c0_i32 = arith.constant 0 : i32
    %c0_i32_0 = arith.constant 0 : i32
    %c0_i32_1 = arith.constant 0 : i32
    return %c0_i32, %c0_i32_0 : i32, i32
  }
  func.func @transform_7(%arg0: i32) -> (i32, i32) {
    %c0_i32 = arith.constant 0 : i32
    %c0_i32_0 = arith.constant 0 : i32
    %c0_i32_1 = arith.constant 0 : i32
    return %c0_i32, %c0_i32_0 : i32, i32
  }
}

module attributes {stable_mosaic.version = 14 : i64} {
  func.func @body(%arg0: memref<64x512xf32, #tpu.memory_space<vmem>>, %arg1: memref<64x512xf32, #tpu.memory_space<vmem>>, %arg2: memref<64x1xf32, #tpu.memory_space<vmem>>, %arg3: memref<1024x512xf32, #tpu.memory_space<vmem>>, %arg4: memref<1x512xf32, #tpu.memory_space<vmem>>, %arg5: memref<1x512xf32, #tpu.memory_space<vmem>>, %arg6: memref<1x512xf32, #tpu.memory_space<vmem>>, %arg7: memref<512x128xf32, #tpu.memory_space<vmem>>, %arg8: memref<1x128xf32, #tpu.memory_space<vmem>>, %arg9: memref<64x128xf32, #tpu.memory_space<vmem>>) attributes {dimension_semantics = [], scalar_prefetch = 0 : i64, scratch_operands = 0 : i64, tpu.core_type = #tpu.core_type<tc>} {
    %get3A = arith.constant 0 : index
    %get3A_0 = arith.constant 0 : index
    %get3A_1 = vector.load %arg0[%get3A, %get3A_0] : memref<64x512xf32, #tpu.memory_space<vmem>>, vector<64x512xf32>
    %get3A_2 = arith.constant 0 : index
    %get3A_3 = arith.constant 0 : index
    %get3A_4 = vector.load %arg2[%get3A_2, %get3A_3] : memref<64x1xf32, #tpu.memory_space<vmem>>, vector<64x1xf32>
    %max3A = arith.constant 1.000000e+00 : f32
    %max3A_5 = vector.broadcast %max3A : f32 to vector<64x1xf32>
    %max3A_6 = arith.maximumf %get3A_4, %max3A_5 : vector<64x1xf32>
    %div3A = vector.broadcast %max3A_6 : vector<64x1xf32> to vector<64x512xf32>
    %div3A_7 = arith.divf %get3A_1, %div3A : vector<64x512xf32>
    %get3A_8 = arith.constant 0 : index
    %get3A_9 = arith.constant 0 : index
    %get3A_10 = vector.load %arg1[%get3A_8, %get3A_9] : memref<64x512xf32, #tpu.memory_space<vmem>>, vector<64x512xf32>
    %concatenate3A = tpu.concatenate %get3A_10, %div3A_7 in 1 : vector<64x512xf32>, vector<64x512xf32> -> vector<64x1024xf32>
    %get3A_11 = arith.constant 0 : index
    %get3A_12 = arith.constant 0 : index
    %get3A_13 = vector.load %arg3[%get3A_11, %get3A_12] : memref<1024x512xf32, #tpu.memory_space<vmem>>, vector<1024x512xf32>
    %dot_general3A = arith.constant dense<0.000000e+00> : vector<64x512xf32>
    %dot_general3A_14 = tpu.matmul %concatenate3A, %get3A_13, %dot_general3A {dimension_numbers = #tpu.dot_dimension_numbers<[1], [0], [0], [1], [0, 0, 1, 1], [], []>, transpose_lhs_hint = false} : vector<64x1024xf32>, vector<1024x512xf32>, vector<64x512xf32> -> vector<64x512xf32>
    %get3A_15 = arith.constant 0 : index
    %get3A_16 = arith.constant 0 : index
    %get3A_17 = vector.load %arg4[%get3A_15, %get3A_16] : memref<1x512xf32, #tpu.memory_space<vmem>>, vector<1x512xf32>
    %add3A = vector.broadcast %get3A_17 : vector<1x512xf32> to vector<64x512xf32>
    %add3A_18 = arith.addf %dot_general3A_14, %add3A : vector<64x512xf32>
    %reduce_sum3A = arith.constant dense<0.000000e+00> : vector<512xf32>
    %reduce_sum3A_19 = vector.multi_reduction <add>, %add3A_18, %reduce_sum3A [0] : vector<64x512xf32> to vector<512xf32>
    %broadcast_in_dim3A = vector.shape_cast %reduce_sum3A_19 : vector<512xf32> to vector<1x512xf32>
    %div3A_20 = arith.constant 6.400000e+01 : f32
    %div3A_21 = vector.broadcast %div3A_20 : f32 to vector<1x512xf32>
    %div3A_22 = arith.divf %broadcast_in_dim3A, %div3A_21 : vector<1x512xf32>
    %sub3A = vector.broadcast %div3A_22 : vector<1x512xf32> to vector<64x512xf32>
    %sub3A_23 = arith.subf %add3A_18, %sub3A : vector<64x512xf32>
    %integer_pow3A = arith.mulf %sub3A_23, %sub3A_23 : vector<64x512xf32>
    %reduce_sum3A_24 = arith.constant dense<0.000000e+00> : vector<512xf32>
    %reduce_sum3A_25 = vector.multi_reduction <add>, %integer_pow3A, %reduce_sum3A_24 [0] : vector<64x512xf32> to vector<512xf32>
    %broadcast_in_dim3A_26 = vector.shape_cast %reduce_sum3A_25 : vector<512xf32> to vector<1x512xf32>
    %div3A_27 = arith.constant 6.400000e+01 : f32
    %div3A_28 = vector.broadcast %div3A_27 : f32 to vector<1x512xf32>
    %div3A_29 = arith.divf %broadcast_in_dim3A_26, %div3A_28 : vector<1x512xf32>
    %sub3A_30 = vector.broadcast %div3A_22 : vector<1x512xf32> to vector<64x512xf32>
    %sub3A_31 = arith.subf %add3A_18, %sub3A_30 : vector<64x512xf32>
    %add3A_32 = arith.constant 9.99999974E-6 : f32
    %add3A_33 = vector.broadcast %add3A_32 : f32 to vector<1x512xf32>
    %add3A_34 = arith.addf %div3A_29, %add3A_33 : vector<1x512xf32>
    %sqrt3A = math.sqrt %add3A_34 : vector<1x512xf32>
    %div3A_35 = vector.broadcast %sqrt3A : vector<1x512xf32> to vector<64x512xf32>
    %div3A_36 = arith.divf %sub3A_31, %div3A_35 : vector<64x512xf32>
    %get3A_37 = arith.constant 0 : index
    %get3A_38 = arith.constant 0 : index
    %get3A_39 = vector.load %arg5[%get3A_37, %get3A_38] : memref<1x512xf32, #tpu.memory_space<vmem>>, vector<1x512xf32>
    %mul3A = vector.broadcast %get3A_39 : vector<1x512xf32> to vector<64x512xf32>
    %mul3A_40 = arith.mulf %div3A_36, %mul3A : vector<64x512xf32>
    %get3A_41 = arith.constant 0 : index
    %get3A_42 = arith.constant 0 : index
    %get3A_43 = vector.load %arg6[%get3A_41, %get3A_42] : memref<1x512xf32, #tpu.memory_space<vmem>>, vector<1x512xf32>
    %add3A_44 = vector.broadcast %get3A_43 : vector<1x512xf32> to vector<64x512xf32>
    %add3A_45 = arith.addf %mul3A_40, %add3A_44 : vector<64x512xf32>
    %max3A_46 = arith.constant 0.000000e+00 : f32
    %max3A_47 = vector.broadcast %max3A_46 : f32 to vector<64x512xf32>
    %max3A_48 = arith.maximumf %add3A_45, %max3A_47 : vector<64x512xf32>
    %get3A_49 = arith.constant 0 : index
    %get3A_50 = arith.constant 0 : index
    %get3A_51 = vector.load %arg7[%get3A_49, %get3A_50] : memref<512x128xf32, #tpu.memory_space<vmem>>, vector<512x128xf32>
    %dot_general3A_52 = arith.constant dense<0.000000e+00> : vector<64x128xf32>
    %dot_general3A_53 = tpu.matmul %max3A_48, %get3A_51, %dot_general3A_52 {dimension_numbers = #tpu.dot_dimension_numbers<[1], [0], [0], [1], [0, 0, 1, 1], [], []>, transpose_lhs_hint = false} : vector<64x512xf32>, vector<512x128xf32>, vector<64x128xf32> -> vector<64x128xf32>
    %get3A_54 = arith.constant 0 : index
    %get3A_55 = arith.constant 0 : index
    %get3A_56 = vector.load %arg8[%get3A_54, %get3A_55] : memref<1x128xf32, #tpu.memory_space<vmem>>, vector<1x128xf32>
    %add3A_57 = vector.broadcast %get3A_56 : vector<1x128xf32> to vector<64x128xf32>
    %add3A_58 = arith.addf %dot_general3A_53, %add3A_57 : vector<64x128xf32>
    %swap3A = arith.constant 0 : index
    %swap3A_59 = arith.constant 0 : index
    %swap3A_60 = vector.load %arg9[%swap3A, %swap3A_59] : memref<64x128xf32, #tpu.memory_space<vmem>>, vector<64x128xf32>
    tpu.vector_store %arg9[%swap3A, %swap3A_59], %add3A_58 {strides = array<i32>} : memref<64x128xf32, #tpu.memory_space<vmem>>, vector<64x128xf32>,
    return
  }
}

</mosaic_0001>

<sc_bundles>
// kernel: closed_call.22.cloned.1.call-start
scs
__scs_entry_jumppad:
0x0: {  	(pc) =	sbr.rel $0x88, $3  }
0x1: {  	(tag) =	ssettag $0x0;
	lr =	simm.s32 $0x1  }
0x2: {  	[smem:$0x3F90] =	sst lr;
	_ =	strace $0xD0000000  }
0x3: {  	_ = 	snop  }
0x4: {  	_ = 	snop  }
0x5: {  	_ = 	snop  }
0x6: {  	_ = 	snop  }
0x7: {  	_ = 	snop  }
__scs_overlays_trampoline_lowered:
0x8: {  	[smem:$0x3F9F] =	sst s0  }
0x9: {  	[smem:$0x3FA0] =	sst s1  }
0xa: {  	[smem:$0x3FA1] =	sst s2  }
0xb: {  	[smem:$0x3FA2] =	sst s3  }
0xc: {  	[smem:$0x3FA3] =	sst s4  }
0xd: {  	[smem:$0x3FA4] =	sst s5  }
0xe: {  	[smem:$0x3FA5] =	sst s6  }
0xf: {  	[smem:$0x3FA6] =	sst s7  }
0x10: {  	[smem:$0x3FA7] =	sst s8  }
0x11: {  	[smem:$0x3FA8] =	sst s9;
	s0 =	simm.s32 @!p0 $0x0  }
0x12: {  	s1 =	sld [smem:$0x3F8E];
	s0 =	simm.s32 @p0 $0x1  }
0x13: {  	[smem:$0x3FA9] =	sst s0;
	s0 =	simm.s32 @!p1 $0x0  }
0x14: {  	s2 =	sld [smem:$0x3F8D];
	s0 =	simm.s32 @p1 $0x1  }
0x15: {  	[smem:$0x3FAA] =	sst s0;
	s0 =	simm.s32 @!p2 $0x0  }
0x16: {  	s3 =	sld [smem:$0x3FDB];
	s0 =	simm.s32 @p2 $0x1  }
0x17: {  	s4 =	simm.s32 $0x1BF5;
	[smem:$0x3FAC] =	sst s0  }
0x18: {  	s0 =	sld [smem:$0x3F8F];
	_ =	swait.ge [sflag:s4], $0x0  }
0x19: {  	s7 =	sld [smem:$0x3F90]  }
0x1a: {  	s8 =	sadd.s32 $0xFFFFE003, lr  }
0x1b: {  	s9 =	sadd.s32 $0xFFFFFEF7, lr;
	s5 =	simm.s32 $0xFFFFFFFF;
	p2 =	slt.u32 s8, $0xFFFFF086  }
0x1c: {  	p1 =	slt.u32 s9, $0xF7A;
	s5 =	simm.s32 @!p2 $0x0  }
0x1d: {  	s5 =	simm.s32 @p1 $0x1;
	p0 =	seq.s32 s7, s2  }
0x1e: {  	s7 =	smul.u32 @!p0 $0xF7A, s2;
	p2 =	seq.s32 @!p0 s5, $0x0  }
0x1f: {  	s9 =	smul.u32 $0xF7A, s1;
	s8 =	simm.s32 @!p0 $0x1BF5;
	p2 =	por !p2, p0  }
0x20: {  	[sflag:s8] =	ssyncset.s32 @!p0 $0xFFFFF086;
	s6 =	sadd.s32 @!p0 s3, s7;
	s7 =	simm.s32 @!p0 $0x108  }
0x21: {  	s3 =	sadd.s32 s3, s9;
	s6 =	sadd.s32 @!p0 $0x88, s6;
	s7 =	simm.s32 @p2 $0x1082  }
0x22: {  	[simem:s7], [sflag:s8] =	dma.local @!p0 [hbm:s6], $0xF7A  }
0x23: {  	s9 =	sor.u32 $0xD0000000, s2;
	s6 =	simm.s32 $0x108;
	_ =	swait.ge @!p0 [sflag:s8], $0x0  }
0x24: {  	s3 =	sadd.s32 $0x88, s3;
	s6 =	simm.s32 @!p1 $0x1082;
	[sflag:s4] =	ssyncset.s32 $0xFFFFF086  }
0x25: {  	[simem:s6], [sflag:s4] =	dma.local [hbm:s3], $0xF7A  }
0x26: {  	[smem:$0x3F90] =	sst s1;
	(tag) =	ssettag s2;
	_ =	strace s9  }
0x27: {  	s1 =	sld [smem:$0x3FA0]  }
0x28: {  	s2 =	sld [smem:$0x3FA1]  }
0x29: {  	s4 =	sld [smem:$0x3FA3]  }
0x2a: {  	p0 =	seq.s32 s5, $0x0;
	s5 =	sld [smem:$0x3FA4]  }
0x2b: {  	s6 =	sld [smem:$0x3FA5]  }
0x2c: {  	s7 =	sld [smem:$0x3FA6]  }
0x2d: {  	s3 =	simm.s32 $0x108;
	s8 =	sld [smem:$0x3FA7]  }
0x2e: {  	s3 =	simm.s32 @!p0 $0x1082;
	s9 =	sld [smem:$0x3FA8]  }
0x2f: {  	lr =	sadd.s32 s0, s3;
	s0 =	sld [smem:$0x3F9F]  }
0x30: {  	s3 =	sld [smem:$0x3FA2]  }
0x31: {  	[smem:$0x3FAB] =	sst s10  }
0x32: {  	s10 =	sld [smem:$0x3FA9];
	_ =	sdelay $0x3  }
0x33: {  	p0 =	seq.s32 s10, $0x1;
	s10 =	sld [smem:$0x3FAB];
	_ =	sdelay $0x3  }
0x34: {  	[smem:$0x3FAB] =	sst s10  }
0x35: {  	s10 =	sld [smem:$0x3FAA];
	_ =	sdelay $0x3  }
0x36: {  	p1 =	seq.s32 s10, $0x1;
	s10 =	sld [smem:$0x3FAB];
	_ =	sdelay $0x3  }
0x37: {  	[smem:$0x3FAB] =	sst s10  }
0x38: {  	s10 =	sld [smem:$0x3FAC]  }
0x39: {  	_ = 	snop;
	(pc) =	sbr.ind lr, $3  }
0x3a: {  	_ = 	snop  }
0x3b: {  	_ = 	snop  }
0x3c: {  	p2 =	seq.s32 s10, $0x1;
	s10 =	sld [smem:$0x3FAB]  }
0x3d: {  	_ =	shalt  }
0x3e: {  	_ =	shalt  }
0x3f: {  	_ =	shalt  }
0x40: {  	_ =	shalt  }
0x41: {  	_ =	shalt  }
0x42: {  	_ =	shalt  }
0x43: {  	_ =	shalt  }
0x44: {  	_ =	shalt  }
0x45: {  	_ =	shalt  }
0x46: {  	_ =	shalt  }
0x47: {  	_ =	shalt  }
0x48: {  	_ =	shalt  }
0x49: {  	_ =	shalt  }
0x4a: {  	_ =	shalt  }
0x4b: {  	_ =	shalt  }
0x4c: {  	_ =	shalt  }
0x4d: {  	_ =	shalt  }
0x4e: {  	_ =	shalt  }
0x4f: {  	_ =	shalt  }
0x50: {  	_ =	shalt  }
0x51: {  	_ =	shalt  }
0x52: {  	_ =	shalt  }
0x53: {  	_ =	shalt  }
0x54: {  	_ =	shalt  }
0x55: {  	_ =	shalt  }
0x56: {  	_ =	shalt  }
0x57: {  	_ =	shalt  }
0x58: {  	_ =	shalt  }
0x59: {  	_ =	shalt  }
0x5a: {  	_ =	shalt  }
0x5b: {  	_ =	shalt  }
0x5c: {  	_ =	shalt  }
0x5d: {  	_ =	shalt  }
0x5e: {  	_ =	shalt  }
0x5f: {  	_ =	shalt  }
0x60: {  	_ =	shalt  }
0x61: {  	_ =	shalt  }
0x62: {  	_ =	shalt  }
0x63: {  	_ =	shalt  }
0x64: {  	_ =	shalt  }
0x65: {  	_ =	shalt  }
0x66: {  	_ =	shalt  }
0x67: {  	_ =	shalt  }
0x68: {  	_ =	shalt  }
0x69: {  	_ =	shalt  }
0x6a: {  	_ =	shalt  }
0x6b: {  	_ =	shalt  }
0x6c: {  	_ =	shalt  }
0x6d: {  	_ =	shalt  }
0x6e: {  	_ =	shalt  }
0x6f: {  	_ =	shalt  }
0x70: {  	_ =	shalt  }
0x71: {  	_ =	shalt  }
0x72: {  	_ =	shalt  }
0x73: {  	_ =	shalt  }
0x74: {  	_ =	shalt  }
0x75: {  	_ =	shalt  }
0x76: {  	_ =	shalt  }
0x77: {  	_ =	shalt  }
0x78: {  	_ =	shalt  }
0x79: {  	_ =	shalt  }
0x7a: {  	_ =	shalt  }
0x7b: {  	_ =	shalt  }
0x7c: {  	_ =	shalt  }
0x7d: {  	_ =	shalt  }
0x7e: {  	_ =	shalt  }
0x7f: {  	_ =	shalt  }
0x80: {  	_ =	shalt  }
0x81: {  	_ =	shalt  }
0x82: {  	_ =	shalt  }
0x83: {  	_ =	shalt  }
0x84: {  	_ =	shalt  }
0x85: {  	_ =	shalt  }
0x86: {  	_ =	shalt  }
0x87: {  	_ =	shalt  }
.Lfunc_end0:
.L_simem_size_0:
called_computation_lowered:
.L_overlay_start_0:
0x88: {  	s2 =	sld [smem:$0x3FD9]  }
0x89: {  	s3 =	sld [smem:$0x3FFE];
	_ =	sdelay $0x1  }
0x8a: {  	s1 =	srdreg.scid  }
0x8b: {  	s0 =	sand.u32 $0x1, s1  }
0x8c: {  	s16 =	sshll.u32 s0, $0xA;
	s2 =	sadd.s32 s3, s2  }
0x8d: {  	s2 =	sadd.s32 s2, s16  }
0x8e: {  	[smem:$0x3FB7] =	sst s2  }
0x8f: {  	_ = 	snop  }
0x90: {  	(tm) =	ssettm $0x1  }
0x91: {  	s17 =	sld [smem:$0x3FFB];
	_ =	sdelay $0x3  }
0x92: {  	_ =	strace s17  }
0x93: {  	s2 =	sld [smem:$0x3FFC];
	_ =	sdelay $0x3  }
0x94: {  	_ =	strace s2  }
0x95: {  	s2 =	sld [smem:$0x3FFD];
	_ =	sdelay $0x3  }
0x96: {  	_ =	strace s2  }
0x97: {  	_ =	strace $0x8FFFFFFF  }
0x98: {  	s18 =	sld [smem:$0x3FDB];
	_ =	sdelay $0x1  }
0x99: {  	s19 =	simm.s32 $_scs_section_size  }
0x9a: {  	s4 =	simm.s32 $_size__tile_overlayer_lowered;
	s5 =	simm.s32 $_tile_overlayer_lowered  }
0x9b: {  	s22 =	simm.s32 $0x1BFF;
	s21 =	sshll.u32 s5, $0x1;
	s2 =	sadd.s32 s19, s18  }
0x9c: {  	s6 =	simm.s32 $0x0;
	s20 =	sshll.u32 s4, $0x1;
	s4 =	sadd.s32 s21, s2  }
0x9d: {  	[timem:s6], [sflag:s22] =	dma.local [hbm:s4], s20  }
0x9e: {  	_ =	swait.ge [sflag:s22], s20  }
0x9f: {  	s3 =	ssub.s32 $0x0, s20;
	[sflag:s22] =	ssyncset.done $0x0  }
0xa0: {  	[sflag:s22] =	ssyncadd.s32 s3;
	_ =	sdelay $0x1  }
0xa1: {  	s23 =	simm.s32 $0x1B8B  }
0xa2: {  	_ =	swait.ge [sflag:s23], $0x1  }
0xa3: {  	[sflag:s23] =	ssyncset.done $0x0  }
0xa4: {  	s25 =	simm.s32 $0x1B8E;
	s24 =	sld [smem:$0x3FFE];
	[sflag:s23] =	ssyncadd.s32 $0xFFFFFFFF  }
0xa5: {  	s26 =	simm.s32 $execute0_lowered;
	[smem:$0x3FD2] =	sst s25  }
0xa6: {  	s4 =	sshll.u32 s26, $0x1;
	_ =	strace $0x80000049;
	[dreg:$0x1] =	wrdreg $0xFFFFFFFF  }
0xa7: {  	s28 =	simm.s32 $_size_execute0_lowered;
	s2 =	sadd.s32 s2, s4;
	[dreg:$0x0] =	wrdreg $0x0  }
0xa8: {  	s4 =	sshll.u32 s28, $0x1;
	[dreg:$0x2] =	wrdreg s2  }
0xa9: {  	[dreg:$0x3] =	wrdreg s4  }
0xaa: {  	[dreg:$0x4] =	wrdreg $0xC0  }
0xab: {  	_ =	task [dreg:s6], $0x5FFFF  }
0xac: {  	[dreg:$0x1] =	wrdreg $0xFFFFFFFF  }
0xad: {  	[dreg:$0x0] =	wrdreg $0x60  }
0xae: {  	[dreg:$0x2] =	wrdreg s24  }
0xaf: {  	[dreg:$0x3] =	wrdreg $0xC0000  }
0xb0: {  	[dreg:$0x4] =	wrdreg $0x9  }
0xb1: {  	_ =	task.clear_ibuf [dreg:s6], $0x5FFFF;
	_ =	strace $0x90000049  }
0xb2: {  	s29 =	simm.s32 $0x9;
	_ =	strace $0x8000004B  }
0xb3: {  	_ =	swait.ge [sflag:s29], $0x1  }
0xb4: {  	[sflag:s29] =	ssyncadd.s32 $0xFFFFFFFF  }
0xb5: {  	_ =	strace $0x9000004B  }
0xb6: {  	_ =	sfence  }
0xb7: {  	s30 =	sld [smem:$0x0];
	_ =	sdelay $0x2  }
0xb8: {  	s31 =	sshll.u32 s1, $0xD;
	s1 =	sshrl.u32 s1, $0x2  }
0xb9: {  	s3 =	sand.u32 $0x4000, s31;
	s1 =	sadd.s32 s1, s30  }
0xba: {  	s0 =	sor.u32 s3, s0;
	s1 =	sshll.u32 s1, $0x11  }
0xbb: {  	s0 =	sor.u32 s1, s0  }
0xbc: {  	s0 =	sadd.s32 $0x8F2B, s0  }
0xbd: {  	[sflag:s0] =	ssyncadd.remote.s32 $0x1  }
0xbe: {  	_ =	sfence.sel $0xFFFF  }
0xbf: {  	[dreg:$0x0] =	wrdreg $0xFFFFFFFF;
	(pc) =	sbr.abs _section_cstart, $3  }
0xc0: {  	[dreg:$0x1] =	wrdreg $0xFFFFFFFF  }
0xc1: {  	_ =	task.clear_ibuf [dreg:s6], $0x2FFFF;
	_ =	strace $0x9FFFFFFF  }
0xc2: {  	(tm) =	ssettm $0x7FFFFFFF  }
0xc3: {  	_ =	shalt  }
tec
execute0_lowered:
.L_overlay_start_1:
0x0: {  	(tag) =	ssettag $0x1  }
0x1: {  	s0 =	rddreg [dreg:$0x0]  }
0x2: {  	s1 =	rddreg [dreg:$0x1];
	s10 =	simm.s32 $0x0;
	s9 =	stileid.u32  }
0x3: {  	s2 =	srdreg.scid;
	s29 =	simm.s32 $0xB;
	s18 =	simm.s32 $0x1000  }
0x4: {  	s19 =	simm.s32 $0x3000;
	s20 =	simm.s32 $0x1;
	s28 =	simm.s32 $0x3  }
0x5: {  	s30 =	simm.s32 $0xA000;
	s31 =	simm.s32 $0x4;
	s12 =	simm.s32 $0x9  }
0x6: {  	s15 =	simm.s32 $0xA;
	s14 =	simm.s32 $0x2;
	s16 =	simm.s32 $0x3F00  }
0x7: {  	[smem:$0x7FF] =	sst s10;
	s4 =	sadd.s32 $0x2A9E00, s0;
	s3 =	smul.u32 $0x2800, s9  }
0x8: {  	s5 =	sadd.s32 $0x386000, s0;
	s2 =	sand.u32 $0x1, s2;
	s8 =	smul.u32 $0x50000, s9  }
0x9: {  	s6 =	sadd.s32 $0x372000, s0;
	s11 =	smul.u32 $0x280, s9;
	s24 =	sshll.u32 s9, $0x6  }
0xa: {  	_ =	strace $0x8000004A;
	s7 =	ssub.s32 $0x2, s2;
	s2 =	sshll.u32 s2, $0x1  }
0xb: {  	s13 =	sor.u32 $0x1C0B, s24;
	s24 =	simm.s32 $0x6000;
	s3 =	sadd.s32 s3, s0  }
0xc: {  	s0 =	sadd.s32 $0x3FE000, s0;
	s21 =	sshrl.u32 s7, $0x1;
	[dreg:$0x5] =	wrdreg s11  }
0xd: {  	s22 =	sshrl.u32 s8, $0x2;
	s8 =	smul.u32 $0xA000, s9;
	[dreg:$0x6] =	wrdreg s2  }
0xe: {  	s2 =	simm.s32 $0x7;
	s9 =	simm.s32 $0x8;
	[dreg:$0x8] =	wrdreg s13  }
0xf: {  	s11 =	simm.s32 $0x6;
	[dreg:$0x4] =	wrdreg s0;
	s0 =	ssub.s32 s7, s21  }
0x10: {  	s23 =	sadd.s32 s22, s1;
	s3 =	sadd.s32 $0x3D6000, s3;
	s21 =	simm.s32 $0x40  }
0x11: {  	s22 =	simm.s32 $0x4000;
	[dreg:$0x7] =	wrdreg s3;
	s0 =	smax.u32 s0, $0x1  }
0x12: {  	s25 =	sshrl.u32 s8, $0x3;
	s17 =	sshrl.u32 s23, $0x3;
	[dreg:$0xa] =	wrdreg s0  }
0x13: {  	s3 =	simm.s32 $0x5;
	s26 =	sadd.s32 s6, s25;
	[dreg:$0xb] =	wrdreg s17  }
0x14: {  	s23 =	simm.s32 $0x3F80;
	[dreg:$0x9] =	wrdreg s26;
	s26 =	simm.s32 $0x8000  }
.LBB2_1:
0x15: {  	[dreg:$0x3] =	wrdreg s10;
	p1 =	por $0x1, $0x1;
	s0 =	simm.s32 $0x0  }
.LBB2_2:
0x16: {  	s7 =	rddreg [dreg:$0x6]  }
0x17: {  	s25 =	rddreg [dreg:$0x7];
	s7 =	sor.u32 s7, s0  }
0x18: {  	[spmem:s17], [sflag:s13] =	dma.local [hbm:s25], $0x2800  }
0x19: {  	[dreg:$0xc] =	wrdreg s7;
	s10 =	smul.u32 $0xA0000, s7  }
0x1a: {  	_ =	swait.ge [sflag:s29], $0x2800  }
0x1b: {  	[sflag:s29] =	ssyncset.done $0x0;
	s25 =	sadd.s32 s8, s10  }
0x1c: {  	p0 =	por p1, p1;
	[sflag:s29] =	ssyncadd.s32 $0xFFFFD800;
	s0 =	sshrl.u32 s25, $0x3  }
0x1d: {  	s29 =	simm.s32 $0x0;
	[bflag:$0x0] =	sbarrier.arrive $0xFFFF;
	s0 =	sadd.s32 s5, s0  }
0x1e: {  	[tilespmem:s29], [sflag:$0x1] =	stream.linear.gather [hbm4b:s0+s29], $0x1000, $0x38;
	v63 =	vld [tilespmem:$0x0]  }
0x1f: {  	s17 =	simm.s32 $0x2000;
	s13 =	rddreg [dreg:$0x9];
	s0 =	simm.s32 $0x0  }
0x20: {  	[tilespmem:s17], [sflag:$0x1] =	stream.linear.gather [hbm4b:s13+s29], $0x1000, $0x38;
	v63 =	vld [tilespmem:$0x0]  }
.LBB2_3:
0x21: {  	s17 =	sshll.u32 s0, $0xD  }
0x22: {  	s7 =	sor.u32 $0x1000, s17  }
0x23: {  	s10 =	sadd.s32 s25, s7  }
0x24: {  	s7 =	sadd.s32 s8, s7;
	s10 =	sshrl.u32 s10, $0x3  }
0x25: {  	s7 =	sshrl.u32 s7, $0x3;
	s10 =	sadd.s32 s5, s10  }
0x26: {  	[tilespmem:s18], [sflag:$0x2] =	stream.linear.gather [hbm4b:s10+s29], $0x1000, $0x38;
	v63 =	vld [tilespmem:$0x0]  }
0x27: {  	s7 =	sadd.s32 s6, s7  }
0x28: {  	[tilespmem:s19], [sflag:$0x2] =	stream.linear.gather [hbm4b:s7+s29], $0x1000, $0x38;
	v63 =	vld [tilespmem:$0x0]  }
0x29: {  	_ =	swait.ge [sflag:s20], $0x1000  }
0x2a: {  	[sflag:s20] =	ssyncset.done $0x0  }
0x2b: {  	[sflag:s20] =	ssyncadd.s32 $0xFFFFF000  }
0x2c: {  	_ =	swait.ge [sflag:s20], $0x1000  }
0x2d: {  	[sflag:s20] =	ssyncset.done $0x0  }
0x2e: {  	[sflag:s20] =	ssyncadd.s32 $0xFFFFF000  }
0x2f: {  	[tilespmem:s22], [sflag:$0x3] =	stream.indirect.gather [hbm4b:s4+s21], $0x80, s29, s21, $0xb8;
	v63 =	vld [tilespmem:$0x0]  }
0x30: {  	s10 =	simm.s32 $0x80  }
0x31: {  	[tilespmem:s24], [sflag:$0x4] =	stream.indirect.gather [hbm4b:s4+s21], $0x80, s10, s21, $0xb8;
	v63 =	vld [tilespmem:$0x0]  }
0x32: {  	s13 =	simm.s32 $0x100  }
0x33: {  	[tilespmem:s26], [sflag:$0x5] =	stream.indirect.gather [hbm4b:s4+s21], $0x80, s13, s21, $0xb8;
	v63 =	vld [tilespmem:$0x0]  }
0x34: {  	_ =	swait.ge [sflag:s28], $0x2000  }
0x35: {  	[sflag:s28] =	ssyncset.done $0x0  }
0x36: {  	s10 =	simm.s32 $0x2000;
	[sflag:s28] =	ssyncadd.s32 $0xFFFFE000  }
0x37: {  	[spmem:s1] =	stream.indirect.scatter.add.f32 [tilespmem:s22], [sflag:$0x7], $0x80, s10, s21, $0xb8;
	v63 =	vld [tilespmem:$0x0]  }
0x38: {  	s13 =	simm.s32 $0x180  }
0x39: {  	[tilespmem:s30], [sflag:$0x6] =	stream.indirect.gather [hbm4b:s4+s21], $0x80, s13, s21, $0xb8;
	v63 =	vld [tilespmem:$0x0]  }
0x3a: {  	_ =	swait.ge [sflag:s31], $0x2000  }
0x3b: {  	[sflag:s31] =	ssyncset.done $0x0  }
0x3c: {  	s10 =	simm.s32 $0x2080;
	[sflag:s31] =	ssyncadd.s32 $0xFFFFE000  }
0x3d: {  	[spmem:s1] =	stream.indirect.scatter.add.f32 [tilespmem:s24], [sflag:$0x8], $0x80, s10, s21, $0xb8;
	v63 =	vld [tilespmem:$0x0]  }
0x3e: {  	_ =	swait.ge [sflag:s2], $0x2000  }
0x3f: {  	[sflag:s2] =	ssyncset.done $0x0  }
0x40: {  	s13 =	simm.s32 $0x200;
	[sflag:s2] =	ssyncadd.s32 $0xFFFFE000  }
0x41: {  	[tilespmem:s22], [sflag:$0x3] =	stream.indirect.gather [hbm4b:s4+s21], $0x80, s13, s21, $0xb8;
	v63 =	vld [tilespmem:$0x0]  }
0x42: {  	_ =	swait.ge [sflag:s3], $0x2000  }
0x43: {  	[sflag:s3] =	ssyncset.done $0x0  }
0x44: {  	s10 =	simm.s32 $0x2100;
	[sflag:s3] =	ssyncadd.s32 $0xFFFFE000  }
0x45: {  	[spmem:s1] =	stream.indirect.scatter.add.f32 [tilespmem:s26], [sflag:$0x9], $0x80, s10, s21, $0xb8;
	v63 =	vld [tilespmem:$0x0]  }
0x46: {  	_ =	swait.ge [sflag:s9], $0x2000  }
0x47: {  	[sflag:s9] =	ssyncset.done $0x0  }
0x48: {  	s13 =	simm.s32 $0x280;
	[sflag:s9] =	ssyncadd.s32 $0xFFFFE000  }
0x49: {  	[tilespmem:s24], [sflag:$0x4] =	stream.indirect.gather [hbm4b:s4+s21], $0x80, s13, s21, $0xb8;
	v63 =	vld [tilespmem:$0x0]  }
0x4a: {  	_ =	swait.ge [sflag:s11], $0x2000  }
0x4b: {  	[sflag:s11] =	ssyncset.done $0x0  }
0x4c: {  	s10 =	simm.s32 $0x2180;
	[sflag:s11] =	ssyncadd.s32 $0xFFFFE000  }
0x4d: {  	[spmem:s1] =	stream.indirect.scatter.add.f32 [tilespmem:s30], [sflag:$0xA], $0x80, s10, s21, $0xb8;
	v63 =	vld [tilespmem:$0x0]  }
0x4e: {  	_ =	swait.ge [sflag:s12], $0x2000  }
0x4f: {  	[sflag:s12] =	ssyncset.done $0x0  }
0x50: {  	s13 =	simm.s32 $0x300;
	[sflag:s12] =	ssyncadd.s32 $0xFFFFE000  }
0x51: {  	[tilespmem:s26], [sflag:$0x5] =	stream.indirect.gather [hbm4b:s4+s21], $0x80, s13, s21, $0xb8;
	v63 =	vld [tilespmem:$0x0]  }
0x52: {  	_ =	swait.ge [sflag:s28], $0x2000  }
0x53: {  	[sflag:s28] =	ssyncset.done $0x0  }
0x54: {  	s10 =	simm.s32 $0x2200;
	[sflag:s28] =	ssyncadd.s32 $0xFFFFE000  }
0x55: {  	[spmem:s1] =	stream.indirect.scatter.add.f32 [tilespmem:s22], [sflag:$0x7], $0x80, s10, s21, $0xb8;
	v63 =	vld [tilespmem:$0x0]  }
0x56: {  	_ =	swait.ge [sflag:s15], $0x2000  }
0x57: {  	[sflag:s15] =	ssyncset.done $0x0  }
0x58: {  	s13 =	simm.s32 $0x380;
	[sflag:s15] =	ssyncadd.s32 $0xFFFFE000  }
0x59: {  	[tilespmem:s30], [sflag:$0x6] =	stream.indirect.gather [hbm4b:s4+s21], $0x80, s13, s21, $0xb8;
	v63 =	vld [tilespmem:$0x0]  }
0x5a: {  	_ =	swait.ge [sflag:s31], $0x2000  }
0x5b: {  	[sflag:s31] =	ssyncset.done $0x0  }
0x5c: {  	s10 =	simm.s32 $0x2280;
	[sflag:s31] =	ssyncadd.s32 $0xFFFFE000  }
0x5d: {  	[spmem:s1] =	stream.indirect.scatter.add.f32 [tilespmem:s24], [sflag:$0x8], $0x80, s10, s21, $0xb8;
	v63 =	vld [tilespmem:$0x0]  }
0x5e: {  	_ =	swait.ge [sflag:s2], $0x2000  }
0x5f: {  	[sflag:s2] =	ssyncset.done $0x0  }
0x60: {  	s13 =	simm.s32 $0x400;
	[sflag:s2] =	ssyncadd.s32 $0xFFFFE000  }
0x61: {  	[tilespmem:s22], [sflag:$0x3] =	stream.indirect.gather [hbm4b:s4+s21], $0x80, s13, s21, $0xb8;
	v63 =	vld [tilespmem:$0x0]  }
0x62: {  	_ =	swait.ge [sflag:s3], $0x2000  }
0x63: {  	[sflag:s3] =	ssyncset.done $0x0  }
0x64: {  	s10 =	simm.s32 $0x2300;
	[sflag:s3] =	ssyncadd.s32 $0xFFFFE000  }
0x65: {  	[spmem:s1] =	stream.indirect.scatter.add.f32 [tilespmem:s26], [sflag:$0x9], $0x80, s10, s21, $0xb8;
	v63 =	vld [tilespmem:$0x0]  }
0x66: {  	_ =	swait.ge [sflag:s9], $0x2000  }
0x67: {  	[sflag:s9] =	ssyncset.done $0x0  }
0x68: {  	s13 =	simm.s32 $0x480;
	[sflag:s9] =	ssyncadd.s32 $0xFFFFE000  }
0x69: {  	[tilespmem:s24], [sflag:$0x4] =	stream.indirect.gather [hbm4b:s4+s21], $0x80, s13, s21, $0xb8;
	v63 =	vld [tilespmem:$0x0]  }
0x6a: {  	_ =	swait.ge [sflag:s11], $0x2000  }
0x6b: {  	[sflag:s11] =	ssyncset.done $0x0  }
0x6c: {  	s7 =	simm.s32 $0x800;
	s10 =	simm.s32 $0x2380;
	[sflag:s11] =	ssyncadd.s32 $0xFFFFE000  }
.LBB2_4:
0x6d: {  	[spmem:s1] =	stream.indirect.scatter.add.f32 [tilespmem:s30], [sflag:$0xA], $0x80, s10, s21, $0xb8;
	v63 =	vld [tilespmem:$0x0]  }
0x6e: {  	s10 =	smov.u32 s7  }
0x6f: {  	p1 =	sne.s32 s7, $0x2800;
	s7 =	sadd.s32 $0x800, s7;
	_ =	swait.ge [sflag:s12], $0x2000  }
0x70: {  	s10 =	sshra.s32 s10, $0x2;
	[sflag:s12] =	ssyncset.done $0x0  }
0x71: {  	s13 =	sadd.s32 $0x300, s10;
	[sflag:s12] =	ssyncadd.s32 $0xFFFFE000  }
0x72: {  	[tilespmem:s26], [sflag:$0x5] =	stream.indirect.gather [hbm4b:s4+s21], $0x80, s13, s21, $0xb8;
	v63 =	vld [tilespmem:$0x0]  }
0x73: {  	_ =	swait.ge [sflag:s28], $0x2000  }
0x74: {  	[sflag:s28] =	ssyncset.done $0x0  }
0x75: {  	s13 =	sadd.s32 $0x2200, s10;
	[sflag:s28] =	ssyncadd.s32 $0xFFFFE000  }
0x76: {  	[spmem:s1] =	stream.indirect.scatter.add.f32 [tilespmem:s22], [sflag:$0x7], $0x80, s13, s21, $0xb8;
	v63 =	vld [tilespmem:$0x0]  }
0x77: {  	_ =	swait.ge [sflag:s15], $0x2000  }
0x78: {  	[sflag:s15] =	ssyncset.done $0x0  }
0x79: {  	s13 =	sadd.s32 $0x380, s10;
	[sflag:s15] =	ssyncadd.s32 $0xFFFFE000  }
0x7a: {  	[tilespmem:s30], [sflag:$0x6] =	stream.indirect.gather [hbm4b:s4+s21], $0x80, s13, s21, $0xb8;
	v63 =	vld [tilespmem:$0x0]  }
0x7b: {  	_ =	swait.ge [sflag:s31], $0x2000  }
0x7c: {  	[sflag:s31] =	ssyncset.done $0x0  }
0x7d: {  	s13 =	sadd.s32 $0x2280, s10;
	[sflag:s31] =	ssyncadd.s32 $0xFFFFE000  }
0x7e: {  	[spmem:s1] =	stream.indirect.scatter.add.f32 [tilespmem:s24], [sflag:$0x8], $0x80, s13, s21, $0xb8;
	v63 =	vld [tilespmem:$0x0]  }
0x7f: {  	_ =	swait.ge [sflag:s2], $0x2000  }
0x80: {  	[sflag:s2] =	ssyncset.done $0x0  }
0x81: {  	s13 =	sadd.s32 $0x400, s10;
	[sflag:s2] =	ssyncadd.s32 $0xFFFFE000  }
0x82: {  	[tilespmem:s22], [sflag:$0x3] =	stream.indirect.gather [hbm4b:s4+s21], $0x80, s13, s21, $0xb8;
	v63 =	vld [tilespmem:$0x0]  }
0x83: {  	_ =	swait.ge [sflag:s3], $0x2000  }
0x84: {  	[sflag:s3] =	ssyncset.done $0x0  }
0x85: {  	s13 =	sadd.s32 $0x2300, s10;
	[sflag:s3] =	ssyncadd.s32 $0xFFFFE000  }
0x86: {  	[spmem:s1] =	stream.indirect.scatter.add.f32 [tilespmem:s26], [sflag:$0x9], $0x80, s13, s21, $0xb8;
	v63 =	vld [tilespmem:$0x0]  }
0x87: {  	_ =	swait.ge [sflag:s9], $0x2000  }
0x88: {  	[sflag:s9] =	ssyncset.done $0x0  }
.Ltmp0:
0x89: {  	s13 =	sadd.s32 $0x480, s10;
	[sflag:s9] =	ssyncadd.s32 $0xFFFFE000;
	(pc) =	sbr.rel @p1 .LBB2_4-.Ltmp0, $4  }
0x8a: {  	[tilespmem:s24], [sflag:$0x4] =	stream.indirect.gather [hbm4b:s4+s21], $0x80, s13, s21, $0xb8;
	v63 =	vld [tilespmem:$0x0]  }
0x8b: {  	_ =	swait.ge [sflag:s11], $0x2000  }
0x8c: {  	[sflag:s11] =	ssyncset.done $0x0  }
0x8d: {  	s10 =	sadd.s32 $0x2380, s10;
	[sflag:s11] =	ssyncadd.s32 $0xFFFFE000  }
0x8e: {  	[spmem:s1] =	stream.indirect.scatter.add.f32 [tilespmem:s30], [sflag:$0xA], $0x80, s10, s21, $0xb8;
	v63 =	vld [tilespmem:$0x0]  }
0x8f: {  	_ =	swait.ge [sflag:s12], $0x2000  }
0x90: {  	[sflag:s12] =	ssyncset.done $0x0  }
0x91: {  	s7 =	simm.s32 $0xF00;
	[sflag:s12] =	ssyncadd.s32 $0xFFFFE000  }
0x92: {  	[tilespmem:s26], [sflag:$0x5] =	stream.indirect.gather [hbm4b:s4+s21], $0x80, s7, s21, $0xb8;
	v63 =	vld [tilespmem:$0x0]  }
0x93: {  	_ =	swait.ge [sflag:s28], $0x2000  }
0x94: {  	[sflag:s28] =	ssyncset.done $0x0  }
0x95: {  	s13 =	simm.s32 $0x2E00;
	[sflag:s28] =	ssyncadd.s32 $0xFFFFE000  }
0x96: {  	[spmem:s1] =	stream.indirect.scatter.add.f32 [tilespmem:s22], [sflag:$0x7], $0x80, s13, s21, $0xb8;
	v63 =	vld [tilespmem:$0x0]  }
0x97: {  	_ =	swait.ge [sflag:s15], $0x2000  }
0x98: {  	[sflag:s15] =	ssyncset.done $0x0  }
0x99: {  	s10 =	simm.s32 $0xF80;
	[sflag:s15] =	ssyncadd.s32 $0xFFFFE000  }
0x9a: {  	[tilespmem:s30], [sflag:$0x6] =	stream.indirect.gather [hbm4b:s4+s21], $0x80, s10, s21, $0xb8;
	v63 =	vld [tilespmem:$0x0]  }
0x9b: {  	_ =	swait.ge [sflag:s31], $0x2000  }
0x9c: {  	[sflag:s31] =	ssyncset.done $0x0  }
0x9d: {  	s13 =	simm.s32 $0x2E80;
	[sflag:s31] =	ssyncadd.s32 $0xFFFFE000  }
0x9e: {  	[spmem:s1] =	stream.indirect.scatter.add.f32 [tilespmem:s24], [sflag:$0x8], $0x80, s13, s21, $0xb8;
	v63 =	vld [tilespmem:$0x0]  }
0x9f: {  	_ =	swait.ge [sflag:s3], $0x2000  }
0xa0: {  	[sflag:s3] =	ssyncset.done $0x0  }
0xa1: {  	s10 =	simm.s32 $0x2F00;
	[sflag:s3] =	ssyncadd.s32 $0xFFFFE000  }
0xa2: {  	[spmem:s1] =	stream.indirect.scatter.add.f32 [tilespmem:s26], [sflag:$0x9], $0x80, s10, s21, $0xb8;
	v63 =	vld [tilespmem:$0x0]  }
0xa3: {  	_ =	swait.ge [sflag:s11], $0x2000  }
0xa4: {  	[sflag:s11] =	ssyncset.done $0x0  }
0xa5: {  	s13 =	simm.s32 $0x2F80;
	[sflag:s11] =	ssyncadd.s32 $0xFFFFE000  }
0xa6: {  	[spmem:s1] =	stream.indirect.scatter.add.f32 [tilespmem:s30], [sflag:$0xA], $0x80, s13, s21, $0xb8;
	v63 =	vld [tilespmem:$0x0]  }
0xa7: {  	_ =	swait.ge [sflag:s2], $0x2000  }
0xa8: {  	[sflag:s2] =	ssyncset.done $0x0  }
0xa9: {  	[sflag:s2] =	ssyncadd.s32 $0xFFFFE000  }
0xaa: {  	_ =	swait.ge [sflag:s9], $0x2000  }
0xab: {  	[sflag:s9] =	ssyncset.done $0x0  }
0xac: {  	[sflag:s9] =	ssyncadd.s32 $0xFFFFE000  }
0xad: {  	_ =	swait.ge [sflag:s12], $0x2000  }
0xae: {  	p1 =	seq.s32 s0, $0x4;
	[sflag:s12] =	ssyncset.done $0x0  }
0xaf: {  	s7 =	sadd.s32 @!p1 $0x2000, s17;
	[sflag:s12] =	ssyncadd.s32 $0xFFFFE000  }
0xb0: {  	s10 =	sadd.s32 @!p1 s25, s7;
	s7 =	sadd.s32 @!p1 s8, s7;
	_ =	swait.ge [sflag:s15], $0x2000  }
0xb1: {  	s10 =	sshrl.u32 @!p1 s10, $0x3;
	s7 =	sshrl.u32 @!p1 s7, $0x3;
	[sflag:s15] =	ssyncset.done $0x0  }
0xb2: {  	s10 =	sadd.s32 @!p1 s5, s10;
	s13 =	simm.s32 @!p1 $0x0;
	[sflag:s15] =	ssyncadd.s32 $0xFFFFE000  }
0xb3: {  	[tilespmem:s13], [sflag:$0x1] =	stream.linear.gather @!p1 [hbm4b:s10+s13], $0x1000, $0x38;
	v63 =	vld [tilespmem:$0x0]  }
0xb4: {  	s7 =	sadd.s32 @!p1 s6, s7;
	s10 =	simm.s32 @!p1 $0x2000  }
0xb5: {  	[tilespmem:s10], [sflag:$0x1] =	stream.linear.gather @!p1 [hbm4b:s7+s13], $0x1000, $0x38;
	v63 =	vld [tilespmem:$0x0]  }
0xb6: {  	_ =	swait.ge [sflag:s14], $0x1000  }
0xb7: {  	[sflag:s14] =	ssyncset.done $0x0  }
0xb8: {  	[sflag:s14] =	ssyncadd.s32 $0xFFFFF000  }
0xb9: {  	_ =	swait.ge [sflag:s14], $0x1000  }
0xba: {  	[sflag:s14] =	ssyncset.done $0x0  }
0xbb: {  	[sflag:s14] =	ssyncadd.s32 $0xFFFFF000  }
0xbc: {  	[tilespmem:s22], [sflag:$0x3] =	stream.indirect.gather [hbm4b:s4+s21], $0x80, s18, s21, $0xb8;
	v63 =	vld [tilespmem:$0x0]  }
0xbd: {  	s10 =	simm.s32 $0x1080  }
0xbe: {  	[tilespmem:s24], [sflag:$0x4] =	stream.indirect.gather [hbm4b:s4+s21], $0x80, s10, s21, $0xb8;
	v63 =	vld [tilespmem:$0x0]  }
0xbf: {  	s13 =	simm.s32 $0x1100  }
0xc0: {  	[tilespmem:s26], [sflag:$0x5] =	stream.indirect.gather [hbm4b:s4+s21], $0x80, s13, s21, $0xb8;
	v63 =	vld [tilespmem:$0x0]  }
0xc1: {  	_ =	swait.ge [sflag:s28], $0x2000  }
0xc2: {  	[sflag:s28] =	ssyncset.done $0x0  }
0xc3: {  	[sflag:s28] =	ssyncadd.s32 $0xFFFFE000  }
0xc4: {  	[spmem:s1] =	stream.indirect.scatter.add.f32 [tilespmem:s22], [sflag:$0x7], $0x80, s19, s21, $0xb8;
	v63 =	vld [tilespmem:$0x0]  }
0xc5: {  	s17 =	simm.s32 $0x1180  }
0xc6: {  	[tilespmem:s30], [sflag:$0x6] =	stream.indirect.gather [hbm4b:s4+s21], $0x80, s17, s21, $0xb8;
	v63 =	vld [tilespmem:$0x0]  }
0xc7: {  	_ =	swait.ge [sflag:s31], $0x2000  }
0xc8: {  	[sflag:s31] =	ssyncset.done $0x0  }
0xc9: {  	s10 =	simm.s32 $0x3080;
	[sflag:s31] =	ssyncadd.s32 $0xFFFFE000  }
0xca: {  	[spmem:s1] =	stream.indirect.scatter.add.f32 [tilespmem:s24], [sflag:$0x8], $0x80, s10, s21, $0xb8;
	v63 =	vld [tilespmem:$0x0]  }
0xcb: {  	_ =	swait.ge [sflag:s2], $0x2000  }
0xcc: {  	[sflag:s2] =	ssyncset.done $0x0  }
0xcd: {  	s13 =	simm.s32 $0x1200;
	[sflag:s2] =	ssyncadd.s32 $0xFFFFE000  }
0xce: {  	[tilespmem:s22], [sflag:$0x3] =	stream.indirect.gather [hbm4b:s4+s21], $0x80, s13, s21, $0xb8;
	v63 =	vld [tilespmem:$0x0]  }
0xcf: {  	_ =	swait.ge [sflag:s3], $0x2000  }
0xd0: {  	[sflag:s3] =	ssyncset.done $0x0  }
0xd1: {  	s17 =	simm.s32 $0x3100;
	[sflag:s3] =	ssyncadd.s32 $0xFFFFE000  }
0xd2: {  	[spmem:s1] =	stream.indirect.scatter.add.f32 [tilespmem:s26], [sflag:$0x9], $0x80, s17, s21, $0xb8;
	v63 =	vld [tilespmem:$0x0]  }
0xd3: {  	_ =	swait.ge [sflag:s9], $0x2000  }
0xd4: {  	[sflag:s9] =	ssyncset.done $0x0  }
0xd5: {  	s10 =	simm.s32 $0x1280;
	[sflag:s9] =	ssyncadd.s32 $0xFFFFE000  }
0xd6: {  	[tilespmem:s24], [sflag:$0x4] =	stream.indirect.gather [hbm4b:s4+s21], $0x80, s10, s21, $0xb8;
	v63 =	vld [tilespmem:$0x0]  }
0xd7: {  	_ =	swait.ge [sflag:s11], $0x2000  }
0xd8: {  	[sflag:s11] =	ssyncset.done $0x0  }
0xd9: {  	s13 =	simm.s32 $0x3180;
	[sflag:s11] =	ssyncadd.s32 $0xFFFFE000  }
0xda: {  	[spmem:s1] =	stream.indirect.scatter.add.f32 [tilespmem:s30], [sflag:$0xA], $0x80, s13, s21, $0xb8;
	v63 =	vld [tilespmem:$0x0]  }
0xdb: {  	_ =	swait.ge [sflag:s12], $0x2000  }
0xdc: {  	[sflag:s12] =	ssyncset.done $0x0  }
0xdd: {  	s17 =	simm.s32 $0x1300;
	[sflag:s12] =	ssyncadd.s32 $0xFFFFE000  }
0xde: {  	[tilespmem:s26], [sflag:$0x5] =	stream.indirect.gather [hbm4b:s4+s21], $0x80, s17, s21, $0xb8;
	v63 =	vld [tilespmem:$0x0]  }
0xdf: {  	_ =	swait.ge [sflag:s28], $0x2000  }
0xe0: {  	[sflag:s28] =	ssyncset.done $0x0  }
0xe1: {  	s10 =	simm.s32 $0x3200;
	[sflag:s28] =	ssyncadd.s32 $0xFFFFE000  }
0xe2: {  	[spmem:s1] =	stream.indirect.scatter.add.f32 [tilespmem:s22], [sflag:$0x7], $0x80, s10, s21, $0xb8;
	v63 =	vld [tilespmem:$0x0]  }
0xe3: {  	_ =	swait.ge [sflag:s15], $0x2000  }
0xe4: {  	[sflag:s15] =	ssyncset.done $0x0  }
0xe5: {  	s13 =	simm.s32 $0x1380;
	[sflag:s15] =	ssyncadd.s32 $0xFFFFE000  }
0xe6: {  	[tilespmem:s30], [sflag:$0x6] =	stream.indirect.gather [hbm4b:s4+s21], $0x80, s13, s21, $0xb8;
	v63 =	vld [tilespmem:$0x0]  }
0xe7: {  	_ =	swait.ge [sflag:s31], $0x2000  }
0xe8: {  	[sflag:s31] =	ssyncset.done $0x0  }
0xe9: {  	s17 =	simm.s32 $0x3280;
	[sflag:s31] =	ssyncadd.s32 $0xFFFFE000  }
0xea: {  	[spmem:s1] =	stream.indirect.scatter.add.f32 [tilespmem:s24], [sflag:$0x8], $0x80, s17, s21, $0xb8;
	v63 =	vld [tilespmem:$0x0]  }
0xeb: {  	_ =	swait.ge [sflag:s2], $0x2000  }
0xec: {  	[sflag:s2] =	ssyncset.done $0x0  }
0xed: {  	s10 =	simm.s32 $0x1400;
	[sflag:s2] =	ssyncadd.s32 $0xFFFFE000  }
0xee: {  	[tilespmem:s22], [sflag:$0x3] =	stream.indirect.gather [hbm4b:s4+s21], $0x80, s10, s21, $0xb8;
	v63 =	vld [tilespmem:$0x0]  }
0xef: {  	_ =	swait.ge [sflag:s3], $0x2000  }
0xf0: {  	[sflag:s3] =	ssyncset.done $0x0  }
0xf1: {  	s13 =	simm.s32 $0x3300;
	[sflag:s3] =	ssyncadd.s32 $0xFFFFE000  }
0xf2: {  	[spmem:s1] =	stream.indirect.scatter.add.f32 [tilespmem:s26], [sflag:$0x9], $0x80, s13, s21, $0xb8;
	v63 =	vld [tilespmem:$0x0]  }
0xf3: {  	_ =	swait.ge [sflag:s9], $0x2000  }
0xf4: {  	[sflag:s9] =	ssyncset.done $0x0  }
0xf5: {  	s17 =	simm.s32 $0x1480;
	[sflag:s9] =	ssyncadd.s32 $0xFFFFE000  }
0xf6: {  	[tilespmem:s24], [sflag:$0x4] =	stream.indirect.gather [hbm4b:s4+s21], $0x80, s17, s21, $0xb8;
	v63 =	vld [tilespmem:$0x0]  }
0xf7: {  	_ =	swait.ge [sflag:s11], $0x2000  }
0xf8: {  	[sflag:s11] =	ssyncset.done $0x0  }
0xf9: {  	s7 =	simm.s32 $0x800;
	s10 =	simm.s32 $0x3380;
	[sflag:s11] =	ssyncadd.s32 $0xFFFFE000  }
.LBB2_6:
0xfa: {  	[spmem:s1] =	stream.indirect.scatter.add.f32 [tilespmem:s30], [sflag:$0xA], $0x80, s10, s21, $0xb8;
	v63 =	vld [tilespmem:$0x0]  }
0xfb: {  	s10 =	smov.u32 s7  }
0xfc: {  	p1 =	sne.s32 s7, $0x2800;
	s7 =	sadd.s32 $0x800, s7;
	_ =	swait.ge [sflag:s12], $0x2000  }
0xfd: {  	s10 =	sshra.s32 s10, $0x2;
	[sflag:s12] =	ssyncset.done $0x0  }
0xfe: {  	s13 =	sadd.s32 $0x1300, s10;
	[sflag:s12] =	ssyncadd.s32 $0xFFFFE000  }
0xff: {  	[tilespmem:s26], [sflag:$0x5] =	stream.indirect.gather [hbm4b:s4+s21], $0x80, s13, s21, $0xb8;
	v63 =	vld [tilespmem:$0x0]  }
0x100: {  	_ =	swait.ge [sflag:s28], $0x2000  }
0x101: {  	[sflag:s28] =	ssyncset.done $0x0  }
0x102: {  	s13 =	sadd.s32 $0x3200, s10;
	[sflag:s28] =	ssyncadd.s32 $0xFFFFE000  }
0x103: {  	[spmem:s1] =	stream.indirect.scatter.add.f32 [tilespmem:s22], [sflag:$0x7], $0x80, s13, s21, $0xb8;
	v63 =	vld [tilespmem:$0x0]  }
0x104: {  	_ =	swait.ge [sflag:s15], $0x2000  }
0x105: {  	[sflag:s15] =	ssyncset.done $0x0  }
0x106: {  	s13 =	sadd.s32 $0x1380, s10;
	[sflag:s15] =	ssyncadd.s32 $0xFFFFE000  }
0x107: {  	[tilespmem:s30], [sflag:$0x6] =	stream.indirect.gather [hbm4b:s4+s21], $0x80, s13, s21, $0xb8;
	v63 =	vld [tilespmem:$0x0]  }
0x108: {  	_ =	swait.ge [sflag:s31], $0x2000  }
0x109: {  	[sflag:s31] =	ssyncset.done $0x0  }
0x10a: {  	s13 =	sadd.s32 $0x3280, s10;
	[sflag:s31] =	ssyncadd.s32 $0xFFFFE000  }
0x10b: {  	[spmem:s1] =	stream.indirect.scatter.add.f32 [tilespmem:s24], [sflag:$0x8], $0x80, s13, s21, $0xb8;
	v63 =	vld [tilespmem:$0x0]  }
0x10c: {  	_ =	swait.ge [sflag:s2], $0x2000  }
0x10d: {  	[sflag:s2] =	ssyncset.done $0x0  }
0x10e: {  	s13 =	sadd.s32 $0x1400, s10;
	[sflag:s2] =	ssyncadd.s32 $0xFFFFE000  }
0x10f: {  	[tilespmem:s22], [sflag:$0x3] =	stream.indirect.gather [hbm4b:s4+s21], $0x80, s13, s21, $0xb8;
	v63 =	vld [tilespmem:$0x0]  }
0x110: {  	_ =	swait.ge [sflag:s3], $0x2000  }
0x111: {  	[sflag:s3] =	ssyncset.done $0x0  }
0x112: {  	s13 =	sadd.s32 $0x3300, s10;
	[sflag:s3] =	ssyncadd.s32 $0xFFFFE000  }
0x113: {  	[spmem:s1] =	stream.indirect.scatter.add.f32 [tilespmem:s26], [sflag:$0x9], $0x80, s13, s21, $0xb8;
	v63 =	vld [tilespmem:$0x0]  }
0x114: {  	_ =	swait.ge [sflag:s9], $0x2000  }
0x115: {  	[sflag:s9] =	ssyncset.done $0x0  }
.Ltmp1:
0x116: {  	s13 =	sadd.s32 $0x1480, s10;
	[sflag:s9] =	ssyncadd.s32 $0xFFFFE000;
	(pc) =	sbr.rel @p1 .LBB2_6-.Ltmp1, $4  }
0x117: {  	[tilespmem:s24], [sflag:$0x4] =	stream.indirect.gather [hbm4b:s4+s21], $0x80, s13, s21, $0xb8;
	v63 =	vld [tilespmem:$0x0]  }
0x118: {  	_ =	swait.ge [sflag:s11], $0x2000  }
0x119: {  	[sflag:s11] =	ssyncset.done $0x0  }
0x11a: {  	s10 =	sadd.s32 $0x3380, s10;
	[sflag:s11] =	ssyncadd.s32 $0xFFFFE000  }
0x11b: {  	[spmem:s1] =	stream.indirect.scatter.add.f32 [tilespmem:s30], [sflag:$0xA], $0x80, s10, s21, $0xb8;
	v63 =	vld [tilespmem:$0x0]  }
0x11c: {  	_ =	swait.ge [sflag:s12], $0x2000  }
0x11d: {  	[sflag:s12] =	ssyncset.done $0x0  }
0x11e: {  	s7 =	simm.s32 $0x1F00;
	[sflag:s12] =	ssyncadd.s32 $0xFFFFE000  }
0x11f: {  	[tilespmem:s26], [sflag:$0x5] =	stream.indirect.gather [hbm4b:s4+s21], $0x80, s7, s21, $0xb8;
	v63 =	vld [tilespmem:$0x0]  }
0x120: {  	_ =	swait.ge [sflag:s28], $0x2000  }
0x121: {  	[sflag:s28] =	ssyncset.done $0x0  }
0x122: {  	s10 =	simm.s32 $0x3E00;
	[sflag:s28] =	ssyncadd.s32 $0xFFFFE000  }
0x123: {  	[spmem:s1] =	stream.indirect.scatter.add.f32 [tilespmem:s22], [sflag:$0x7], $0x80, s10, s21, $0xb8;
	v63 =	vld [tilespmem:$0x0]  }
0x124: {  	_ =	swait.ge [sflag:s15], $0x2000  }
0x125: {  	[sflag:s15] =	ssyncset.done $0x0  }
0x126: {  	s13 =	simm.s32 $0x1F80;
	[sflag:s15] =	ssyncadd.s32 $0xFFFFE000  }
0x127: {  	[tilespmem:s30], [sflag:$0x6] =	stream.indirect.gather [hbm4b:s4+s21], $0x80, s13, s21, $0xb8;
	v63 =	vld [tilespmem:$0x0]  }
0x128: {  	_ =	swait.ge [sflag:s31], $0x2000  }
0x129: {  	[sflag:s31] =	ssyncset.done $0x0  }
0x12a: {  	s17 =	simm.s32 $0x3E80;
	[sflag:s31] =	ssyncadd.s32 $0xFFFFE000  }
0x12b: {  	[spmem:s1] =	stream.indirect.scatter.add.f32 [tilespmem:s24], [sflag:$0x8], $0x80, s17, s21, $0xb8;
	v63 =	vld [tilespmem:$0x0]  }
0x12c: {  	_ =	swait.ge [sflag:s3], $0x2000  }
0x12d: {  	[sflag:s3] =	ssyncset.done $0x0  }
0x12e: {  	[sflag:s3] =	ssyncadd.s32 $0xFFFFE000  }
0x12f: {  	[spmem:s1] =	stream.indirect.scatter.add.f32 [tilespmem:s26], [sflag:$0x9], $0x80, s16, s21, $0xb8;
	v63 =	vld [tilespmem:$0x0]  }
0x130: {  	_ =	swait.ge [sflag:s11], $0x2000  }
0x131: {  	[sflag:s11] =	ssyncset.done $0x0  }
0x132: {  	[sflag:s11] =	ssyncadd.s32 $0xFFFFE000  }
0x133: {  	[spmem:s1] =	stream.indirect.scatter.add.f32 [tilespmem:s30], [sflag:$0xA], $0x80, s23, s21, $0xb8;
	v63 =	vld [tilespmem:$0x0]  }
0x134: {  	_ =	swait.ge [sflag:s2], $0x2000  }
0x135: {  	[sflag:s2] =	ssyncset.done $0x0  }
0x136: {  	[sflag:s2] =	ssyncadd.s32 $0xFFFFE000  }
0x137: {  	_ =	swait.ge [sflag:s9], $0x2000  }
0x138: {  	[sflag:s9] =	ssyncset.done $0x0  }
0x139: {  	s0 =	sadd.s32 $0x1, s0;
	[sflag:s9] =	ssyncadd.s32 $0xFFFFE000  }
0x13a: {  	p1 =	sne.s32 s0, $0x5;
	_ =	swait.ge [sflag:s12], $0x2000  }
.Ltmp2:
0x13b: {  	[sflag:s12] =	ssyncset.done $0x0;
	(pc) =	sbr.rel @p1 .LBB2_3-.Ltmp2, $4  }
0x13c: {  	[sflag:s12] =	ssyncadd.s32 $0xFFFFE000  }
0x13d: {  	_ =	swait.ge [sflag:s15], $0x2000  }
0x13e: {  	[sflag:s15] =	ssyncset.done $0x0  }
0x13f: {  	[sflag:s15] =	ssyncadd.s32 $0xFFFFE000  }
0x140: {  	s0 =	rddreg [dreg:$0xc]  }
0x141: {  	s0 =	smul.u32 $0x2800, s0  }
0x142: {  	s7 =	rddreg [dreg:$0x5];
	[bflag:$0x0] =	sbarrier.arrive $0xFFFF  }
0x143: {  	s25 =	rddreg [dreg:$0x4];
	s0 =	sadd.s32 s7, s0  }
0x144: {  	s13 =	rddreg [dreg:$0x8];
	s0 =	sshll.u32 s0, $0x4  }
0x145: {  	s29 =	simm.s32 $0xB;
	s17 =	rddreg [dreg:$0xb];
	s0 =	sadd.s32 s25, s0  }
0x146: {  	[hbm:s0], [sflag:s13] =	dma.local [spmem:s17], $0x2800  }
.Ltmp3:
0x147: {  	_ =	swait.ge [sflag:s29], $0x2800;
	(pc) =	sbr.rel @p0 .LBB2_2-.Ltmp3, $4  }
0x148: {  	[sflag:s29] =	ssyncset.done $0x0  }
0x149: {  	[sflag:s29] =	ssyncadd.s32 $0xFFFFD800  }
0x14a: {  	[bflag:$0x0] =	sbarrier.arrive $0xFFFF  }
0x14b: {  	p1 =	por $0x0, $0x0;
	s0 =	simm.s32 $0x1  }
0x14c: {  	s10 =	rddreg [dreg:$0x3]  }
0x14d: {  	s0 =	rddreg [dreg:$0xa];
	s10 =	sadd.s32 $0x1, s10  }
0x14e: {  	p0 =	sne.s32 s10, s0  }
.Ltmp4:
0x14f: {  	_ = 	snop;
	(pc) =	sbr.rel @p0 .LBB2_1-.Ltmp4, $1  }
0x150: {  	_ =	sdelay $0x3  }
0x151: {  	_ =	sfence.sel $0x180000  }
0x152: {  	[bflag:$0x0] =	sbarrier.arrive $0xFFFF  }
0x153: {  	_ =	strace $0x9000004A  }
0x154: {  	s0 =	stileid.u32;
	[bflag:$0x2] =	sbarrier.arrive $0xFFFF  }
0x155: {  	p0 =	sne.s32 s0, $0x0;
	s0 =	rddreg [dreg:$0x2]  }
0x156: {  	s0 =	sadd.s32 @!p0 $0x100000, s0  }
0x157: {  	[sflag:s0] =	ssyncadd.tile.s32 @!p0 $0x1;
	_ =	shalt  }
.Lfunc_end2:
_tile_overlayer_lowered:
.L_overlay_start_2:
0x158: {  	(tag) =	ssettag $0x2  }
0x159: {  	s0 =	rddreg [dreg:$0x0];
	s2 =	stileid.u32  }
0x15a: {  	s1 =	rddreg [dreg:$0x1];
	p0 =	sne.s32 s2, $0x0  }
0x15b: {  	s3 =	rddreg [dreg:$0x2];
	[bflag:$0x3] =	sbarrier.arrive $0xFFFF;
	s2 =	simm.s32 @!p0 $0x1C0B  }
0x15c: {  	[timem:s3], [sflag:s2] =	dma.local @!p0 [hbm:s0], s1  }
0x15d: {  	s0 =	simm.s32 @!p0 $0xB  }
0x15e: {  	_ =	swait.ge @!p0 [sflag:s0], s1  }
0x15f: {  	s1 =	ssub.s32 @!p0 $0x0, s1;
	[sflag:s0] =	ssyncset.done @!p0 $0x0  }
0x160: {  	[sflag:s0] =	ssyncadd.s32 @!p0 s1  }
0x161: {  	[bflag:$0x3] =	sbarrier.arrive $0xFFFF  }
0x162: {  	_ =	shalt  }

// kernel: kernel.6.cloned.1.call-start
scs
__scs_entry_jumppad:
0x0: {  	(pc) =	sbr.rel $0x88, $3  }
0x1: {  	(tag) =	ssettag $0x0;
	lr =	simm.s32 $0x1  }
0x2: {  	[smem:$0x3F90] =	sst lr;
	_ =	strace $0xD0000000  }
0x3: {  	_ = 	snop  }
0x4: {  	_ = 	snop  }
0x5: {  	_ = 	snop  }
0x6: {  	_ = 	snop  }
0x7: {  	_ = 	snop  }
__scs_overlays_trampoline_lowered:
0x8: {  	[smem:$0x3F9F] =	sst s0  }
0x9: {  	[smem:$0x3FA0] =	sst s1  }
0xa: {  	[smem:$0x3FA1] =	sst s2  }
0xb: {  	[smem:$0x3FA2] =	sst s3  }
0xc: {  	[smem:$0x3FA3] =	sst s4  }
0xd: {  	[smem:$0x3FA4] =	sst s5  }
0xe: {  	[smem:$0x3FA5] =	sst s6  }
0xf: {  	[smem:$0x3FA6] =	sst s7  }
0x10: {  	[smem:$0x3FA7] =	sst s8  }
0x11: {  	[smem:$0x3FA8] =	sst s9;
	s0 =	simm.s32 @!p0 $0x0  }
0x12: {  	s1 =	sld [smem:$0x3F8E];
	s0 =	simm.s32 @p0 $0x1  }
0x13: {  	[smem:$0x3FA9] =	sst s0;
	s0 =	simm.s32 @!p1 $0x0  }
0x14: {  	s2 =	sld [smem:$0x3F8D];
	s0 =	simm.s32 @p1 $0x1  }
0x15: {  	[smem:$0x3FAA] =	sst s0;
	s0 =	simm.s32 @!p2 $0x0  }
0x16: {  	s3 =	sld [smem:$0x3FDB];
	s0 =	simm.s32 @p2 $0x1  }
0x17: {  	s4 =	simm.s32 $0x1BF5;
	[smem:$0x3FAC] =	sst s0  }
0x18: {  	s0 =	sld [smem:$0x3F8F];
	_ =	swait.ge [sflag:s4], $0x0  }
0x19: {  	s7 =	sld [smem:$0x3F90]  }
0x1a: {  	s8 =	sadd.s32 $0xFFFFE003, lr  }
0x1b: {  	s9 =	sadd.s32 $0xFFFFFEF7, lr;
	s5 =	simm.s32 $0xFFFFFFFF;
	p2 =	slt.u32 s8, $0xFFFFF086  }
0x1c: {  	p1 =	slt.u32 s9, $0xF7A;
	s5 =	simm.s32 @!p2 $0x0  }
0x1d: {  	s5 =	simm.s32 @p1 $0x1;
	p0 =	seq.s32 s7, s2  }
0x1e: {  	s7 =	smul.u32 @!p0 $0xF7A, s2;
	p2 =	seq.s32 @!p0 s5, $0x0  }
0x1f: {  	s9 =	smul.u32 $0xF7A, s1;
	s8 =	simm.s32 @!p0 $0x1BF5;
	p2 =	por !p2, p0  }
0x20: {  	[sflag:s8] =	ssyncset.s32 @!p0 $0xFFFFF086;
	s6 =	sadd.s32 @!p0 s3, s7;
	s7 =	simm.s32 @!p0 $0x108  }
0x21: {  	s3 =	sadd.s32 s3, s9;
	s6 =	sadd.s32 @!p0 $0x88, s6;
	s7 =	simm.s32 @p2 $0x1082  }
0x22: {  	[simem:s7], [sflag:s8] =	dma.local @!p0 [hbm:s6], $0xF7A  }
0x23: {  	s9 =	sor.u32 $0xD0000000, s2;
	s6 =	simm.s32 $0x108;
	_ =	swait.ge @!p0 [sflag:s8], $0x0  }
0x24: {  	s3 =	sadd.s32 $0x88, s3;
	s6 =	simm.s32 @!p1 $0x1082;
	[sflag:s4] =	ssyncset.s32 $0xFFFFF086  }
0x25: {  	[simem:s6], [sflag:s4] =	dma.local [hbm:s3], $0xF7A  }
0x26: {  	[smem:$0x3F90] =	sst s1;
	(tag) =	ssettag s2;
	_ =	strace s9  }
0x27: {  	s1 =	sld [smem:$0x3FA0]  }
0x28: {  	s2 =	sld [smem:$0x3FA1]  }
0x29: {  	s4 =	sld [smem:$0x3FA3]  }
0x2a: {  	p0 =	seq.s32 s5, $0x0;
	s5 =	sld [smem:$0x3FA4]  }
0x2b: {  	s6 =	sld [smem:$0x3FA5]  }
0x2c: {  	s7 =	sld [smem:$0x3FA6]  }
0x2d: {  	s3 =	simm.s32 $0x108;
	s8 =	sld [smem:$0x3FA7]  }
0x2e: {  	s3 =	simm.s32 @!p0 $0x1082;
	s9 =	sld [smem:$0x3FA8]  }
0x2f: {  	lr =	sadd.s32 s0, s3;
	s0 =	sld [smem:$0x3F9F]  }
0x30: {  	s3 =	sld [smem:$0x3FA2]  }
0x31: {  	[smem:$0x3FAB] =	sst s10  }
0x32: {  	s10 =	sld [smem:$0x3FA9];
	_ =	sdelay $0x3  }
0x33: {  	p0 =	seq.s32 s10, $0x1;
	s10 =	sld [smem:$0x3FAB];
	_ =	sdelay $0x3  }
0x34: {  	[smem:$0x3FAB] =	sst s10  }
0x35: {  	s10 =	sld [smem:$0x3FAA];
	_ =	sdelay $0x3  }
0x36: {  	p1 =	seq.s32 s10, $0x1;
	s10 =	sld [smem:$0x3FAB];
	_ =	sdelay $0x3  }
0x37: {  	[smem:$0x3FAB] =	sst s10  }
0x38: {  	s10 =	sld [smem:$0x3FAC]  }
0x39: {  	_ = 	snop;
	(pc) =	sbr.ind lr, $3  }
0x3a: {  	_ = 	snop  }
0x3b: {  	_ = 	snop  }
0x3c: {  	p2 =	seq.s32 s10, $0x1;
	s10 =	sld [smem:$0x3FAB]  }
0x3d: {  	_ =	shalt  }
0x3e: {  	_ =	shalt  }
0x3f: {  	_ =	shalt  }
0x40: {  	_ =	shalt  }
0x41: {  	_ =	shalt  }
0x42: {  	_ =	shalt  }
0x43: {  	_ =	shalt  }
0x44: {  	_ =	shalt  }
0x45: {  	_ =	shalt  }
0x46: {  	_ =	shalt  }
0x47: {  	_ =	shalt  }
0x48: {  	_ =	shalt  }
0x49: {  	_ =	shalt  }
0x4a: {  	_ =	shalt  }
0x4b: {  	_ =	shalt  }
0x4c: {  	_ =	shalt  }
0x4d: {  	_ =	shalt  }
0x4e: {  	_ =	shalt  }
0x4f: {  	_ =	shalt  }
0x50: {  	_ =	shalt  }
0x51: {  	_ =	shalt  }
0x52: {  	_ =	shalt  }
0x53: {  	_ =	shalt  }
0x54: {  	_ =	shalt  }
0x55: {  	_ =	shalt  }
0x56: {  	_ =	shalt  }
0x57: {  	_ =	shalt  }
0x58: {  	_ =	shalt  }
0x59: {  	_ =	shalt  }
0x5a: {  	_ =	shalt  }
0x5b: {  	_ =	shalt  }
0x5c: {  	_ =	shalt  }
0x5d: {  	_ =	shalt  }
0x5e: {  	_ =	shalt  }
0x5f: {  	_ =	shalt  }
0x60: {  	_ =	shalt  }
0x61: {  	_ =	shalt  }
0x62: {  	_ =	shalt  }
0x63: {  	_ =	shalt  }
0x64: {  	_ =	shalt  }
0x65: {  	_ =	shalt  }
0x66: {  	_ =	shalt  }
0x67: {  	_ =	shalt  }
0x68: {  	_ =	shalt  }
0x69: {  	_ =	shalt  }
0x6a: {  	_ =	shalt  }
0x6b: {  	_ =	shalt  }
0x6c: {  	_ =	shalt  }
0x6d: {  	_ =	shalt  }
0x6e: {  	_ =	shalt  }
0x6f: {  	_ =	shalt  }
0x70: {  	_ =	shalt  }
0x71: {  	_ =	shalt  }
0x72: {  	_ =	shalt  }
0x73: {  	_ =	shalt  }
0x74: {  	_ =	shalt  }
0x75: {  	_ =	shalt  }
0x76: {  	_ =	shalt  }
0x77: {  	_ =	shalt  }
0x78: {  	_ =	shalt  }
0x79: {  	_ =	shalt  }
0x7a: {  	_ =	shalt  }
0x7b: {  	_ =	shalt  }
0x7c: {  	_ =	shalt  }
0x7d: {  	_ =	shalt  }
0x7e: {  	_ =	shalt  }
0x7f: {  	_ =	shalt  }
0x80: {  	_ =	shalt  }
0x81: {  	_ =	shalt  }
0x82: {  	_ =	shalt  }
0x83: {  	_ =	shalt  }
0x84: {  	_ =	shalt  }
0x85: {  	_ =	shalt  }
0x86: {  	_ =	shalt  }
0x87: {  	_ =	shalt  }
.Lfunc_end0:
.L_simem_size_0:
called_computation.1_lowered:
.L_overlay_start_0:
0x88: {  	s2 =	sld [smem:$0x3FD9]  }
0x89: {  	s3 =	sld [smem:$0x3FFE];
	_ =	sdelay $0x1  }
0x8a: {  	s1 =	srdreg.scid  }
0x8b: {  	s0 =	sand.u32 $0x1, s1  }
0x8c: {  	s16 =	sshll.u32 s0, $0xA;
	s2 =	sadd.s32 s3, s2  }
0x8d: {  	s2 =	sadd.s32 s2, s16  }
0x8e: {  	[smem:$0x3FB7] =	sst s2  }
0x8f: {  	_ = 	snop  }
0x90: {  	(tm) =	ssettm $0x1  }
0x91: {  	s17 =	sld [smem:$0x3FFB];
	_ =	sdelay $0x3  }
0x92: {  	_ =	strace s17  }
0x93: {  	s2 =	sld [smem:$0x3FFC];
	_ =	sdelay $0x3  }
0x94: {  	_ =	strace s2  }
0x95: {  	s2 =	sld [smem:$0x3FFD];
	_ =	sdelay $0x3  }
0x96: {  	_ =	strace s2  }
0x97: {  	_ =	strace $0x8FFFFFFF  }
0x98: {  	s18 =	sld [smem:$0x3FDB];
	_ =	sdelay $0x1  }
0x99: {  	s19 =	simm.s32 $_scs_section_size  }
0x9a: {  	s4 =	simm.s32 $_size__tile_overlayer_lowered;
	s5 =	simm.s32 $_tile_overlayer_lowered  }
0x9b: {  	s22 =	simm.s32 $0x1BFF;
	s21 =	sshll.u32 s5, $0x1;
	s2 =	sadd.s32 s19, s18  }
0x9c: {  	s6 =	simm.s32 $0x0;
	s20 =	sshll.u32 s4, $0x1;
	s4 =	sadd.s32 s21, s2  }
0x9d: {  	[timem:s6], [sflag:s22] =	dma.local [hbm:s4], s20  }
0x9e: {  	_ =	swait.ge [sflag:s22], s20  }
0x9f: {  	s3 =	ssub.s32 $0x0, s20;
	[sflag:s22] =	ssyncset.done $0x0  }
0xa0: {  	[sflag:s22] =	ssyncadd.s32 s3;
	_ =	sdelay $0x1  }
0xa1: {  	s23 =	simm.s32 $0x1B8B  }
0xa2: {  	_ =	swait.ge [sflag:s23], $0x1  }
0xa3: {  	[sflag:s23] =	ssyncset.done $0x0  }
0xa4: {  	s25 =	simm.s32 $0x1B8E;
	s24 =	sld [smem:$0x3FFE];
	[sflag:s23] =	ssyncadd.s32 $0xFFFFFFFF  }
0xa5: {  	s26 =	simm.s32 $execute0_lowered;
	[smem:$0x3FD2] =	sst s25  }
0xa6: {  	s4 =	sshll.u32 s26, $0x1;
	_ =	strace $0x80000046;
	[dreg:$0x1] =	wrdreg $0xFFFFFFFF  }
0xa7: {  	s28 =	simm.s32 $_size_execute0_lowered;
	s2 =	sadd.s32 s2, s4;
	[dreg:$0x0] =	wrdreg $0x0  }
0xa8: {  	s4 =	sshll.u32 s28, $0x1;
	[dreg:$0x2] =	wrdreg s2  }
0xa9: {  	[dreg:$0x3] =	wrdreg s4  }
0xaa: {  	[dreg:$0x4] =	wrdreg $0xC0  }
0xab: {  	_ =	task [dreg:s6], $0x5FFFF  }
0xac: {  	[dreg:$0x1] =	wrdreg $0xFFFFFFFF  }
0xad: {  	[dreg:$0x0] =	wrdreg $0x60  }
0xae: {  	[dreg:$0x2] =	wrdreg s24  }
0xaf: {  	[dreg:$0x3] =	wrdreg $0x7D000  }
0xb0: {  	[dreg:$0x4] =	wrdreg $0x9  }
0xb1: {  	_ =	task.clear_ibuf [dreg:s6], $0x5FFFF;
	_ =	strace $0x90000046  }
0xb2: {  	s29 =	simm.s32 $0x9;
	_ =	strace $0x80000048  }
0xb3: {  	_ =	swait.ge [sflag:s29], $0x1  }
0xb4: {  	[sflag:s29] =	ssyncadd.s32 $0xFFFFFFFF  }
0xb5: {  	_ =	strace $0x90000048  }
0xb6: {  	_ =	sfence  }
0xb7: {  	s30 =	sld [smem:$0x0];
	_ =	sdelay $0x2  }
0xb8: {  	s31 =	sshll.u32 s1, $0xD;
	s1 =	sshrl.u32 s1, $0x2  }
0xb9: {  	s3 =	sand.u32 $0x4000, s31;
	s1 =	sadd.s32 s1, s30  }
0xba: {  	s0 =	sor.u32 s3, s0;
	s1 =	sshll.u32 s1, $0x11  }
0xbb: {  	s0 =	sor.u32 s1, s0  }
0xbc: {  	s0 =	sadd.s32 $0x8F2B, s0  }
0xbd: {  	[sflag:s0] =	ssyncadd.remote.s32 $0x1  }
0xbe: {  	_ =	sfence.sel $0xFFFF  }
0xbf: {  	[dreg:$0x0] =	wrdreg $0xFFFFFFFF;
	(pc) =	sbr.abs _section_cstart, $3  }
0xc0: {  	[dreg:$0x1] =	wrdreg $0xFFFFFFFF  }
0xc1: {  	_ =	task.clear_ibuf [dreg:s6], $0x2FFFF;
	_ =	strace $0x9FFFFFFF  }
0xc2: {  	(tm) =	ssettm $0x7FFFFFFF  }
0xc3: {  	_ =	shalt  }
tec
execute0_lowered:
.L_overlay_start_1:
0x0: {  	(tag) =	ssettag $0x1  }
0x1: {  	s1 =	srdreg.scid  }
0x2: {  	s1 =	sand.u32 $0x1, s1  }
0x3: {  	p0 =	seq.s32 s1, $0x1  }
.Ltmp0:
0x4: {  	_ = 	snop;
	(pc) =	sbr.rel @p0 .LBB2_10-.Ltmp0, $4  }
0x5: {  	s3 =	rddreg [dreg:$0x0]  }
0x6: {  	s2 =	rddreg [dreg:$0x1];
	s4 =	simm.s32 $0x0  }
0x7: {  	[smem:$0x7FF] =	sst s4  }
0x8: {  	s0 =	rddreg [dreg:$0x2];
	_ =	strace $0x80000047;
	s1 =	stileid.u32  }
0x9: {  	s6 =	smul.u32 $0xA00, s1  }
0xa: {  	s5 =	smul.u32 $0x50, s1;
	s7 =	sadd.s32 $0x4A00, s3;
	s8 =	sshrl.u32 s1, $0x3  }
0xb: {  	s28 =	sshll.u32 s1, $0x7;
	s26 =	smul.u32 $0x50000, s8;
	s6 =	sadd.s32 s7, s6  }
0xc: {  	[tilespmem:s4], [sflag:$0x1] =	stream.linear.gather [hbm4b:s6+s4], $0x5000, $0x38;
	[tilespmem:$0xA500] =	vst v63  }
0xd: {  	s29 =	smul.u32 $0x5000, s1;
	s5 =	sadd.s32 s5, s3;
	s3 =	sshrl.u32 s26, $0x2  }
0xe: {  	s30 =	simm.s32 $0x1;
	s4 =	sand.u32 $0x380, s28;
	s3 =	sadd.s32 s3, s2  }
0xf: {  	s31 =	sshrl.u32 s29, $0x2;
	_ =	swait.ge [sflag:s30], $0x5000;
	s6 =	sadd.s32 s4, s3  }
0x10: {  	s3 =	sadd.s32 s31, s2;
	s2 =	sadd.s32 $0xEA00, s5;
	[sflag:s30] =	ssyncset.done $0x0  }
0x11: {  	v0 =	vimm.f32 $0.0e+00;
	s4 =	simm.s32 $0x40;
	s5 =	simm.s32 $0x0;
	[sflag:s30] =	ssyncadd.s32 $0xFFFFB000  }
.LBB2_2:
0x12: {  	p0 =	sne.s32 s4, $0x9FC0;
	[tilespmem:s5+$0x5000] =	vst v0;
	s5 =	smov.u32 s4;
	s4 =	sadd.s32 $0x40, s4  }
.Ltmp1:
0x13: {  	(pc) =	sbr.rel @p0 .LBB2_2-.Ltmp1, $2  }
0x14: {  	_ =	sdelay $0x2  }
0x15: {  	s5 =	sshra.s32 s5, $0x2  }
0x16: {  	[tilespmem:s5+$0x5000] =	vst v0;
	s4 =	simm.s32 $0x0;
	v0 =	vimm.f32 $1.000000000e+00;
	s5 =	simm.s32 $0x5000  }
.LBB2_4:
0x17: {  	s7 =	sshra.s32 s4, $0x2  }
0x18: {  	v1 =	vld [tilespmem:s7+$0x0];
	_ =	sdelay $0x7  }
0x19: {  	[tilespmem:v1+s5+$0x0] =	vst.idx.add.f32.msk $0xffff, v0  }
0x1a: {  	v1 =	vld [tilespmem:s7+$0x10];
	_ =	sdelay $0x7  }
0x1b: {  	[tilespmem:v1+s5+$0x0] =	vst.idx.add.f32.msk $0xffff, v0  }
0x1c: {  	v1 =	vld [tilespmem:s7+$0x20];
	_ =	sdelay $0x7  }
0x1d: {  	[tilespmem:v1+s5+$0x0] =	vst.idx.add.f32.msk $0xffff, v0  }
0x1e: {  	v1 =	vld [tilespmem:s7+$0x30];
	_ =	sdelay $0x7  }
0x1f: {  	[tilespmem:v1+s5+$0x0] =	vst.idx.add.f32.msk $0xffff, v0  }
0x20: {  	v1 =	vld [tilespmem:s7+$0x40];
	_ =	sdelay $0x7  }
0x21: {  	[tilespmem:v1+s5+$0x0] =	vst.idx.add.f32.msk $0xffff, v0  }
0x22: {  	v1 =	vld [tilespmem:s7+$0x50];
	_ =	sdelay $0x7  }
0x23: {  	[tilespmem:v1+s5+$0x0] =	vst.idx.add.f32.msk $0xffff, v0  }
0x24: {  	v1 =	vld [tilespmem:s7+$0x60];
	_ =	sdelay $0x7  }
0x25: {  	[tilespmem:v1+s5+$0x0] =	vst.idx.add.f32.msk $0xffff, v0  }
0x26: {  	v1 =	vld [tilespmem:s7+$0x70];
	_ =	sdelay $0x2  }
0x27: {  	p0 =	sne.s32 s4, $0x13E00  }
.Ltmp2:
0x28: {  	_ = 	snop;
	(pc) =	sbr.rel @p0 .LBB2_4-.Ltmp2, $2  }
0x29: {  	_ =	sdelay $0x2  }
0x2a: {  	s4 =	sadd.s32 $0x200, s4;
	[tilespmem:v1+s5+$0x0] =	vst.idx.add.f32.msk $0xffff, v0  }
0x2b: {  	s4 =	simm.s32 $0x80;
	s5 =	simm.s32 $0x400;
	s7 =	simm.s32 $0x5000  }
0x2c: {  	[spmem:s6] =	stream.strided.scatter [tilespmem:s7], [sflag:$0x1], $0x2800, s5, s4, $0x38;
	[tilespmem:$0xA500] =	vst v63  }
0x2d: {  	s6 =	simm.s32 $0x1  }
0x2e: {  	_ =	swait.ge [sflag:s6], $0x2800  }
0x2f: {  	[sflag:s6] =	ssyncset.done $0x0  }
0x30: {  	[sflag:s6] =	ssyncadd.s32 $0xFFFFD800  }
0x31: {  	v0 =	vimm.f32 $0.0e+00;
	[bflag:$0x0] =	sbarrier.arrive $0xFFFF  }
0x32: {  	[tilespmem:$0x7A80] =	vst v0  }
0x33: {  	[tilespmem:$0x7A90] =	vst v0  }
0x34: {  	[tilespmem:$0x7AA0] =	vst v0  }
0x35: {  	[tilespmem:$0x7AB0] =	vst v0  }
0x36: {  	[tilespmem:$0x7AC0] =	vst v0  }
0x37: {  	[tilespmem:$0x7AD0] =	vst v0  }
0x38: {  	[tilespmem:$0x7AE0] =	vst v0  }
0x39: {  	[tilespmem:$0x7AF0] =	vst v0  }
0x3a: {  	[tilespmem:$0x7B00] =	vst v0  }
0x3b: {  	[tilespmem:$0x7B10] =	vst v0  }
0x3c: {  	[tilespmem:$0x7B20] =	vst v0  }
0x3d: {  	[tilespmem:$0x7B30] =	vst v0  }
0x3e: {  	[tilespmem:$0x7B40] =	vst v0  }
0x3f: {  	[tilespmem:$0x7B50] =	vst v0  }
0x40: {  	[tilespmem:$0x7B60] =	vst v0  }
0x41: {  	[tilespmem:$0x7B70] =	vst v0  }
0x42: {  	[tilespmem:$0x7B80] =	vst v0  }
0x43: {  	[tilespmem:$0x7B90] =	vst v0  }
0x44: {  	[tilespmem:$0x7BA0] =	vst v0  }
0x45: {  	[tilespmem:$0x7BB0] =	vst v0  }
0x46: {  	[tilespmem:$0x7BC0] =	vst v0  }
0x47: {  	[tilespmem:$0x7BD0] =	vst v0  }
0x48: {  	[tilespmem:$0x7BE0] =	vst v0  }
0x49: {  	[tilespmem:$0x7BF0] =	vst v0  }
0x4a: {  	[tilespmem:$0x7C00] =	vst v0  }
0x4b: {  	[tilespmem:$0x7C10] =	vst v0  }
0x4c: {  	[tilespmem:$0x7C20] =	vst v0  }
0x4d: {  	[tilespmem:$0x7C30] =	vst v0  }
0x4e: {  	[tilespmem:$0x7C40] =	vst v0  }
0x4f: {  	[tilespmem:$0x7C50] =	vst v0  }
0x50: {  	[tilespmem:$0x7C60] =	vst v0  }
0x51: {  	[tilespmem:$0x7C70] =	vst v0  }
0x52: {  	[tilespmem:$0x7C80] =	vst v0  }
0x53: {  	[tilespmem:$0x7C90] =	vst v0  }
0x54: {  	[tilespmem:$0x7CA0] =	vst v0  }
0x55: {  	[tilespmem:$0x7CB0] =	vst v0  }
0x56: {  	[tilespmem:$0x7CC0] =	vst v0  }
0x57: {  	[tilespmem:$0x7CD0] =	vst v0  }
0x58: {  	[tilespmem:$0x7CE0] =	vst v0  }
0x59: {  	s8 =	simm.s32 $0x7800;
	s7 =	simm.s32 $0x0;
	[tilespmem:$0x7CF0] =	vst v0  }
.LBB2_6:
0x5a: {  	s9 =	sshrl.u32 s7, $0x3  }
0x5b: {  	s9 =	smul.u32 $0x50000, s9;
	_ =	sdelay $0x1  }
0x5c: {  	s10 =	sshll.u32 s7, $0x7;
	s9 =	sshra.s32 s9, $0x2  }
0x5d: {  	s10 =	sand.u32 $0x380, s10;
	s9 =	sadd.s32 s9, s3  }
0x5e: {  	s9 =	sadd.s32 s10, s9  }
0x5f: {  	[tilespmem:s8], [sflag:$0x1] =	stream.strided.gather [spmem:s9], $0x280, s5, s4, $0x38;
	[tilespmem:$0xA500] =	vst v63  }
0x60: {  	_ =	swait.ge [sflag:s6], $0x280  }
0x61: {  	[sflag:s6] =	ssyncset.done $0x0  }
0x62: {  	s9 =	simm.s32 $0x0;
	[sflag:s6] =	ssyncadd.s32 $0xFFFFFD80  }
0x63: {  	s10 =	simm.s32 $0x40;
	v0 =	vld [tilespmem:s9+$0x7800]  }
.LBB2_7:
0x64: {  	p0 =	sne.s32 s10, $0x9C0;
	v1 =	vld [tilespmem:s9+$0x7A80];
	_ =	sdelay $0x2  }
.Ltmp3:
0x65: {  	(pc) =	sbr.rel @p0 .LBB2_7-.Ltmp3, $4  }
0x66: {  	_ = 	snop  }
0x67: {  	v1 =	vadd.f32 v0, v1  }
0x68: {  	s11 =	sshra.s32 s10, $0x2  }
0x69: {  	s10 =	sadd.s32 $0x40, s10;
	v0 =	vld [tilespmem:s11+$0x7800];
	[tilespmem:s9+$0x7A80] =	vst v1;
	s9 =	smov.u32 s11  }
0x6a: {  	v1 =	vld [tilespmem:s9+$0x7A80]  }
0x6b: {  	s7 =	sadd.s32 $0x1, s7  }
0x6c: {  	p0 =	sne.s32 s7, $0x10  }
.Ltmp4:
0x6d: {  	_ = 	snop;
	(pc) =	sbr.rel @p0 .LBB2_6-.Ltmp4, $3  }
0x6e: {  	_ = 	snop  }
0x6f: {  	v0 =	vadd.f32 v0, v1;
	_ =	sdelay $0x1  }
0x70: {  	[tilespmem:s9+$0x7A80] =	vst v0  }
0x71: {  	s3 =	simm.s32 $0x0;
	s4 =	simm.s32 $0x7A80;
	s31 =	simm.s32 $0x1  }
0x72: {  	[hbm4b:s2+s3] =	stream.linear.scatter [tilespmem:s4], [sflag:$0x1], $0x280, $0x38;
	[tilespmem:$0xA500] =	vst v63  }
0x73: {  	_ =	swait.ge [sflag:s31], $0x280  }
0x74: {  	[sflag:s31] =	ssyncset.done $0x0  }
0x75: {  	[sflag:s31] =	ssyncadd.s32 $0xFFFFFD80  }
.LBB2_10:
0x76: {  	_ =	sfence.sel $0x180000  }
0x77: {  	[bflag:$0x0] =	sbarrier.arrive $0xFFFF  }
0x78: {  	p0 =	sne.s32 s1, $0x0;
	_ =	strace $0x90000047  }
0x79: {  	s0 =	sadd.s32 @!p0 $0x100000, s0;
	[bflag:$0x2] =	sbarrier.arrive $0xFFFF  }
0x7a: {  	[sflag:s0] =	ssyncadd.tile.s32 @!p0 $0x1;
	_ =	shalt  }
.Lfunc_end2:
_tile_overlayer_lowered:
.L_overlay_start_2:
0x7b: {  	(tag) =	ssettag $0x2  }
0x7c: {  	s0 =	rddreg [dreg:$0x0];
	s2 =	stileid.u32  }
0x7d: {  	s1 =	rddreg [dreg:$0x1];
	p0 =	sne.s32 s2, $0x0  }
0x7e: {  	s3 =	rddreg [dreg:$0x2];
	[bflag:$0x3] =	sbarrier.arrive $0xFFFF;
	s2 =	simm.s32 @!p0 $0x1C01  }
0x7f: {  	[timem:s3], [sflag:s2] =	dma.local @!p0 [hbm:s0], s1  }
0x80: {  	s0 =	simm.s32 @!p0 $0x1  }
0x81: {  	_ =	swait.ge @!p0 [sflag:s0], s1  }
0x82: {  	s1 =	ssub.s32 @!p0 $0x0, s1;
	[sflag:s0] =	ssyncset.done @!p0 $0x0  }
0x83: {  	[sflag:s0] =	ssyncadd.s32 @!p0 s1  }
0x84: {  	[bflag:$0x3] =	sbarrier.arrive $0xFFFF  }
0x85: {  	_ =	shalt  }

</sc_bundles>
